<compile_context>
chip_gen: v7x
topology: tpu7x:2x2x1
jax: 0.10.2.dev20260603
libtpu: 0.0.44.dev20260713+nightly
codegen_flags: <defaults>
</compile_context>

<pallas_src>
import functools

import jax
import jax.numpy as jnp
from jax import lax
from jax.experimental import pallas as pl
from jax.experimental.pallas import tpu as pltpu
from jax.experimental.pallas import tpu_sc as plsc

N = 10000
E = 320000
D = 128
H = 256
L = 5
G = 128
NC = 10

N_PAD = 10240
RB = 2048
NBLK = N_PAD // RB
NUM_SC = 2
NUM_TILES = 16
W_TILES = NUM_SC * NUM_TILES
E_TILE_CH = 79
E_TILE = E_TILE_CH * 128
E_PAD = W_TILES * E_TILE
ROWS_PER_TILE = N_PAD // NUM_TILES


def _onehot(ids, width):
  io = lax.broadcasted_iota(jnp.int32, (ids.shape[0], width), 1)
  return (ids[:, None] == io).astype(jnp.float32)



def _tc0_body(x_ref, b_ref, tab_ref, vn_ref, bond_ref, hv_ref, m_ref):
  xo = _onehot(x_ref[0, 0, :], 128)
  h = jnp.dot(xo, tab_ref[...], preferred_element_type=jnp.float32)
  bo = _onehot(b_ref[0, 0, :], G)
  hv = h + jnp.dot(bo, vn_ref[...], preferred_element_type=jnp.float32)
  hv_ref[...] = hv
  for a in range(4):
    m_ref[a] = jnp.maximum(hv + bond_ref[a][None, :], 0.0)


def _tc0(x3, batch3, tab, vn0, bond, interpret=False):
  return pl.pallas_call(
      _tc0_body,
      grid=(NBLK,),
      in_specs=[
          pl.BlockSpec((1, 1, RB), lambda i: (i, 0, 0)),
          pl.BlockSpec((1, 1, RB), lambda i: (i, 0, 0)),
          pl.BlockSpec((128, D), lambda i: (0, 0)),
          pl.BlockSpec((G, D), lambda i: (0, 0)),
          pl.BlockSpec((8, D), lambda i: (0, 0)),
      ],
      out_specs=[
          pl.BlockSpec((RB, D), lambda i: (i, 0)),
          pl.BlockSpec((4, RB, D), lambda i: (0, i, 0)),
      ],
      out_shape=[
          jax.ShapeDtypeStruct((N_PAD, D), jnp.float32),
          jax.ShapeDtypeStruct((4, N_PAD, D), jnp.float32),
      ],
      interpret=interpret,
  )(x3, batch3, tab, vn0, bond)


def _tc1_body(hv_ref, p_ref, b_ref, vn_ref, eps_ref, w1_ref, c1_ref, w2_ref,
              c2_ref, vw1_ref, vc1_ref, vw2_ref, vc2_ref,
              hnew_ref, vnnew_ref, s_ref):
  i = pl.program_id(0)

  @pl.when(i == 0)
  def _():
    s_ref[...] = jnp.zeros_like(s_ref)

  hv = hv_ref[...]
  z = eps_ref[0, 0] * hv + p_ref[0] + p_ref[1]
  t = jnp.maximum(
      jnp.dot(z, w1_ref[...], preferred_element_type=jnp.float32)
      + c1_ref[...], 0.0)
  zn = jnp.dot(t, w2_ref[...], preferred_element_type=jnp.float32) + c2_ref[...]
  hnew_ref[...] = jnp.maximum(zn, 0.0)
  bo = _onehot(b_ref[0, 0, :], G)
  s_ref[...] += lax.dot_general(bo, hv, (((0,), (0,)), ((), ())),
                                preferred_element_type=jnp.float32)

  @pl.when(i == NBLK - 1)
  def _():
    vt = s_ref[...] + vn_ref[...]
    vt = jnp.maximum(
        jnp.dot(vt, vw1_ref[...], preferred_element_type=jnp.float32)
        + vc1_ref[...], 0.0)
    vt = jnp.maximum(
        jnp.dot(vt, vw2_ref[...], preferred_element_type=jnp.float32)
        + vc2_ref[...], 0.0)
    vnnew_ref[...] = vt


def _tc1(hv, partials, batch3, vn, epsb, w1, c1, w2, c2, vw1, vc1, vw2, vc2,
         interpret=False):
  full = lambda shape: pl.BlockSpec(shape, lambda i: tuple(0 for _ in shape))
  return pl.pallas_call(
      _tc1_body,
      grid=(NBLK,),
      in_specs=[
          pl.BlockSpec((RB, D), lambda i: (i, 0)),
          pl.BlockSpec((2, RB, D), lambda i: (0, i, 0)),
          pl.BlockSpec((1, 1, RB), lambda i: (i, 0, 0)),
          full((G, D)), full((1, 128)),
          full((D, H)), full((1, H)), full((H, D)), full((1, D)),
          full((D, H)), full((1, H)), full((H, D)), full((1, D)),
      ],
      out_specs=[
          pl.BlockSpec((RB, D), lambda i: (i, 0)),
          pl.BlockSpec((G, D), lambda i: (0, 0)),
      ],
      out_shape=[
          jax.ShapeDtypeStruct((N_PAD, D), jnp.float32),
          jax.ShapeDtypeStruct((G, D), jnp.float32),
      ],
      scratch_shapes=[pltpu.VMEM((G, D), jnp.float32)],
      interpret=interpret,
  )(hv, partials, batch3, vn, epsb, w1, c1, w2, c2, vw1, vc1, vw2, vc2)


def _tc2_body(h_ref, b_ref, vn_ref, bond_ref, hv_ref, m_ref):
  bo = _onehot(b_ref[0, 0, :], G)
  hv = h_ref[...] + jnp.dot(bo, vn_ref[...], preferred_element_type=jnp.float32)
  hv_ref[...] = hv
  for a in range(4):
    m_ref[a] = jnp.maximum(hv + bond_ref[a][None, :], 0.0)


def _tc2(h, batch3, vn, bond, interpret=False):
  return pl.pallas_call(
      _tc2_body,
      grid=(NBLK,),
      in_specs=[
          pl.BlockSpec((RB, D), lambda i: (i, 0)),
          pl.BlockSpec((1, 1, RB), lambda i: (i, 0, 0)),
          pl.BlockSpec((G, D), lambda i: (0, 0)),
          pl.BlockSpec((8, D), lambda i: (0, 0)),
      ],
      out_specs=[
          pl.BlockSpec((RB, D), lambda i: (i, 0)),
          pl.BlockSpec((4, RB, D), lambda i: (0, i, 0)),
      ],
      out_shape=[
          jax.ShapeDtypeStruct((N_PAD, D), jnp.float32),
          jax.ShapeDtypeStruct((4, N_PAD, D), jnp.float32),
      ],
      interpret=interpret,
  )(h, batch3, vn, bond)


def _tcf_body(hv_ref, p_ref, b_ref, eps_ref, w1_ref, c1_ref, w2_ref, c2_ref,
              pw_ref, pb_ref, out_ref, s_ref, cnt_ref):
  i = pl.program_id(0)

  @pl.when(i == 0)
  def _():
    s_ref[...] = jnp.zeros_like(s_ref)
    cnt_ref[...] = jnp.zeros_like(cnt_ref)

  hv = hv_ref[...]
  z = eps_ref[0, 0] * hv + p_ref[0] + p_ref[1]
  t = jnp.maximum(
      jnp.dot(z, w1_ref[...], preferred_element_type=jnp.float32)
      + c1_ref[...], 0.0)
  zn = jnp.dot(t, w2_ref[...], preferred_element_type=jnp.float32) + c2_ref[...]
  bo = _onehot(b_ref[0, 0, :], G)
  s_ref[...] += lax.dot_general(bo, zn, (((0,), (0,)), ((), ())),
                                preferred_element_type=jnp.float32)
  cnt_ref[...] += jnp.sum(bo, axis=0, keepdims=True)

  @pl.when(i == NBLK - 1)
  def _():
    rc = 1.0 / jnp.maximum(cnt_ref[...], 1.0)
    eye = (lax.broadcasted_iota(jnp.int32, (G, G), 0)
           == lax.broadcasted_iota(jnp.int32, (G, G), 1)).astype(jnp.float32)
    dinv = eye * rc
    hg = jnp.dot(dinv, s_ref[...], preferred_element_type=jnp.float32)
    out_ref[...] = (jnp.dot(hg, pw_ref[...], preferred_element_type=jnp.float32)
                    + pb_ref[...])


def _tcf(hv, partials, batch3, epsb, w1, c1, w2, c2, pw, pb, interpret=False):
  full = lambda shape: pl.BlockSpec(shape, lambda i: tuple(0 for _ in shape))
  return pl.pallas_call(
      _tcf_body,
      grid=(NBLK,),
      in_specs=[
          pl.BlockSpec((RB, D), lambda i: (i, 0)),
          pl.BlockSpec((2, RB, D), lambda i: (0, i, 0)),
          pl.BlockSpec((1, 1, RB), lambda i: (i, 0, 0)),
          full((1, 128)),
          full((D, H)), full((1, H)), full((H, D)), full((1, D)),
          full((D, 128)), full((1, 128)),
      ],
      out_specs=pl.BlockSpec((G, 128), lambda i: (0, 0)),
      out_shape=jax.ShapeDtypeStruct((G, 128), jnp.float32),
      scratch_shapes=[pltpu.VMEM((G, D), jnp.float32),
                      pltpu.VMEM((1, G), jnp.float32)],
      interpret=interpret,
  )(hv, partials, batch3, epsb, w1, c1, w2, c2, pw, pb)



def _sc_body(m_hbm, gidx_hbm, dst_hbm, zero_hbm, out_hbm,
             gidx_v, dst_v, gbuf, acc, sem):
  c = lax.axis_index("c")
  s = lax.axis_index("s")
  w = c * NUM_TILES + s
  pltpu.sync_copy(gidx_hbm.at[w], gidx_v)
  pltpu.sync_copy(dst_hbm.at[w], dst_v)
  pltpu.sync_copy(zero_hbm, acc.at[pl.ds(s * ROWS_PER_TILE, ROWS_PER_TILE)])
  plsc.subcore_barrier()

  def body(j, carry):
    pltpu.async_copy(m_hbm.at[gidx_v.at[j]], gbuf, sem).wait()
    pltpu.sync_copy(gbuf, acc.at[dst_v.at[j]], add=True)
    return carry

  lax.fori_loop(0, E_TILE_CH, body, 0)
  plsc.subcore_barrier()
  pltpu.sync_copy(acc.at[pl.ds(s * ROWS_PER_TILE, ROWS_PER_TILE)],
                  out_hbm.at[c, pl.ds(s * ROWS_PER_TILE, ROWS_PER_TILE)])


@functools.cache
def _make_sc_aggr():
  return pl.kernel(
      _sc_body,
      out_type=jax.ShapeDtypeStruct((NUM_SC, N_PAD, D), jnp.float32),
      mesh=plsc.VectorSubcoreMesh(core_axis_name="c", subcore_axis_name="s",
                                  num_cores=NUM_SC, num_subcores=NUM_TILES),
      scratch_types=[
          pltpu.VMEM((E_TILE_CH, 128), jnp.int32),
          pltpu.VMEM((E_TILE_CH, 128), jnp.int32),
          pltpu.VMEM((128, D), jnp.float32),
          pltpu.VMEM_SHARED((N_PAD, D), jnp.float32),
          pltpu.SemaphoreType.DMA,
      ],
  )


def _sc_aggr(m_flat, gidx_p, dst_p, zero_rows):
  return _make_sc_aggr()(m_flat, gidx_p, dst_p, zero_rows)



def kernel(x, edge_index, edge_attr, batch, node_table, bond_tables, eps,
           mlp_W1, mlp_b1, mlp_bn_g, mlp_bn_b, mlp_bn_m, mlp_bn_v, mlp_W2,
           mlp_b2, bn_g, bn_b, bn_m, bn_v, vn_init,
           vn_W1, vn_b1, vn_bn1_g, vn_bn1_b, vn_bn1_m, vn_bn1_v,
           vn_W2, vn_b2, vn_bn2_g, vn_bn2_b, vn_bn2_m, vn_bn2_v,
           pred_W, pred_b):
  f32 = jnp.float32

  a1 = mlp_bn_g / jnp.sqrt(mlp_bn_v + 1e-5)
  w1f = mlp_W1 * a1[:, None, :]
  c1f = mlp_b1 * a1 + mlp_bn_b - mlp_bn_m * a1
  a2 = bn_g / jnp.sqrt(bn_v + 1e-5)
  w2f = mlp_W2 * a2[:, None, :]
  c2f = mlp_b2 * a2 + bn_b - bn_m * a2
  va1 = vn_bn1_g / jnp.sqrt(vn_bn1_v + 1e-5)
  vw1f = vn_W1 * va1[:, None, :]
  vc1f = vn_b1 * va1 + vn_bn1_b - vn_bn1_m * va1
  va2 = vn_bn2_g / jnp.sqrt(vn_bn2_v + 1e-5)
  vw2f = vn_W2 * va2[:, None, :]
  vc2f = vn_b2 * va2 + vn_bn2_b - vn_bn2_m * va2
  epsb = jnp.broadcast_to((1.0 + eps)[:, None, None], (L, 1, 128))

  tab = jnp.zeros((128, D), f32).at[:node_table.shape[0]].set(node_table)
  bond = jnp.zeros((L, 8, D), f32).at[:, :4].set(bond_tables)
  pw = jnp.zeros((D, 128), f32).at[:, :NC].set(pred_W)
  pb = jnp.zeros((1, 128), f32).at[0, :NC].set(pred_b)
  vn = jnp.broadcast_to(vn_init[None, :], (G, D))

  xi = x.astype(jnp.int32)
  bi = batch.astype(jnp.int32)
  x3 = jnp.full((N_PAD,), 127, jnp.int32).at[:N].set(xi).reshape(NBLK, 1, RB)
  batch3 = jnp.full((N_PAD,), G, jnp.int32).at[:N].set(bi).reshape(NBLK, 1, RB)
  src = edge_index[0].astype(jnp.int32)
  dst = edge_index[1].astype(jnp.int32)
  gidx = edge_attr.astype(jnp.int32) * N_PAD + src
  gidx_p = jnp.zeros((E_PAD,), jnp.int32).at[:E].set(gidx)
  gidx_p = gidx_p.reshape(W_TILES, E_TILE_CH, 128)
  dst_p = jnp.full((E_PAD,), N, jnp.int32).at[:E].set(dst)
  dst_p = dst_p.reshape(W_TILES, E_TILE_CH, 128)
  zero_rows = jnp.zeros((ROWS_PER_TILE, D), f32)

  hv, m = _tc0(x3, batch3, tab, vn, bond[0])
  out = None
  for l in range(L):
    partials = _sc_aggr(m.reshape(4 * N_PAD, D), gidx_p, dst_p, zero_rows)
    if l < L - 1:
      h_new, vn = _tc1(hv, partials, batch3, vn, epsb[l],
                       w1f[l], c1f[l:l + 1], w2f[l], c2f[l:l + 1],
                       vw1f[l], vc1f[l:l + 1], vw2f[l], vc2f[l:l + 1])
      hv, m = _tc2(h_new, batch3, vn, bond[l + 1])
    else:
      out = _tcf(hv, partials, batch3, epsb[l],
                 w1f[l], c1f[l:l + 1], w2f[l], c2f[l:l + 1], pw, pb)
  return out[:, :NC]

# --- scband reference (transcript-rebuilt; emitter-appended) ---
"""Pipeline reference for scband-gnn-76158360093120 (READ-ONLY COPY).

The authoritative reference and input builder live on the scoring server;
editing this copy changes nothing except your own understanding.
"""

import jax, jax.numpy as jnp
import numpy as np

N = 10000
E = 320000
D = 128
H = 256
L = 5
G = 128
NC = 10
NATOM = 119
NBOND = 4


def _bn(x, g, b, m, v):
    return (x - m) / jnp.sqrt(v + 1e-5) * g + b


def setup_inputs(seed: int = 0) -> dict:
    key = jax.random.key(seed)
    ks = jax.random.split(key, 16)
    s = 0.05
    inp = {}
    inp["x"] = jax.random.randint(ks[0], (N,), 0, NATOM)
    inp["edge_index"] = jax.random.randint(ks[1], (2, E), 0, N)
    inp["edge_attr"] = jax.random.randint(ks[2], (E,), 0, NBOND)
    inp["batch"] = jnp.sort(jax.random.randint(ks[3], (N,), 0, G))
    inp["node_table"] = jax.random.normal(ks[4], (NATOM, D), dtype=jnp.float32) * s
    inp["bond_tables"] = jax.random.normal(ks[5], (L, NBOND, D), dtype=jnp.float32) * s
    inp["eps"] = jnp.zeros((L,), dtype=jnp.float32)
    inp["mlp_W1"] = jax.random.normal(ks[6], (L, D, H), dtype=jnp.float32) * s
    inp["mlp_b1"] = jnp.zeros((L, H), dtype=jnp.float32)
    inp["mlp_bn_g"] = jnp.ones((L, H), dtype=jnp.float32)
    inp["mlp_bn_b"] = jnp.zeros((L, H), dtype=jnp.float32)
    inp["mlp_bn_m"] = jax.random.normal(ks[7], (L, H), dtype=jnp.float32) * 0.01
    inp["mlp_bn_v"] = jax.random.uniform(ks[8], (L, H), minval=0.5, maxval=1.5, dtype=jnp.float32)
    inp["mlp_W2"] = jax.random.normal(ks[9], (L, H, D), dtype=jnp.float32) * s
    inp["mlp_b2"] = jnp.zeros((L, D), dtype=jnp.float32)
    inp["bn_g"] = jnp.ones((L, D), dtype=jnp.float32)
    inp["bn_b"] = jnp.zeros((L, D), dtype=jnp.float32)
    inp["bn_m"] = jax.random.normal(ks[10], (L, D), dtype=jnp.float32) * 0.01
    inp["bn_v"] = jax.random.uniform(ks[11], (L, D), minval=0.5, maxval=1.5, dtype=jnp.float32)
    inp["vn_init"] = jnp.zeros((D,), dtype=jnp.float32)
    inp["vn_W1"] = jax.random.normal(ks[12], (L - 1, D, H), dtype=jnp.float32) * s
    inp["vn_b1"] = jnp.zeros((L - 1, H), dtype=jnp.float32)
    inp["vn_bn1_g"] = jnp.ones((L - 1, H), dtype=jnp.float32)
    inp["vn_bn1_b"] = jnp.zeros((L - 1, H), dtype=jnp.float32)
    inp["vn_bn1_m"] = jnp.zeros((L - 1, H), dtype=jnp.float32)
    inp["vn_bn1_v"] = jnp.ones((L - 1, H), dtype=jnp.float32)
    inp["vn_W2"] = jax.random.normal(ks[13], (L - 1, H, D), dtype=jnp.float32) * s
    inp["vn_b2"] = jnp.zeros((L - 1, D), dtype=jnp.float32)
    inp["vn_bn2_g"] = jnp.ones((L - 1, D), dtype=jnp.float32)
    inp["vn_bn2_b"] = jnp.zeros((L - 1, D), dtype=jnp.float32)
    inp["vn_bn2_m"] = jnp.zeros((L - 1, D), dtype=jnp.float32)
    inp["vn_bn2_v"] = jnp.ones((L - 1, D), dtype=jnp.float32)
    inp["pred_W"] = jax.random.normal(ks[14], (D, NC), dtype=jnp.float32) * s
    inp["pred_b"] = jnp.zeros((NC,), dtype=jnp.float32)
    return inp


def reference(x, edge_index, edge_attr, batch, node_table, bond_tables, eps,
              mlp_W1, mlp_b1, mlp_bn_g, mlp_bn_b, mlp_bn_m, mlp_bn_v, mlp_W2, mlp_b2,
              bn_g, bn_b, bn_m, bn_v, vn_init,
              vn_W1, vn_b1, vn_bn1_g, vn_bn1_b, vn_bn1_m, vn_bn1_v,
              vn_W2, vn_b2, vn_bn2_g, vn_bn2_b, vn_bn2_m, vn_bn2_v,
              pred_W, pred_b):
    src = edge_index[0]
    dst = edge_index[1]
    # node encoder (embedding lookup)
    h = node_table[x]
    # virtual node embedding, initialized from learned (zero-init) param, one per graph
    vn = jnp.broadcast_to(vn_init[None, :], (G, D))
    for l in range(L):
        # add virtual node message to every node of its graph
        h = h + vn[batch]
        h_in = h
        # GINConv with edge (bond) embeddings: aggr = sum_j relu(h_j + e_ij)
        e = bond_tables[l][edge_attr]
        msg = jax.nn.relu(h[src] + e)
        aggr = jax.ops.segment_sum(msg, dst, num_segments=N)
        z = (1.0 + eps[l]) * h + aggr
        # GIN MLP: Linear -> BN -> ReLU -> Linear
        z = z @ mlp_W1[l] + mlp_b1[l]
        z = _bn(z, mlp_bn_g[l], mlp_bn_b[l], mlp_bn_m[l], mlp_bn_v[l])
        z = jax.nn.relu(z)
        z = z @ mlp_W2[l] + mlp_b2[l]
        # post-conv BatchNorm (eval mode)
        z = _bn(z, bn_g[l], bn_b[l], bn_m[l], bn_v[l])
        if l < L - 1:
            z = jax.nn.relu(z)
        h = z
        # virtual node update (all layers except the last)
        if l < L - 1:
            vt = jax.ops.segment_sum(h_in, batch, num_segments=G) + vn
            vt = vt @ vn_W1[l] + vn_b1[l]
            vt = _bn(vt, vn_bn1_g[l], vn_bn1_b[l], vn_bn1_m[l], vn_bn1_v[l])
            vt = jax.nn.relu(vt)
            vt = vt @ vn_W2[l] + vn_b2[l]
            vt = _bn(vt, vn_bn2_g[l], vn_bn2_b[l], vn_bn2_m[l], vn_bn2_v[l])
            vt = jax.nn.relu(vt)
            vn = vt
    # global mean pool over graphs
    counts = jax.ops.segment_sum(jnp.ones((N,), dtype=jnp.float32), batch, num_segments=G)
    hg = jax.ops.segment_sum(h, batch, num_segments=G) / jnp.maximum(counts, 1.0)[:, None]
    # graph prediction head
    return hg @ pred_W + pred_b

if __name__ == "__main__":
    import jax
    _d = setup_inputs()
    print(jax.jit(kernel)(*tuple(_d.values())))

</pallas_src>

<mosaic_0001>
#map = affine_map<(d0, d1) -> (0, 0)>
#map1 = affine_map<(d0, d1) -> (0, 0, 0)>
module attributes {stable_mosaic.version = 14 : i64} {
  func.func @_sc_body(%arg0: i32, %arg1: i32, %arg2: memref<40960x128xf32, #tpu.memory_space<hbm>>, %arg3: memref<32x79x128xi32, #tpu.memory_space<hbm>>, %arg4: memref<32x79x128xi32, #tpu.memory_space<hbm>>, %arg5: memref<640x128xf32, #tpu.memory_space<hbm>>, %arg6: memref<2x10240x128xf32, #tpu.memory_space<hbm>>, %arg7: memref<79x128xi32, #tpu.memory_space<vmem>>, %arg8: memref<79x128xi32, #tpu.memory_space<vmem>>, %arg9: memref<128x128xf32, #tpu.memory_space<vmem>>, %arg10: memref<10240x128xf32, #tpu.memory_space<vmem_shared>>, %arg11: memref<!tpu.dma_semaphore, #tpu.memory_space<semaphore_mem>>) attributes {dimension_semantics = [#tpu.dimension_semantics<core_parallel>, #tpu.dimension_semantics<subcore_parallel>], iteration_bounds = array<i64: 2, 16>, scalar_prefetch = 0 : i64, scratch_operands = 5 : i64, tpu.core_type = #tpu.core_type<sc_vector_subcore>, window_params = [{transform_indices = #map}, {transform_indices = #map1}, {transform_indices = #map1}, {transform_indices = #map}, {transform_indices = #map1}]} {
    %mul3A = arith.constant 16 : i32
    %mul3A_0 = arith.muli %arg0, %mul3A : i32
    %add3A = arith.addi %mul3A_0, %arg1 : i32
    "tpu.region"() ({
      %run_scoped3A = tpu.sem_alloc : memref<!tpu.dma_semaphore, #tpu.memory_space<semaphore_mem>>
      %dma_start3A = arith.constant 0 : i32
      %dma_start3A_13 = arith.constant 0 : i32
      %dma_start3A_14 = tpu.memref_slice %arg3[%add3A, %dma_start3A, %dma_start3A_13] : memref<32x79x128xi32, #tpu.memory_space<hbm>> -> memref<1x79x128xi32, #tpu.memory_space<hbm>>
      %dma_start3A_15 = tpu.memref_squeeze %dma_start3A_14 : memref<1x79x128xi32, #tpu.memory_space<hbm>> -> memref<79x128xi32, #tpu.memory_space<hbm>>
      %dma_start3A_16 = arith.constant 0 : i32
      %dma_start3A_17 = arith.constant 0 : i32
      %dma_start3A_18 = tpu.memref_slice %arg3[%add3A, %dma_start3A_16, %dma_start3A_17] : memref<32x79x128xi32, #tpu.memory_space<hbm>> -> memref<1x79x128xi32, #tpu.memory_space<hbm>>
      %dma_start3A_19 = tpu.memref_squeeze %dma_start3A_18 : memref<1x79x128xi32, #tpu.memory_space<hbm>> -> memref<79x128xi32, #tpu.memory_space<hbm>>
      tpu.enqueue_dma source(%dma_start3A_19 : memref<79x128xi32, #tpu.memory_space<hbm>>) target(%arg7 : memref<79x128xi32, #tpu.memory_space<vmem>>) target_semaphore(%run_scoped3A : memref<!tpu.dma_semaphore, #tpu.memory_space<semaphore_mem>>)
      %dma_wait3A = arith.constant 0 : i32
      %dma_wait3A_20 = arith.constant 0 : i32
      %dma_wait3A_21 = tpu.memref_slice %arg3[%add3A, %dma_wait3A, %dma_wait3A_20] : memref<32x79x128xi32, #tpu.memory_space<hbm>> -> memref<1x79x128xi32, #tpu.memory_space<hbm>>
      %dma_wait3A_22 = tpu.memref_squeeze %dma_wait3A_21 : memref<1x79x128xi32, #tpu.memory_space<hbm>> -> memref<79x128xi32, #tpu.memory_space<hbm>>
      %dma_wait3A_23 = arith.constant 0 : i32
      %dma_wait3A_24 = arith.constant 0 : i32
      %dma_wait3A_25 = tpu.memref_slice %arg3[%add3A, %dma_wait3A_23, %dma_wait3A_24] : memref<32x79x128xi32, #tpu.memory_space<hbm>> -> memref<1x79x128xi32, #tpu.memory_space<hbm>>
      %dma_wait3A_26 = tpu.memref_squeeze %dma_wait3A_25 : memref<1x79x128xi32, #tpu.memory_space<hbm>> -> memref<79x128xi32, #tpu.memory_space<hbm>>
      tpu.wait_dma2 semaphore(%run_scoped3A : memref<!tpu.dma_semaphore, #tpu.memory_space<semaphore_mem>>) src(%dma_wait3A_26 : memref<79x128xi32, #tpu.memory_space<hbm>>) dst(%arg7 : memref<79x128xi32, #tpu.memory_space<vmem>>)
      tpu.yield
    }) : () -> ()
    "tpu.region"() ({
      %run_scoped3A = tpu.sem_alloc : memref<!tpu.dma_semaphore, #tpu.memory_space<semaphore_mem>>
      %dma_start3A = arith.constant 0 : i32
      %dma_start3A_13 = arith.constant 0 : i32
      %dma_start3A_14 = tpu.memref_slice %arg4[%add3A, %dma_start3A, %dma_start3A_13] : memref<32x79x128xi32, #tpu.memory_space<hbm>> -> memref<1x79x128xi32, #tpu.memory_space<hbm>>
      %dma_start3A_15 = tpu.memref_squeeze %dma_start3A_14 : memref<1x79x128xi32, #tpu.memory_space<hbm>> -> memref<79x128xi32, #tpu.memory_space<hbm>>
      %dma_start3A_16 = arith.constant 0 : i32
      %dma_start3A_17 = arith.constant 0 : i32
      %dma_start3A_18 = tpu.memref_slice %arg4[%add3A, %dma_start3A_16, %dma_start3A_17] : memref<32x79x128xi32, #tpu.memory_space<hbm>> -> memref<1x79x128xi32, #tpu.memory_space<hbm>>
      %dma_start3A_19 = tpu.memref_squeeze %dma_start3A_18 : memref<1x79x128xi32, #tpu.memory_space<hbm>> -> memref<79x128xi32, #tpu.memory_space<hbm>>
      tpu.enqueue_dma source(%dma_start3A_19 : memref<79x128xi32, #tpu.memory_space<hbm>>) target(%arg8 : memref<79x128xi32, #tpu.memory_space<vmem>>) target_semaphore(%run_scoped3A : memref<!tpu.dma_semaphore, #tpu.memory_space<semaphore_mem>>)
      %dma_wait3A = arith.constant 0 : i32
      %dma_wait3A_20 = arith.constant 0 : i32
      %dma_wait3A_21 = tpu.memref_slice %arg4[%add3A, %dma_wait3A, %dma_wait3A_20] : memref<32x79x128xi32, #tpu.memory_space<hbm>> -> memref<1x79x128xi32, #tpu.memory_space<hbm>>
      %dma_wait3A_22 = tpu.memref_squeeze %dma_wait3A_21 : memref<1x79x128xi32, #tpu.memory_space<hbm>> -> memref<79x128xi32, #tpu.memory_space<hbm>>
      %dma_wait3A_23 = arith.constant 0 : i32
      %dma_wait3A_24 = arith.constant 0 : i32
      %dma_wait3A_25 = tpu.memref_slice %arg4[%add3A, %dma_wait3A_23, %dma_wait3A_24] : memref<32x79x128xi32, #tpu.memory_space<hbm>> -> memref<1x79x128xi32, #tpu.memory_space<hbm>>
      %dma_wait3A_26 = tpu.memref_squeeze %dma_wait3A_25 : memref<1x79x128xi32, #tpu.memory_space<hbm>> -> memref<79x128xi32, #tpu.memory_space<hbm>>
      tpu.wait_dma2 semaphore(%run_scoped3A : memref<!tpu.dma_semaphore, #tpu.memory_space<semaphore_mem>>) src(%dma_wait3A_26 : memref<79x128xi32, #tpu.memory_space<hbm>>) dst(%arg8 : memref<79x128xi32, #tpu.memory_space<vmem>>)
      tpu.yield
    }) : () -> ()
    %mul3A_1 = arith.constant 640 : i32
    %mul3A_2 = arith.muli %arg1, %mul3A_1 : i32
    "tpu.region"() ({
      %run_scoped3A = tpu.sem_alloc : memref<!tpu.dma_semaphore, #tpu.memory_space<semaphore_mem>>
      %dma_start3A = arith.constant 0 : i32
      %dma_start3A_13 = tpu.memref_slice %arg10[%mul3A_2, %dma_start3A] : memref<10240x128xf32, #tpu.memory_space<vmem_shared>> -> memref<640x128xf32, #tpu.memory_space<vmem_shared>>
      tpu.enqueue_dma source(%arg5 : memref<640x128xf32, #tpu.memory_space<hbm>>) target(%dma_start3A_13 : memref<640x128xf32, #tpu.memory_space<vmem_shared>>) target_semaphore(%run_scoped3A : memref<!tpu.dma_semaphore, #tpu.memory_space<semaphore_mem>>)
      %dma_wait3A = arith.constant 0 : i32
      %dma_wait3A_14 = tpu.memref_slice %arg10[%mul3A_2, %dma_wait3A] : memref<10240x128xf32, #tpu.memory_space<vmem_shared>> -> memref<640x128xf32, #tpu.memory_space<vmem_shared>>
      tpu.wait_dma2 semaphore(%run_scoped3A : memref<!tpu.dma_semaphore, #tpu.memory_space<semaphore_mem>>) src(%arg5 : memref<640x128xf32, #tpu.memory_space<hbm>>) dst(%dma_wait3A_14 : memref<640x128xf32, #tpu.memory_space<vmem_shared>>)
      tpu.yield
    }) : () -> ()
    %barrier3A = arith.constant 0 : index
    tpu.barrier barrier_id(%barrier3A)
    %scan3A = arith.constant 0 : i32
    %scan3A_3 = arith.constant 0 : i32
    %scan3A_4 = arith.constant 79 : i32
    %scan3A_5 = arith.addi %scan3A_3, %scan3A_4 : i32
    %scan3A_6 = arith.constant 1 : i32
    scf.for %scan3A_13 = %scan3A_3 to %scan3A_5 step %scan3A_6  : i32 {
      %dma_start3A = arith.constant 0 : i32
      %dma_start3A_14 = tpu.memref_slice %arg7[%scan3A_13, %dma_start3A] : memref<79x128xi32, #tpu.memory_space<vmem>> -> memref<1x128xi32, #tpu.memory_space<vmem>>
      %dma_start3A_15 = tpu.memref_squeeze %dma_start3A_14 : memref<1x128xi32, #tpu.memory_space<vmem>> -> memref<128xi32, #tpu.memory_space<vmem>>
      %dma_start3A_16 = arith.constant 0 : i32
      %dma_start3A_17 = arith.constant 0 : i32
      %dma_start3A_18 = tpu.memref_slice %arg2[%dma_start3A_16, %dma_start3A_17] : memref<40960x128xf32, #tpu.memory_space<hbm>> -> memref<40960x128xf32, #tpu.memory_space<hbm>>
      tpu.enqueue_indirect_dma source(%dma_start3A_18 : memref<40960x128xf32, #tpu.memory_space<hbm>>) target(%arg9 : memref<128x128xf32, #tpu.memory_space<vmem>>) offsets(%dma_start3A_15 : memref<128xi32, #tpu.memory_space<vmem>>) semaphore(%arg11 : memref<!tpu.dma_semaphore, #tpu.memory_space<semaphore_mem>>)
      %dma_wait3A = arith.constant 0 : i32
      %dma_wait3A_19 = tpu.memref_slice %arg7[%scan3A_13, %dma_wait3A] : memref<79x128xi32, #tpu.memory_space<vmem>> -> memref<1x128xi32, #tpu.memory_space<vmem>>
      %dma_wait3A_20 = tpu.memref_squeeze %dma_wait3A_19 : memref<1x128xi32, #tpu.memory_space<vmem>> -> memref<128xi32, #tpu.memory_space<vmem>>
      %dma_wait3A_21 = arith.constant 0 : i32
      %dma_wait3A_22 = arith.constant 0 : i32
      %dma_wait3A_23 = tpu.memref_slice %arg2[%dma_wait3A_21, %dma_wait3A_22] : memref<40960x128xf32, #tpu.memory_space<hbm>> -> memref<40960x128xf32, #tpu.memory_space<hbm>>
      tpu.wait_indirect_dma semaphore(%arg11 : memref<!tpu.dma_semaphore, #tpu.memory_space<semaphore_mem>>) src(%dma_wait3A_23 : memref<40960x128xf32, #tpu.memory_space<hbm>>) dst(%arg9 : memref<128x128xf32, #tpu.memory_space<vmem>>)
      "tpu.region"() ({
        %run_scoped3A = tpu.sem_alloc : memref<!tpu.dma_semaphore, #tpu.memory_space<semaphore_mem>>
        %dma_start3A_24 = arith.constant 0 : i32
        %dma_start3A_25 = tpu.memref_slice %arg8[%scan3A_13, %dma_start3A_24] : memref<79x128xi32, #tpu.memory_space<vmem>> -> memref<1x128xi32, #tpu.memory_space<vmem>>
        %dma_start3A_26 = tpu.memref_squeeze %dma_start3A_25 : memref<1x128xi32, #tpu.memory_space<vmem>> -> memref<128xi32, #tpu.memory_space<vmem>>
        %dma_start3A_27 = arith.constant 0 : i32
        %dma_start3A_28 = arith.constant 0 : i32
        %dma_start3A_29 = tpu.memref_slice %arg10[%dma_start3A_27, %dma_start3A_28] : memref<10240x128xf32, #tpu.memory_space<vmem_shared>> -> memref<10240x128xf32, #tpu.memory_space<vmem_shared>>
        tpu.enqueue_indirect_dma source(%arg9 : memref<128x128xf32, #tpu.memory_space<vmem>>) target(%dma_start3A_29 : memref<10240x128xf32, #tpu.memory_space<vmem_shared>>) offsets(%dma_start3A_26 : memref<128xi32, #tpu.memory_space<vmem>>) semaphore(%run_scoped3A : memref<!tpu.dma_semaphore, #tpu.memory_space<semaphore_mem>>) {add = true}
        %dma_wait3A_30 = arith.constant 0 : i32
        %dma_wait3A_31 = tpu.memref_slice %arg8[%scan3A_13, %dma_wait3A_30] : memref<79x128xi32, #tpu.memory_space<vmem>> -> memref<1x128xi32, #tpu.memory_space<vmem>>
        %dma_wait3A_32 = tpu.memref_squeeze %dma_wait3A_31 : memref<1x128xi32, #tpu.memory_space<vmem>> -> memref<128xi32, #tpu.memory_space<vmem>>
        %dma_wait3A_33 = arith.constant 0 : i32
        %dma_wait3A_34 = arith.constant 0 : i32
        %dma_wait3A_35 = tpu.memref_slice %arg10[%dma_wait3A_33, %dma_wait3A_34] : memref<10240x128xf32, #tpu.memory_space<vmem_shared>> -> memref<10240x128xf32, #tpu.memory_space<vmem_shared>>
        tpu.wait_indirect_dma semaphore(%run_scoped3A : memref<!tpu.dma_semaphore, #tpu.memory_space<semaphore_mem>>) src(%arg9 : memref<128x128xf32, #tpu.memory_space<vmem>>) dst(%dma_wait3A_35 : memref<10240x128xf32, #tpu.memory_space<vmem_shared>>)
        tpu.yield
      }) : () -> ()
    }
    %scan3A_7 = arith.constant 79 : i32
    %barrier3A_8 = arith.constant 0 : index
    tpu.barrier barrier_id(%barrier3A_8)
    %mul3A_9 = arith.constant 640 : i32
    %mul3A_10 = arith.muli %arg1, %mul3A_9 : i32
    %mul3A_11 = arith.constant 640 : i32
    %mul3A_12 = arith.muli %arg1, %mul3A_11 : i32
    "tpu.region"() ({
      %run_scoped3A = tpu.sem_alloc : memref<!tpu.dma_semaphore, #tpu.memory_space<semaphore_mem>>
      %dma_start3A = arith.constant 0 : i32
      %dma_start3A_13 = tpu.memref_slice %arg6[%arg0, %mul3A_12, %dma_start3A] : memref<2x10240x128xf32, #tpu.memory_space<hbm>> -> memref<1x640x128xf32, #tpu.memory_space<hbm>>
      %dma_start3A_14 = tpu.memref_squeeze %dma_start3A_13 : memref<1x640x128xf32, #tpu.memory_space<hbm>> -> memref<640x128xf32, #tpu.memory_space<hbm>>
      %dma_start3A_15 = arith.constant 0 : i32
      %dma_start3A_16 = tpu.memref_slice %arg10[%mul3A_10, %dma_start3A_15] : memref<10240x128xf32, #tpu.memory_space<vmem_shared>> -> memref<640x128xf32, #tpu.memory_space<vmem_shared>>
      tpu.enqueue_dma source(%dma_start3A_16 : memref<640x128xf32, #tpu.memory_space<vmem_shared>>) target(%dma_start3A_14 : memref<640x128xf32, #tpu.memory_space<hbm>>) target_semaphore(%run_scoped3A : memref<!tpu.dma_semaphore, #tpu.memory_space<semaphore_mem>>)
      %dma_wait3A = arith.constant 0 : i32
      %dma_wait3A_17 = tpu.memref_slice %arg6[%arg0, %mul3A_12, %dma_wait3A] : memref<2x10240x128xf32, #tpu.memory_space<hbm>> -> memref<1x640x128xf32, #tpu.memory_space<hbm>>
      %dma_wait3A_18 = tpu.memref_squeeze %dma_wait3A_17 : memref<1x640x128xf32, #tpu.memory_space<hbm>> -> memref<640x128xf32, #tpu.memory_space<hbm>>
      %dma_wait3A_19 = arith.constant 0 : i32
      %dma_wait3A_20 = tpu.memref_slice %arg10[%mul3A_10, %dma_wait3A_19] : memref<10240x128xf32, #tpu.memory_space<vmem_shared>> -> memref<640x128xf32, #tpu.memory_space<vmem_shared>>
      tpu.wait_dma2 semaphore(%run_scoped3A : memref<!tpu.dma_semaphore, #tpu.memory_space<semaphore_mem>>) src(%dma_wait3A_20 : memref<640x128xf32, #tpu.memory_space<vmem_shared>>) dst(%dma_wait3A_18 : memref<640x128xf32, #tpu.memory_space<hbm>>)
      tpu.yield
    }) : () -> ()
    return
  }
}

#map = affine_map<(d0, d1) -> (0, 0)>
#map1 = affine_map<(d0, d1) -> (0, 0, 0)>
module attributes {stable_mosaic.version = 14 : i64} {
  func.func @_sc_body(%arg0: i32, %arg1: i32, %arg2: memref<40960x128xf32, #tpu.memory_space<hbm>>, %arg3: memref<32x79x128xi32, #tpu.memory_space<hbm>>, %arg4: memref<32x79x128xi32, #tpu.memory_space<hbm>>, %arg5: memref<640x128xf32, #tpu.memory_space<hbm>>, %arg6: memref<2x10240x128xf32, #tpu.memory_space<hbm>>, %arg7: memref<79x128xi32, #tpu.memory_space<vmem>>, %arg8: memref<79x128xi32, #tpu.memory_space<vmem>>, %arg9: memref<128x128xf32, #tpu.memory_space<vmem>>, %arg10: memref<10240x128xf32, #tpu.memory_space<vmem_shared>>, %arg11: memref<!tpu.dma_semaphore, #tpu.memory_space<semaphore_mem>>) attributes {dimension_semantics = [#tpu.dimension_semantics<core_parallel>, #tpu.dimension_semantics<subcore_parallel>], iteration_bounds = array<i64: 2, 16>, scalar_prefetch = 0 : i64, scratch_operands = 5 : i64, tpu.core_type = #tpu.core_type<sc_vector_subcore>, window_params = [{transform_indices = #map}, {transform_indices = #map1}, {transform_indices = #map1}, {transform_indices = #map}, {transform_indices = #map1}]} {
    %mul3A = arith.constant 16 : i32
    %mul3A_0 = arith.muli %arg0, %mul3A : i32
    %add3A = arith.addi %mul3A_0, %arg1 : i32
    "tpu.region"() ({
      %run_scoped3A = tpu.sem_alloc : memref<!tpu.dma_semaphore, #tpu.memory_space<semaphore_mem>>
      %dma_start3A = arith.constant 0 : i32
      %dma_start3A_13 = arith.constant 0 : i32
      %dma_start3A_14 = tpu.memref_slice %arg3[%add3A, %dma_start3A, %dma_start3A_13] : memref<32x79x128xi32, #tpu.memory_space<hbm>> -> memref<1x79x128xi32, #tpu.memory_space<hbm>>
      %dma_start3A_15 = tpu.memref_squeeze %dma_start3A_14 : memref<1x79x128xi32, #tpu.memory_space<hbm>> -> memref<79x128xi32, #tpu.memory_space<hbm>>
      %dma_start3A_16 = arith.constant 0 : i32
      %dma_start3A_17 = arith.constant 0 : i32
      %dma_start3A_18 = tpu.memref_slice %arg3[%add3A, %dma_start3A_16, %dma_start3A_17] : memref<32x79x128xi32, #tpu.memory_space<hbm>> -> memref<1x79x128xi32, #tpu.memory_space<hbm>>
      %dma_start3A_19 = tpu.memref_squeeze %dma_start3A_18 : memref<1x79x128xi32, #tpu.memory_space<hbm>> -> memref<79x128xi32, #tpu.memory_space<hbm>>
      tpu.enqueue_dma source(%dma_start3A_19 : memref<79x128xi32, #tpu.memory_space<hbm>>) target(%arg7 : memref<79x128xi32, #tpu.memory_space<vmem>>) target_semaphore(%run_scoped3A : memref<!tpu.dma_semaphore, #tpu.memory_space<semaphore_mem>>)
      %dma_wait3A = arith.constant 0 : i32
      %dma_wait3A_20 = arith.constant 0 : i32
      %dma_wait3A_21 = tpu.memref_slice %arg3[%add3A, %dma_wait3A, %dma_wait3A_20] : memref<32x79x128xi32, #tpu.memory_space<hbm>> -> memref<1x79x128xi32, #tpu.memory_space<hbm>>
      %dma_wait3A_22 = tpu.memref_squeeze %dma_wait3A_21 : memref<1x79x128xi32, #tpu.memory_space<hbm>> -> memref<79x128xi32, #tpu.memory_space<hbm>>
      %dma_wait3A_23 = arith.constant 0 : i32
      %dma_wait3A_24 = arith.constant 0 : i32
      %dma_wait3A_25 = tpu.memref_slice %arg3[%add3A, %dma_wait3A_23, %dma_wait3A_24] : memref<32x79x128xi32, #tpu.memory_space<hbm>> -> memref<1x79x128xi32, #tpu.memory_space<hbm>>
      %dma_wait3A_26 = tpu.memref_squeeze %dma_wait3A_25 : memref<1x79x128xi32, #tpu.memory_space<hbm>> -> memref<79x128xi32, #tpu.memory_space<hbm>>
      tpu.wait_dma2 semaphore(%run_scoped3A : memref<!tpu.dma_semaphore, #tpu.memory_space<semaphore_mem>>) src(%dma_wait3A_26 : memref<79x128xi32, #tpu.memory_space<hbm>>) dst(%arg7 : memref<79x128xi32, #tpu.memory_space<vmem>>)
      tpu.yield
    }) : () -> ()
    "tpu.region"() ({
      %run_scoped3A = tpu.sem_alloc : memref<!tpu.dma_semaphore, #tpu.memory_space<semaphore_mem>>
      %dma_start3A = arith.constant 0 : i32
      %dma_start3A_13 = arith.constant 0 : i32
      %dma_start3A_14 = tpu.memref_slice %arg4[%add3A, %dma_start3A, %dma_start3A_13] : memref<32x79x128xi32, #tpu.memory_space<hbm>> -> memref<1x79x128xi32, #tpu.memory_space<hbm>>
      %dma_start3A_15 = tpu.memref_squeeze %dma_start3A_14 : memref<1x79x128xi32, #tpu.memory_space<hbm>> -> memref<79x128xi32, #tpu.memory_space<hbm>>
      %dma_start3A_16 = arith.constant 0 : i32
      %dma_start3A_17 = arith.constant 0 : i32
      %dma_start3A_18 = tpu.memref_slice %arg4[%add3A, %dma_start3A_16, %dma_start3A_17] : memref<32x79x128xi32, #tpu.memory_space<hbm>> -> memref<1x79x128xi32, #tpu.memory_space<hbm>>
      %dma_start3A_19 = tpu.memref_squeeze %dma_start3A_18 : memref<1x79x128xi32, #tpu.memory_space<hbm>> -> memref<79x128xi32, #tpu.memory_space<hbm>>
      tpu.enqueue_dma source(%dma_start3A_19 : memref<79x128xi32, #tpu.memory_space<hbm>>) target(%arg8 : memref<79x128xi32, #tpu.memory_space<vmem>>) target_semaphore(%run_scoped3A : memref<!tpu.dma_semaphore, #tpu.memory_space<semaphore_mem>>)
      %dma_wait3A = arith.constant 0 : i32
      %dma_wait3A_20 = arith.constant 0 : i32
      %dma_wait3A_21 = tpu.memref_slice %arg4[%add3A, %dma_wait3A, %dma_wait3A_20] : memref<32x79x128xi32, #tpu.memory_space<hbm>> -> memref<1x79x128xi32, #tpu.memory_space<hbm>>
      %dma_wait3A_22 = tpu.memref_squeeze %dma_wait3A_21 : memref<1x79x128xi32, #tpu.memory_space<hbm>> -> memref<79x128xi32, #tpu.memory_space<hbm>>
      %dma_wait3A_23 = arith.constant 0 : i32
      %dma_wait3A_24 = arith.constant 0 : i32
      %dma_wait3A_25 = tpu.memref_slice %arg4[%add3A, %dma_wait3A_23, %dma_wait3A_24] : memref<32x79x128xi32, #tpu.memory_space<hbm>> -> memref<1x79x128xi32, #tpu.memory_space<hbm>>
      %dma_wait3A_26 = tpu.memref_squeeze %dma_wait3A_25 : memref<1x79x128xi32, #tpu.memory_space<hbm>> -> memref<79x128xi32, #tpu.memory_space<hbm>>
      tpu.wait_dma2 semaphore(%run_scoped3A : memref<!tpu.dma_semaphore, #tpu.memory_space<semaphore_mem>>) src(%dma_wait3A_26 : memref<79x128xi32, #tpu.memory_space<hbm>>) dst(%arg8 : memref<79x128xi32, #tpu.memory_space<vmem>>)
      tpu.yield
    }) : () -> ()
    %mul3A_1 = arith.constant 640 : i32
    %mul3A_2 = arith.muli %arg1, %mul3A_1 : i32
    "tpu.region"() ({
      %run_scoped3A = tpu.sem_alloc : memref<!tpu.dma_semaphore, #tpu.memory_space<semaphore_mem>>
      %dma_start3A = arith.constant 0 : i32
      %dma_start3A_13 = tpu.memref_slice %arg10[%mul3A_2, %dma_start3A] : memref<10240x128xf32, #tpu.memory_space<vmem_shared>> -> memref<640x128xf32, #tpu.memory_space<vmem_shared>>
      tpu.enqueue_dma source(%arg5 : memref<640x128xf32, #tpu.memory_space<hbm>>) target(%dma_start3A_13 : memref<640x128xf32, #tpu.memory_space<vmem_shared>>) target_semaphore(%run_scoped3A : memref<!tpu.dma_semaphore, #tpu.memory_space<semaphore_mem>>)
      %dma_wait3A = arith.constant 0 : i32
      %dma_wait3A_14 = tpu.memref_slice %arg10[%mul3A_2, %dma_wait3A] : memref<10240x128xf32, #tpu.memory_space<vmem_shared>> -> memref<640x128xf32, #tpu.memory_space<vmem_shared>>
      tpu.wait_dma2 semaphore(%run_scoped3A : memref<!tpu.dma_semaphore, #tpu.memory_space<semaphore_mem>>) src(%arg5 : memref<640x128xf32, #tpu.memory_space<hbm>>) dst(%dma_wait3A_14 : memref<640x128xf32, #tpu.memory_space<vmem_shared>>)
      tpu.yield
    }) : () -> ()
    %barrier3A = arith.constant 0 : index
    tpu.barrier barrier_id(%barrier3A)
    %scan3A = arith.constant 0 : i32
    %scan3A_3 = arith.constant 0 : i32
    %scan3A_4 = arith.constant 79 : i32
    %scan3A_5 = arith.addi %scan3A_3, %scan3A_4 : i32
    %scan3A_6 = arith.constant 1 : i32
    scf.for %scan3A_13 = %scan3A_3 to %scan3A_5 step %scan3A_6  : i32 {
      %dma_start3A = arith.constant 0 : i32
      %dma_start3A_14 = tpu.memref_slice %arg7[%scan3A_13, %dma_start3A] : memref<79x128xi32, #tpu.memory_space<vmem>> -> memref<1x128xi32, #tpu.memory_space<vmem>>
      %dma_start3A_15 = tpu.memref_squeeze %dma_start3A_14 : memref<1x128xi32, #tpu.memory_space<vmem>> -> memref<128xi32, #tpu.memory_space<vmem>>
      %dma_start3A_16 = arith.constant 0 : i32
      %dma_start3A_17 = arith.constant 0 : i32
      %dma_start3A_18 = tpu.memref_slice %arg2[%dma_start3A_16, %dma_start3A_17] : memref<40960x128xf32, #tpu.memory_space<hbm>> -> memref<40960x128xf32, #tpu.memory_space<hbm>>
      tpu.enqueue_indirect_dma source(%dma_start3A_18 : memref<40960x128xf32, #tpu.memory_space<hbm>>) target(%arg9 : memref<128x128xf32, #tpu.memory_space<vmem>>) offsets(%dma_start3A_15 : memref<128xi32, #tpu.memory_space<vmem>>) semaphore(%arg11 : memref<!tpu.dma_semaphore, #tpu.memory_space<semaphore_mem>>)
      %dma_wait3A = arith.constant 0 : i32
      %dma_wait3A_19 = tpu.memref_slice %arg7[%scan3A_13, %dma_wait3A] : memref<79x128xi32, #tpu.memory_space<vmem>> -> memref<1x128xi32, #tpu.memory_space<vmem>>
      %dma_wait3A_20 = tpu.memref_squeeze %dma_wait3A_19 : memref<1x128xi32, #tpu.memory_space<vmem>> -> memref<128xi32, #tpu.memory_space<vmem>>
      %dma_wait3A_21 = arith.constant 0 : i32
      %dma_wait3A_22 = arith.constant 0 : i32
      %dma_wait3A_23 = tpu.memref_slice %arg2[%dma_wait3A_21, %dma_wait3A_22] : memref<40960x128xf32, #tpu.memory_space<hbm>> -> memref<40960x128xf32, #tpu.memory_space<hbm>>
      tpu.wait_indirect_dma semaphore(%arg11 : memref<!tpu.dma_semaphore, #tpu.memory_space<semaphore_mem>>) src(%dma_wait3A_23 : memref<40960x128xf32, #tpu.memory_space<hbm>>) dst(%arg9 : memref<128x128xf32, #tpu.memory_space<vmem>>)
      "tpu.region"() ({
        %run_scoped3A = tpu.sem_alloc : memref<!tpu.dma_semaphore, #tpu.memory_space<semaphore_mem>>
        %dma_start3A_24 = arith.constant 0 : i32
        %dma_start3A_25 = tpu.memref_slice %arg8[%scan3A_13, %dma_start3A_24] : memref<79x128xi32, #tpu.memory_space<vmem>> -> memref<1x128xi32, #tpu.memory_space<vmem>>
        %dma_start3A_26 = tpu.memref_squeeze %dma_start3A_25 : memref<1x128xi32, #tpu.memory_space<vmem>> -> memref<128xi32, #tpu.memory_space<vmem>>
        %dma_start3A_27 = arith.constant 0 : i32
        %dma_start3A_28 = arith.constant 0 : i32
        %dma_start3A_29 = tpu.memref_slice %arg10[%dma_start3A_27, %dma_start3A_28] : memref<10240x128xf32, #tpu.memory_space<vmem_shared>> -> memref<10240x128xf32, #tpu.memory_space<vmem_shared>>
        tpu.enqueue_indirect_dma source(%arg9 : memref<128x128xf32, #tpu.memory_space<vmem>>) target(%dma_start3A_29 : memref<10240x128xf32, #tpu.memory_space<vmem_shared>>) offsets(%dma_start3A_26 : memref<128xi32, #tpu.memory_space<vmem>>) semaphore(%run_scoped3A : memref<!tpu.dma_semaphore, #tpu.memory_space<semaphore_mem>>) {add = true}
        %dma_wait3A_30 = arith.constant 0 : i32
        %dma_wait3A_31 = tpu.memref_slice %arg8[%scan3A_13, %dma_wait3A_30] : memref<79x128xi32, #tpu.memory_space<vmem>> -> memref<1x128xi32, #tpu.memory_space<vmem>>
        %dma_wait3A_32 = tpu.memref_squeeze %dma_wait3A_31 : memref<1x128xi32, #tpu.memory_space<vmem>> -> memref<128xi32, #tpu.memory_space<vmem>>
        %dma_wait3A_33 = arith.constant 0 : i32
        %dma_wait3A_34 = arith.constant 0 : i32
        %dma_wait3A_35 = tpu.memref_slice %arg10[%dma_wait3A_33, %dma_wait3A_34] : memref<10240x128xf32, #tpu.memory_space<vmem_shared>> -> memref<10240x128xf32, #tpu.memory_space<vmem_shared>>
        tpu.wait_indirect_dma semaphore(%run_scoped3A : memref<!tpu.dma_semaphore, #tpu.memory_space<semaphore_mem>>) src(%arg9 : memref<128x128xf32, #tpu.memory_space<vmem>>) dst(%dma_wait3A_35 : memref<10240x128xf32, #tpu.memory_space<vmem_shared>>)
        tpu.yield
      }) : () -> ()
    }
    %scan3A_7 = arith.constant 79 : i32
    %barrier3A_8 = arith.constant 0 : index
    tpu.barrier barrier_id(%barrier3A_8)
    %mul3A_9 = arith.constant 640 : i32
    %mul3A_10 = arith.muli %arg1, %mul3A_9 : i32
    %mul3A_11 = arith.constant 640 : i32
    %mul3A_12 = arith.muli %arg1, %mul3A_11 : i32
    "tpu.region"() ({
      %run_scoped3A = tpu.sem_alloc : memref<!tpu.dma_semaphore, #tpu.memory_space<semaphore_mem>>
      %dma_start3A = arith.constant 0 : i32
      %dma_start3A_13 = tpu.memref_slice %arg6[%arg0, %mul3A_12, %dma_start3A] : memref<2x10240x128xf32, #tpu.memory_space<hbm>> -> memref<1x640x128xf32, #tpu.memory_space<hbm>>
      %dma_start3A_14 = tpu.memref_squeeze %dma_start3A_13 : memref<1x640x128xf32, #tpu.memory_space<hbm>> -> memref<640x128xf32, #tpu.memory_space<hbm>>
      %dma_start3A_15 = arith.constant 0 : i32
      %dma_start3A_16 = tpu.memref_slice %arg10[%mul3A_10, %dma_start3A_15] : memref<10240x128xf32, #tpu.memory_space<vmem_shared>> -> memref<640x128xf32, #tpu.memory_space<vmem_shared>>
      tpu.enqueue_dma source(%dma_start3A_16 : memref<640x128xf32, #tpu.memory_space<vmem_shared>>) target(%dma_start3A_14 : memref<640x128xf32, #tpu.memory_space<hbm>>) target_semaphore(%run_scoped3A : memref<!tpu.dma_semaphore, #tpu.memory_space<semaphore_mem>>)
      %dma_wait3A = arith.constant 0 : i32
      %dma_wait3A_17 = tpu.memref_slice %arg6[%arg0, %mul3A_12, %dma_wait3A] : memref<2x10240x128xf32, #tpu.memory_space<hbm>> -> memref<1x640x128xf32, #tpu.memory_space<hbm>>
      %dma_wait3A_18 = tpu.memref_squeeze %dma_wait3A_17 : memref<1x640x128xf32, #tpu.memory_space<hbm>> -> memref<640x128xf32, #tpu.memory_space<hbm>>
      %dma_wait3A_19 = arith.constant 0 : i32
      %dma_wait3A_20 = tpu.memref_slice %arg10[%mul3A_10, %dma_wait3A_19] : memref<10240x128xf32, #tpu.memory_space<vmem_shared>> -> memref<640x128xf32, #tpu.memory_space<vmem_shared>>
      tpu.wait_dma2 semaphore(%run_scoped3A : memref<!tpu.dma_semaphore, #tpu.memory_space<semaphore_mem>>) src(%dma_wait3A_20 : memref<640x128xf32, #tpu.memory_space<vmem_shared>>) dst(%dma_wait3A_18 : memref<640x128xf32, #tpu.memory_space<hbm>>)
      tpu.yield
    }) : () -> ()
    return
  }
}

#map = affine_map<(d0, d1) -> (0, 0)>
#map1 = affine_map<(d0, d1) -> (0, 0, 0)>
module attributes {stable_mosaic.version = 14 : i64} {
  func.func @_sc_body(%arg0: i32, %arg1: i32, %arg2: memref<40960x128xf32, #tpu.memory_space<hbm>>, %arg3: memref<32x79x128xi32, #tpu.memory_space<hbm>>, %arg4: memref<32x79x128xi32, #tpu.memory_space<hbm>>, %arg5: memref<640x128xf32, #tpu.memory_space<hbm>>, %arg6: memref<2x10240x128xf32, #tpu.memory_space<hbm>>, %arg7: memref<79x128xi32, #tpu.memory_space<vmem>>, %arg8: memref<79x128xi32, #tpu.memory_space<vmem>>, %arg9: memref<128x128xf32, #tpu.memory_space<vmem>>, %arg10: memref<10240x128xf32, #tpu.memory_space<vmem_shared>>, %arg11: memref<!tpu.dma_semaphore, #tpu.memory_space<semaphore_mem>>) attributes {dimension_semantics = [#tpu.dimension_semantics<core_parallel>, #tpu.dimension_semantics<subcore_parallel>], iteration_bounds = array<i64: 2, 16>, scalar_prefetch = 0 : i64, scratch_operands = 5 : i64, tpu.core_type = #tpu.core_type<sc_vector_subcore>, window_params = [{transform_indices = #map}, {transform_indices = #map1}, {transform_indices = #map1}, {transform_indices = #map}, {transform_indices = #map1}]} {
    %mul3A = arith.constant 16 : i32
    %mul3A_0 = arith.muli %arg0, %mul3A : i32
    %add3A = arith.addi %mul3A_0, %arg1 : i32
    "tpu.region"() ({
      %run_scoped3A = tpu.sem_alloc : memref<!tpu.dma_semaphore, #tpu.memory_space<semaphore_mem>>
      %dma_start3A = arith.constant 0 : i32
      %dma_start3A_13 = arith.constant 0 : i32
      %dma_start3A_14 = tpu.memref_slice %arg3[%add3A, %dma_start3A, %dma_start3A_13] : memref<32x79x128xi32, #tpu.memory_space<hbm>> -> memref<1x79x128xi32, #tpu.memory_space<hbm>>
      %dma_start3A_15 = tpu.memref_squeeze %dma_start3A_14 : memref<1x79x128xi32, #tpu.memory_space<hbm>> -> memref<79x128xi32, #tpu.memory_space<hbm>>
      %dma_start3A_16 = arith.constant 0 : i32
      %dma_start3A_17 = arith.constant 0 : i32
      %dma_start3A_18 = tpu.memref_slice %arg3[%add3A, %dma_start3A_16, %dma_start3A_17] : memref<32x79x128xi32, #tpu.memory_space<hbm>> -> memref<1x79x128xi32, #tpu.memory_space<hbm>>
      %dma_start3A_19 = tpu.memref_squeeze %dma_start3A_18 : memref<1x79x128xi32, #tpu.memory_space<hbm>> -> memref<79x128xi32, #tpu.memory_space<hbm>>
      tpu.enqueue_dma source(%dma_start3A_19 : memref<79x128xi32, #tpu.memory_space<hbm>>) target(%arg7 : memref<79x128xi32, #tpu.memory_space<vmem>>) target_semaphore(%run_scoped3A : memref<!tpu.dma_semaphore, #tpu.memory_space<semaphore_mem>>)
      %dma_wait3A = arith.constant 0 : i32
      %dma_wait3A_20 = arith.constant 0 : i32
      %dma_wait3A_21 = tpu.memref_slice %arg3[%add3A, %dma_wait3A, %dma_wait3A_20] : memref<32x79x128xi32, #tpu.memory_space<hbm>> -> memref<1x79x128xi32, #tpu.memory_space<hbm>>
      %dma_wait3A_22 = tpu.memref_squeeze %dma_wait3A_21 : memref<1x79x128xi32, #tpu.memory_space<hbm>> -> memref<79x128xi32, #tpu.memory_space<hbm>>
      %dma_wait3A_23 = arith.constant 0 : i32
      %dma_wait3A_24 = arith.constant 0 : i32
      %dma_wait3A_25 = tpu.memref_slice %arg3[%add3A, %dma_wait3A_23, %dma_wait3A_24] : memref<32x79x128xi32, #tpu.memory_space<hbm>> -> memref<1x79x128xi32, #tpu.memory_space<hbm>>
      %dma_wait3A_26 = tpu.memref_squeeze %dma_wait3A_25 : memref<1x79x128xi32, #tpu.memory_space<hbm>> -> memref<79x128xi32, #tpu.memory_space<hbm>>
      tpu.wait_dma2 semaphore(%run_scoped3A : memref<!tpu.dma_semaphore, #tpu.memory_space<semaphore_mem>>) src(%dma_wait3A_26 : memref<79x128xi32, #tpu.memory_space<hbm>>) dst(%arg7 : memref<79x128xi32, #tpu.memory_space<vmem>>)
      tpu.yield
    }) : () -> ()
    "tpu.region"() ({
      %run_scoped3A = tpu.sem_alloc : memref<!tpu.dma_semaphore, #tpu.memory_space<semaphore_mem>>
      %dma_start3A = arith.constant 0 : i32
      %dma_start3A_13 = arith.constant 0 : i32
      %dma_start3A_14 = tpu.memref_slice %arg4[%add3A, %dma_start3A, %dma_start3A_13] : memref<32x79x128xi32, #tpu.memory_space<hbm>> -> memref<1x79x128xi32, #tpu.memory_space<hbm>>
      %dma_start3A_15 = tpu.memref_squeeze %dma_start3A_14 : memref<1x79x128xi32, #tpu.memory_space<hbm>> -> memref<79x128xi32, #tpu.memory_space<hbm>>
      %dma_start3A_16 = arith.constant 0 : i32
      %dma_start3A_17 = arith.constant 0 : i32
      %dma_start3A_18 = tpu.memref_slice %arg4[%add3A, %dma_start3A_16, %dma_start3A_17] : memref<32x79x128xi32, #tpu.memory_space<hbm>> -> memref<1x79x128xi32, #tpu.memory_space<hbm>>
      %dma_start3A_19 = tpu.memref_squeeze %dma_start3A_18 : memref<1x79x128xi32, #tpu.memory_space<hbm>> -> memref<79x128xi32, #tpu.memory_space<hbm>>
      tpu.enqueue_dma source(%dma_start3A_19 : memref<79x128xi32, #tpu.memory_space<hbm>>) target(%arg8 : memref<79x128xi32, #tpu.memory_space<vmem>>) target_semaphore(%run_scoped3A : memref<!tpu.dma_semaphore, #tpu.memory_space<semaphore_mem>>)
      %dma_wait3A = arith.constant 0 : i32
      %dma_wait3A_20 = arith.constant 0 : i32
      %dma_wait3A_21 = tpu.memref_slice %arg4[%add3A, %dma_wait3A, %dma_wait3A_20] : memref<32x79x128xi32, #tpu.memory_space<hbm>> -> memref<1x79x128xi32, #tpu.memory_space<hbm>>
      %dma_wait3A_22 = tpu.memref_squeeze %dma_wait3A_21 : memref<1x79x128xi32, #tpu.memory_space<hbm>> -> memref<79x128xi32, #tpu.memory_space<hbm>>
      %dma_wait3A_23 = arith.constant 0 : i32
      %dma_wait3A_24 = arith.constant 0 : i32
      %dma_wait3A_25 = tpu.memref_slice %arg4[%add3A, %dma_wait3A_23, %dma_wait3A_24] : memref<32x79x128xi32, #tpu.memory_space<hbm>> -> memref<1x79x128xi32, #tpu.memory_space<hbm>>
      %dma_wait3A_26 = tpu.memref_squeeze %dma_wait3A_25 : memref<1x79x128xi32, #tpu.memory_space<hbm>> -> memref<79x128xi32, #tpu.memory_space<hbm>>
      tpu.wait_dma2 semaphore(%run_scoped3A : memref<!tpu.dma_semaphore, #tpu.memory_space<semaphore_mem>>) src(%dma_wait3A_26 : memref<79x128xi32, #tpu.memory_space<hbm>>) dst(%arg8 : memref<79x128xi32, #tpu.memory_space<vmem>>)
      tpu.yield
    }) : () -> ()
    %mul3A_1 = arith.constant 640 : i32
    %mul3A_2 = arith.muli %arg1, %mul3A_1 : i32
    "tpu.region"() ({
      %run_scoped3A = tpu.sem_alloc : memref<!tpu.dma_semaphore, #tpu.memory_space<semaphore_mem>>
      %dma_start3A = arith.constant 0 : i32
      %dma_start3A_13 = tpu.memref_slice %arg10[%mul3A_2, %dma_start3A] : memref<10240x128xf32, #tpu.memory_space<vmem_shared>> -> memref<640x128xf32, #tpu.memory_space<vmem_shared>>
      tpu.enqueue_dma source(%arg5 : memref<640x128xf32, #tpu.memory_space<hbm>>) target(%dma_start3A_13 : memref<640x128xf32, #tpu.memory_space<vmem_shared>>) target_semaphore(%run_scoped3A : memref<!tpu.dma_semaphore, #tpu.memory_space<semaphore_mem>>)
      %dma_wait3A = arith.constant 0 : i32
      %dma_wait3A_14 = tpu.memref_slice %arg10[%mul3A_2, %dma_wait3A] : memref<10240x128xf32, #tpu.memory_space<vmem_shared>> -> memref<640x128xf32, #tpu.memory_space<vmem_shared>>
      tpu.wait_dma2 semaphore(%run_scoped3A : memref<!tpu.dma_semaphore, #tpu.memory_space<semaphore_mem>>) src(%arg5 : memref<640x128xf32, #tpu.memory_space<hbm>>) dst(%dma_wait3A_14 : memref<640x128xf32, #tpu.memory_space<vmem_shared>>)
      tpu.yield
    }) : () -> ()
    %barrier3A = arith.constant 0 : index
    tpu.barrier barrier_id(%barrier3A)
    %scan3A = arith.constant 0 : i32
    %scan3A_3 = arith.constant 0 : i32
    %scan3A_4 = arith.constant 79 : i32
    %scan3A_5 = arith.addi %scan3A_3, %scan3A_4 : i32
    %scan3A_6 = arith.constant 1 : i32
    scf.for %scan3A_13 = %scan3A_3 to %scan3A_5 step %scan3A_6  : i32 {
      %dma_start3A = arith.constant 0 : i32
      %dma_start3A_14 = tpu.memref_slice %arg7[%scan3A_13, %dma_start3A] : memref<79x128xi32, #tpu.memory_space<vmem>> -> memref<1x128xi32, #tpu.memory_space<vmem>>
      %dma_start3A_15 = tpu.memref_squeeze %dma_start3A_14 : memref<1x128xi32, #tpu.memory_space<vmem>> -> memref<128xi32, #tpu.memory_space<vmem>>
      %dma_start3A_16 = arith.constant 0 : i32
      %dma_start3A_17 = arith.constant 0 : i32
      %dma_start3A_18 = tpu.memref_slice %arg2[%dma_start3A_16, %dma_start3A_17] : memref<40960x128xf32, #tpu.memory_space<hbm>> -> memref<40960x128xf32, #tpu.memory_space<hbm>>
      tpu.enqueue_indirect_dma source(%dma_start3A_18 : memref<40960x128xf32, #tpu.memory_space<hbm>>) target(%arg9 : memref<128x128xf32, #tpu.memory_space<vmem>>) offsets(%dma_start3A_15 : memref<128xi32, #tpu.memory_space<vmem>>) semaphore(%arg11 : memref<!tpu.dma_semaphore, #tpu.memory_space<semaphore_mem>>)
      %dma_wait3A = arith.constant 0 : i32
      %dma_wait3A_19 = tpu.memref_slice %arg7[%scan3A_13, %dma_wait3A] : memref<79x128xi32, #tpu.memory_space<vmem>> -> memref<1x128xi32, #tpu.memory_space<vmem>>
      %dma_wait3A_20 = tpu.memref_squeeze %dma_wait3A_19 : memref<1x128xi32, #tpu.memory_space<vmem>> -> memref<128xi32, #tpu.memory_space<vmem>>
      %dma_wait3A_21 = arith.constant 0 : i32
      %dma_wait3A_22 = arith.constant 0 : i32
      %dma_wait3A_23 = tpu.memref_slice %arg2[%dma_wait3A_21, %dma_wait3A_22] : memref<40960x128xf32, #tpu.memory_space<hbm>> -> memref<40960x128xf32, #tpu.memory_space<hbm>>
      tpu.wait_indirect_dma semaphore(%arg11 : memref<!tpu.dma_semaphore, #tpu.memory_space<semaphore_mem>>) src(%dma_wait3A_23 : memref<40960x128xf32, #tpu.memory_space<hbm>>) dst(%arg9 : memref<128x128xf32, #tpu.memory_space<vmem>>)
      "tpu.region"() ({
        %run_scoped3A = tpu.sem_alloc : memref<!tpu.dma_semaphore, #tpu.memory_space<semaphore_mem>>
        %dma_start3A_24 = arith.constant 0 : i32
        %dma_start3A_25 = tpu.memref_slice %arg8[%scan3A_13, %dma_start3A_24] : memref<79x128xi32, #tpu.memory_space<vmem>> -> memref<1x128xi32, #tpu.memory_space<vmem>>
        %dma_start3A_26 = tpu.memref_squeeze %dma_start3A_25 : memref<1x128xi32, #tpu.memory_space<vmem>> -> memref<128xi32, #tpu.memory_space<vmem>>
        %dma_start3A_27 = arith.constant 0 : i32
        %dma_start3A_28 = arith.constant 0 : i32
        %dma_start3A_29 = tpu.memref_slice %arg10[%dma_start3A_27, %dma_start3A_28] : memref<10240x128xf32, #tpu.memory_space<vmem_shared>> -> memref<10240x128xf32, #tpu.memory_space<vmem_shared>>
        tpu.enqueue_indirect_dma source(%arg9 : memref<128x128xf32, #tpu.memory_space<vmem>>) target(%dma_start3A_29 : memref<10240x128xf32, #tpu.memory_space<vmem_shared>>) offsets(%dma_start3A_26 : memref<128xi32, #tpu.memory_space<vmem>>) semaphore(%run_scoped3A : memref<!tpu.dma_semaphore, #tpu.memory_space<semaphore_mem>>) {add = true}
        %dma_wait3A_30 = arith.constant 0 : i32
        %dma_wait3A_31 = tpu.memref_slice %arg8[%scan3A_13, %dma_wait3A_30] : memref<79x128xi32, #tpu.memory_space<vmem>> -> memref<1x128xi32, #tpu.memory_space<vmem>>
        %dma_wait3A_32 = tpu.memref_squeeze %dma_wait3A_31 : memref<1x128xi32, #tpu.memory_space<vmem>> -> memref<128xi32, #tpu.memory_space<vmem>>
        %dma_wait3A_33 = arith.constant 0 : i32
        %dma_wait3A_34 = arith.constant 0 : i32
        %dma_wait3A_35 = tpu.memref_slice %arg10[%dma_wait3A_33, %dma_wait3A_34] : memref<10240x128xf32, #tpu.memory_space<vmem_shared>> -> memref<10240x128xf32, #tpu.memory_space<vmem_shared>>
        tpu.wait_indirect_dma semaphore(%run_scoped3A : memref<!tpu.dma_semaphore, #tpu.memory_space<semaphore_mem>>) src(%arg9 : memref<128x128xf32, #tpu.memory_space<vmem>>) dst(%dma_wait3A_35 : memref<10240x128xf32, #tpu.memory_space<vmem_shared>>)
        tpu.yield
      }) : () -> ()
    }
    %scan3A_7 = arith.constant 79 : i32
    %barrier3A_8 = arith.constant 0 : index
    tpu.barrier barrier_id(%barrier3A_8)
    %mul3A_9 = arith.constant 640 : i32
    %mul3A_10 = arith.muli %arg1, %mul3A_9 : i32
    %mul3A_11 = arith.constant 640 : i32
    %mul3A_12 = arith.muli %arg1, %mul3A_11 : i32
    "tpu.region"() ({
      %run_scoped3A = tpu.sem_alloc : memref<!tpu.dma_semaphore, #tpu.memory_space<semaphore_mem>>
      %dma_start3A = arith.constant 0 : i32
      %dma_start3A_13 = tpu.memref_slice %arg6[%arg0, %mul3A_12, %dma_start3A] : memref<2x10240x128xf32, #tpu.memory_space<hbm>> -> memref<1x640x128xf32, #tpu.memory_space<hbm>>
      %dma_start3A_14 = tpu.memref_squeeze %dma_start3A_13 : memref<1x640x128xf32, #tpu.memory_space<hbm>> -> memref<640x128xf32, #tpu.memory_space<hbm>>
      %dma_start3A_15 = arith.constant 0 : i32
      %dma_start3A_16 = tpu.memref_slice %arg10[%mul3A_10, %dma_start3A_15] : memref<10240x128xf32, #tpu.memory_space<vmem_shared>> -> memref<640x128xf32, #tpu.memory_space<vmem_shared>>
      tpu.enqueue_dma source(%dma_start3A_16 : memref<640x128xf32, #tpu.memory_space<vmem_shared>>) target(%dma_start3A_14 : memref<640x128xf32, #tpu.memory_space<hbm>>) target_semaphore(%run_scoped3A : memref<!tpu.dma_semaphore, #tpu.memory_space<semaphore_mem>>)
      %dma_wait3A = arith.constant 0 : i32
      %dma_wait3A_17 = tpu.memref_slice %arg6[%arg0, %mul3A_12, %dma_wait3A] : memref<2x10240x128xf32, #tpu.memory_space<hbm>> -> memref<1x640x128xf32, #tpu.memory_space<hbm>>
      %dma_wait3A_18 = tpu.memref_squeeze %dma_wait3A_17 : memref<1x640x128xf32, #tpu.memory_space<hbm>> -> memref<640x128xf32, #tpu.memory_space<hbm>>
      %dma_wait3A_19 = arith.constant 0 : i32
      %dma_wait3A_20 = tpu.memref_slice %arg10[%mul3A_10, %dma_wait3A_19] : memref<10240x128xf32, #tpu.memory_space<vmem_shared>> -> memref<640x128xf32, #tpu.memory_space<vmem_shared>>
      tpu.wait_dma2 semaphore(%run_scoped3A : memref<!tpu.dma_semaphore, #tpu.memory_space<semaphore_mem>>) src(%dma_wait3A_20 : memref<640x128xf32, #tpu.memory_space<vmem_shared>>) dst(%dma_wait3A_18 : memref<640x128xf32, #tpu.memory_space<hbm>>)
      tpu.yield
    }) : () -> ()
    return
  }
}

#map = affine_map<(d0, d1) -> (0, 0)>
#map1 = affine_map<(d0, d1) -> (0, 0, 0)>
module attributes {stable_mosaic.version = 14 : i64} {
  func.func @_sc_body(%arg0: i32, %arg1: i32, %arg2: memref<40960x128xf32, #tpu.memory_space<hbm>>, %arg3: memref<32x79x128xi32, #tpu.memory_space<hbm>>, %arg4: memref<32x79x128xi32, #tpu.memory_space<hbm>>, %arg5: memref<640x128xf32, #tpu.memory_space<hbm>>, %arg6: memref<2x10240x128xf32, #tpu.memory_space<hbm>>, %arg7: memref<79x128xi32, #tpu.memory_space<vmem>>, %arg8: memref<79x128xi32, #tpu.memory_space<vmem>>, %arg9: memref<128x128xf32, #tpu.memory_space<vmem>>, %arg10: memref<10240x128xf32, #tpu.memory_space<vmem_shared>>, %arg11: memref<!tpu.dma_semaphore, #tpu.memory_space<semaphore_mem>>) attributes {dimension_semantics = [#tpu.dimension_semantics<core_parallel>, #tpu.dimension_semantics<subcore_parallel>], iteration_bounds = array<i64: 2, 16>, scalar_prefetch = 0 : i64, scratch_operands = 5 : i64, tpu.core_type = #tpu.core_type<sc_vector_subcore>, window_params = [{transform_indices = #map}, {transform_indices = #map1}, {transform_indices = #map1}, {transform_indices = #map}, {transform_indices = #map1}]} {
    %mul3A = arith.constant 16 : i32
    %mul3A_0 = arith.muli %arg0, %mul3A : i32
    %add3A = arith.addi %mul3A_0, %arg1 : i32
    "tpu.region"() ({
      %run_scoped3A = tpu.sem_alloc : memref<!tpu.dma_semaphore, #tpu.memory_space<semaphore_mem>>
      %dma_start3A = arith.constant 0 : i32
      %dma_start3A_13 = arith.constant 0 : i32
      %dma_start3A_14 = tpu.memref_slice %arg3[%add3A, %dma_start3A, %dma_start3A_13] : memref<32x79x128xi32, #tpu.memory_space<hbm>> -> memref<1x79x128xi32, #tpu.memory_space<hbm>>
      %dma_start3A_15 = tpu.memref_squeeze %dma_start3A_14 : memref<1x79x128xi32, #tpu.memory_space<hbm>> -> memref<79x128xi32, #tpu.memory_space<hbm>>
      %dma_start3A_16 = arith.constant 0 : i32
      %dma_start3A_17 = arith.constant 0 : i32
      %dma_start3A_18 = tpu.memref_slice %arg3[%add3A, %dma_start3A_16, %dma_start3A_17] : memref<32x79x128xi32, #tpu.memory_space<hbm>> -> memref<1x79x128xi32, #tpu.memory_space<hbm>>
      %dma_start3A_19 = tpu.memref_squeeze %dma_start3A_18 : memref<1x79x128xi32, #tpu.memory_space<hbm>> -> memref<79x128xi32, #tpu.memory_space<hbm>>
      tpu.enqueue_dma source(%dma_start3A_19 : memref<79x128xi32, #tpu.memory_space<hbm>>) target(%arg7 : memref<79x128xi32, #tpu.memory_space<vmem>>) target_semaphore(%run_scoped3A : memref<!tpu.dma_semaphore, #tpu.memory_space<semaphore_mem>>)
      %dma_wait3A = arith.constant 0 : i32
      %dma_wait3A_20 = arith.constant 0 : i32
      %dma_wait3A_21 = tpu.memref_slice %arg3[%add3A, %dma_wait3A, %dma_wait3A_20] : memref<32x79x128xi32, #tpu.memory_space<hbm>> -> memref<1x79x128xi32, #tpu.memory_space<hbm>>
      %dma_wait3A_22 = tpu.memref_squeeze %dma_wait3A_21 : memref<1x79x128xi32, #tpu.memory_space<hbm>> -> memref<79x128xi32, #tpu.memory_space<hbm>>
      %dma_wait3A_23 = arith.constant 0 : i32
      %dma_wait3A_24 = arith.constant 0 : i32
      %dma_wait3A_25 = tpu.memref_slice %arg3[%add3A, %dma_wait3A_23, %dma_wait3A_24] : memref<32x79x128xi32, #tpu.memory_space<hbm>> -> memref<1x79x128xi32, #tpu.memory_space<hbm>>
      %dma_wait3A_26 = tpu.memref_squeeze %dma_wait3A_25 : memref<1x79x128xi32, #tpu.memory_space<hbm>> -> memref<79x128xi32, #tpu.memory_space<hbm>>
      tpu.wait_dma2 semaphore(%run_scoped3A : memref<!tpu.dma_semaphore, #tpu.memory_space<semaphore_mem>>) src(%dma_wait3A_26 : memref<79x128xi32, #tpu.memory_space<hbm>>) dst(%arg7 : memref<79x128xi32, #tpu.memory_space<vmem>>)
      tpu.yield
    }) : () -> ()
    "tpu.region"() ({
      %run_scoped3A = tpu.sem_alloc : memref<!tpu.dma_semaphore, #tpu.memory_space<semaphore_mem>>
      %dma_start3A = arith.constant 0 : i32
      %dma_start3A_13 = arith.constant 0 : i32
      %dma_start3A_14 = tpu.memref_slice %arg4[%add3A, %dma_start3A, %dma_start3A_13] : memref<32x79x128xi32, #tpu.memory_space<hbm>> -> memref<1x79x128xi32, #tpu.memory_space<hbm>>
      %dma_start3A_15 = tpu.memref_squeeze %dma_start3A_14 : memref<1x79x128xi32, #tpu.memory_space<hbm>> -> memref<79x128xi32, #tpu.memory_space<hbm>>
      %dma_start3A_16 = arith.constant 0 : i32
      %dma_start3A_17 = arith.constant 0 : i32
      %dma_start3A_18 = tpu.memref_slice %arg4[%add3A, %dma_start3A_16, %dma_start3A_17] : memref<32x79x128xi32, #tpu.memory_space<hbm>> -> memref<1x79x128xi32, #tpu.memory_space<hbm>>
      %dma_start3A_19 = tpu.memref_squeeze %dma_start3A_18 : memref<1x79x128xi32, #tpu.memory_space<hbm>> -> memref<79x128xi32, #tpu.memory_space<hbm>>
      tpu.enqueue_dma source(%dma_start3A_19 : memref<79x128xi32, #tpu.memory_space<hbm>>) target(%arg8 : memref<79x128xi32, #tpu.memory_space<vmem>>) target_semaphore(%run_scoped3A : memref<!tpu.dma_semaphore, #tpu.memory_space<semaphore_mem>>)
      %dma_wait3A = arith.constant 0 : i32
      %dma_wait3A_20 = arith.constant 0 : i32
      %dma_wait3A_21 = tpu.memref_slice %arg4[%add3A, %dma_wait3A, %dma_wait3A_20] : memref<32x79x128xi32, #tpu.memory_space<hbm>> -> memref<1x79x128xi32, #tpu.memory_space<hbm>>
      %dma_wait3A_22 = tpu.memref_squeeze %dma_wait3A_21 : memref<1x79x128xi32, #tpu.memory_space<hbm>> -> memref<79x128xi32, #tpu.memory_space<hbm>>
      %dma_wait3A_23 = arith.constant 0 : i32
      %dma_wait3A_24 = arith.constant 0 : i32
      %dma_wait3A_25 = tpu.memref_slice %arg4[%add3A, %dma_wait3A_23, %dma_wait3A_24] : memref<32x79x128xi32, #tpu.memory_space<hbm>> -> memref<1x79x128xi32, #tpu.memory_space<hbm>>
      %dma_wait3A_26 = tpu.memref_squeeze %dma_wait3A_25 : memref<1x79x128xi32, #tpu.memory_space<hbm>> -> memref<79x128xi32, #tpu.memory_space<hbm>>
      tpu.wait_dma2 semaphore(%run_scoped3A : memref<!tpu.dma_semaphore, #tpu.memory_space<semaphore_mem>>) src(%dma_wait3A_26 : memref<79x128xi32, #tpu.memory_space<hbm>>) dst(%arg8 : memref<79x128xi32, #tpu.memory_space<vmem>>)
      tpu.yield
    }) : () -> ()
    %mul3A_1 = arith.constant 640 : i32
    %mul3A_2 = arith.muli %arg1, %mul3A_1 : i32
    "tpu.region"() ({
      %run_scoped3A = tpu.sem_alloc : memref<!tpu.dma_semaphore, #tpu.memory_space<semaphore_mem>>
      %dma_start3A = arith.constant 0 : i32
      %dma_start3A_13 = tpu.memref_slice %arg10[%mul3A_2, %dma_start3A] : memref<10240x128xf32, #tpu.memory_space<vmem_shared>> -> memref<640x128xf32, #tpu.memory_space<vmem_shared>>
      tpu.enqueue_dma source(%arg5 : memref<640x128xf32, #tpu.memory_space<hbm>>) target(%dma_start3A_13 : memref<640x128xf32, #tpu.memory_space<vmem_shared>>) target_semaphore(%run_scoped3A : memref<!tpu.dma_semaphore, #tpu.memory_space<semaphore_mem>>)
      %dma_wait3A = arith.constant 0 : i32
      %dma_wait3A_14 = tpu.memref_slice %arg10[%mul3A_2, %dma_wait3A] : memref<10240x128xf32, #tpu.memory_space<vmem_shared>> -> memref<640x128xf32, #tpu.memory_space<vmem_shared>>
      tpu.wait_dma2 semaphore(%run_scoped3A : memref<!tpu.dma_semaphore, #tpu.memory_space<semaphore_mem>>) src(%arg5 : memref<640x128xf32, #tpu.memory_space<hbm>>) dst(%dma_wait3A_14 : memref<640x128xf32, #tpu.memory_space<vmem_shared>>)
      tpu.yield
    }) : () -> ()
    %barrier3A = arith.constant 0 : index
    tpu.barrier barrier_id(%barrier3A)
    %scan3A = arith.constant 0 : i32
    %scan3A_3 = arith.constant 0 : i32
    %scan3A_4 = arith.constant 79 : i32
    %scan3A_5 = arith.addi %scan3A_3, %scan3A_4 : i32
    %scan3A_6 = arith.constant 1 : i32
    scf.for %scan3A_13 = %scan3A_3 to %scan3A_5 step %scan3A_6  : i32 {
      %dma_start3A = arith.constant 0 : i32
      %dma_start3A_14 = tpu.memref_slice %arg7[%scan3A_13, %dma_start3A] : memref<79x128xi32, #tpu.memory_space<vmem>> -> memref<1x128xi32, #tpu.memory_space<vmem>>
      %dma_start3A_15 = tpu.memref_squeeze %dma_start3A_14 : memref<1x128xi32, #tpu.memory_space<vmem>> -> memref<128xi32, #tpu.memory_space<vmem>>
      %dma_start3A_16 = arith.constant 0 : i32
      %dma_start3A_17 = arith.constant 0 : i32
      %dma_start3A_18 = tpu.memref_slice %arg2[%dma_start3A_16, %dma_start3A_17] : memref<40960x128xf32, #tpu.memory_space<hbm>> -> memref<40960x128xf32, #tpu.memory_space<hbm>>
      tpu.enqueue_indirect_dma source(%dma_start3A_18 : memref<40960x128xf32, #tpu.memory_space<hbm>>) target(%arg9 : memref<128x128xf32, #tpu.memory_space<vmem>>) offsets(%dma_start3A_15 : memref<128xi32, #tpu.memory_space<vmem>>) semaphore(%arg11 : memref<!tpu.dma_semaphore, #tpu.memory_space<semaphore_mem>>)
      %dma_wait3A = arith.constant 0 : i32
      %dma_wait3A_19 = tpu.memref_slice %arg7[%scan3A_13, %dma_wait3A] : memref<79x128xi32, #tpu.memory_space<vmem>> -> memref<1x128xi32, #tpu.memory_space<vmem>>
      %dma_wait3A_20 = tpu.memref_squeeze %dma_wait3A_19 : memref<1x128xi32, #tpu.memory_space<vmem>> -> memref<128xi32, #tpu.memory_space<vmem>>
      %dma_wait3A_21 = arith.constant 0 : i32
      %dma_wait3A_22 = arith.constant 0 : i32
      %dma_wait3A_23 = tpu.memref_slice %arg2[%dma_wait3A_21, %dma_wait3A_22] : memref<40960x128xf32, #tpu.memory_space<hbm>> -> memref<40960x128xf32, #tpu.memory_space<hbm>>
      tpu.wait_indirect_dma semaphore(%arg11 : memref<!tpu.dma_semaphore, #tpu.memory_space<semaphore_mem>>) src(%dma_wait3A_23 : memref<40960x128xf32, #tpu.memory_space<hbm>>) dst(%arg9 : memref<128x128xf32, #tpu.memory_space<vmem>>)
      "tpu.region"() ({
        %run_scoped3A = tpu.sem_alloc : memref<!tpu.dma_semaphore, #tpu.memory_space<semaphore_mem>>
        %dma_start3A_24 = arith.constant 0 : i32
        %dma_start3A_25 = tpu.memref_slice %arg8[%scan3A_13, %dma_start3A_24] : memref<79x128xi32, #tpu.memory_space<vmem>> -> memref<1x128xi32, #tpu.memory_space<vmem>>
        %dma_start3A_26 = tpu.memref_squeeze %dma_start3A_25 : memref<1x128xi32, #tpu.memory_space<vmem>> -> memref<128xi32, #tpu.memory_space<vmem>>
        %dma_start3A_27 = arith.constant 0 : i32
        %dma_start3A_28 = arith.constant 0 : i32
        %dma_start3A_29 = tpu.memref_slice %arg10[%dma_start3A_27, %dma_start3A_28] : memref<10240x128xf32, #tpu.memory_space<vmem_shared>> -> memref<10240x128xf32, #tpu.memory_space<vmem_shared>>
        tpu.enqueue_indirect_dma source(%arg9 : memref<128x128xf32, #tpu.memory_space<vmem>>) target(%dma_start3A_29 : memref<10240x128xf32, #tpu.memory_space<vmem_shared>>) offsets(%dma_start3A_26 : memref<128xi32, #tpu.memory_space<vmem>>) semaphore(%run_scoped3A : memref<!tpu.dma_semaphore, #tpu.memory_space<semaphore_mem>>) {add = true}
        %dma_wait3A_30 = arith.constant 0 : i32
        %dma_wait3A_31 = tpu.memref_slice %arg8[%scan3A_13, %dma_wait3A_30] : memref<79x128xi32, #tpu.memory_space<vmem>> -> memref<1x128xi32, #tpu.memory_space<vmem>>
        %dma_wait3A_32 = tpu.memref_squeeze %dma_wait3A_31 : memref<1x128xi32, #tpu.memory_space<vmem>> -> memref<128xi32, #tpu.memory_space<vmem>>
        %dma_wait3A_33 = arith.constant 0 : i32
        %dma_wait3A_34 = arith.constant 0 : i32
        %dma_wait3A_35 = tpu.memref_slice %arg10[%dma_wait3A_33, %dma_wait3A_34] : memref<10240x128xf32, #tpu.memory_space<vmem_shared>> -> memref<10240x128xf32, #tpu.memory_space<vmem_shared>>
        tpu.wait_indirect_dma semaphore(%run_scoped3A : memref<!tpu.dma_semaphore, #tpu.memory_space<semaphore_mem>>) src(%arg9 : memref<128x128xf32, #tpu.memory_space<vmem>>) dst(%dma_wait3A_35 : memref<10240x128xf32, #tpu.memory_space<vmem_shared>>)
        tpu.yield
      }) : () -> ()
    }
    %scan3A_7 = arith.constant 79 : i32
    %barrier3A_8 = arith.constant 0 : index
    tpu.barrier barrier_id(%barrier3A_8)
    %mul3A_9 = arith.constant 640 : i32
    %mul3A_10 = arith.muli %arg1, %mul3A_9 : i32
    %mul3A_11 = arith.constant 640 : i32
    %mul3A_12 = arith.muli %arg1, %mul3A_11 : i32
    "tpu.region"() ({
      %run_scoped3A = tpu.sem_alloc : memref<!tpu.dma_semaphore, #tpu.memory_space<semaphore_mem>>
      %dma_start3A = arith.constant 0 : i32
      %dma_start3A_13 = tpu.memref_slice %arg6[%arg0, %mul3A_12, %dma_start3A] : memref<2x10240x128xf32, #tpu.memory_space<hbm>> -> memref<1x640x128xf32, #tpu.memory_space<hbm>>
      %dma_start3A_14 = tpu.memref_squeeze %dma_start3A_13 : memref<1x640x128xf32, #tpu.memory_space<hbm>> -> memref<640x128xf32, #tpu.memory_space<hbm>>
      %dma_start3A_15 = arith.constant 0 : i32
      %dma_start3A_16 = tpu.memref_slice %arg10[%mul3A_10, %dma_start3A_15] : memref<10240x128xf32, #tpu.memory_space<vmem_shared>> -> memref<640x128xf32, #tpu.memory_space<vmem_shared>>
      tpu.enqueue_dma source(%dma_start3A_16 : memref<640x128xf32, #tpu.memory_space<vmem_shared>>) target(%dma_start3A_14 : memref<640x128xf32, #tpu.memory_space<hbm>>) target_semaphore(%run_scoped3A : memref<!tpu.dma_semaphore, #tpu.memory_space<semaphore_mem>>)
      %dma_wait3A = arith.constant 0 : i32
      %dma_wait3A_17 = tpu.memref_slice %arg6[%arg0, %mul3A_12, %dma_wait3A] : memref<2x10240x128xf32, #tpu.memory_space<hbm>> -> memref<1x640x128xf32, #tpu.memory_space<hbm>>
      %dma_wait3A_18 = tpu.memref_squeeze %dma_wait3A_17 : memref<1x640x128xf32, #tpu.memory_space<hbm>> -> memref<640x128xf32, #tpu.memory_space<hbm>>
      %dma_wait3A_19 = arith.constant 0 : i32
      %dma_wait3A_20 = tpu.memref_slice %arg10[%mul3A_10, %dma_wait3A_19] : memref<10240x128xf32, #tpu.memory_space<vmem_shared>> -> memref<640x128xf32, #tpu.memory_space<vmem_shared>>
      tpu.wait_dma2 semaphore(%run_scoped3A : memref<!tpu.dma_semaphore, #tpu.memory_space<semaphore_mem>>) src(%dma_wait3A_20 : memref<640x128xf32, #tpu.memory_space<vmem_shared>>) dst(%dma_wait3A_18 : memref<640x128xf32, #tpu.memory_space<hbm>>)
      tpu.yield
    }) : () -> ()
    return
  }
}

#map = affine_map<(d0, d1) -> (0, 0)>
#map1 = affine_map<(d0, d1) -> (0, 0, 0)>
module attributes {stable_mosaic.version = 14 : i64} {
  func.func @_sc_body(%arg0: i32, %arg1: i32, %arg2: memref<40960x128xf32, #tpu.memory_space<hbm>>, %arg3: memref<32x79x128xi32, #tpu.memory_space<hbm>>, %arg4: memref<32x79x128xi32, #tpu.memory_space<hbm>>, %arg5: memref<640x128xf32, #tpu.memory_space<hbm>>, %arg6: memref<2x10240x128xf32, #tpu.memory_space<hbm>>, %arg7: memref<79x128xi32, #tpu.memory_space<vmem>>, %arg8: memref<79x128xi32, #tpu.memory_space<vmem>>, %arg9: memref<128x128xf32, #tpu.memory_space<vmem>>, %arg10: memref<10240x128xf32, #tpu.memory_space<vmem_shared>>, %arg11: memref<!tpu.dma_semaphore, #tpu.memory_space<semaphore_mem>>) attributes {dimension_semantics = [#tpu.dimension_semantics<core_parallel>, #tpu.dimension_semantics<subcore_parallel>], iteration_bounds = array<i64: 2, 16>, scalar_prefetch = 0 : i64, scratch_operands = 5 : i64, tpu.core_type = #tpu.core_type<sc_vector_subcore>, window_params = [{transform_indices = #map}, {transform_indices = #map1}, {transform_indices = #map1}, {transform_indices = #map}, {transform_indices = #map1}]} {
    %mul3A = arith.constant 16 : i32
    %mul3A_0 = arith.muli %arg0, %mul3A : i32
    %add3A = arith.addi %mul3A_0, %arg1 : i32
    "tpu.region"() ({
      %run_scoped3A = tpu.sem_alloc : memref<!tpu.dma_semaphore, #tpu.memory_space<semaphore_mem>>
      %dma_start3A = arith.constant 0 : i32
      %dma_start3A_13 = arith.constant 0 : i32
      %dma_start3A_14 = tpu.memref_slice %arg3[%add3A, %dma_start3A, %dma_start3A_13] : memref<32x79x128xi32, #tpu.memory_space<hbm>> -> memref<1x79x128xi32, #tpu.memory_space<hbm>>
      %dma_start3A_15 = tpu.memref_squeeze %dma_start3A_14 : memref<1x79x128xi32, #tpu.memory_space<hbm>> -> memref<79x128xi32, #tpu.memory_space<hbm>>
      %dma_start3A_16 = arith.constant 0 : i32
      %dma_start3A_17 = arith.constant 0 : i32
      %dma_start3A_18 = tpu.memref_slice %arg3[%add3A, %dma_start3A_16, %dma_start3A_17] : memref<32x79x128xi32, #tpu.memory_space<hbm>> -> memref<1x79x128xi32, #tpu.memory_space<hbm>>
      %dma_start3A_19 = tpu.memref_squeeze %dma_start3A_18 : memref<1x79x128xi32, #tpu.memory_space<hbm>> -> memref<79x128xi32, #tpu.memory_space<hbm>>
      tpu.enqueue_dma source(%dma_start3A_19 : memref<79x128xi32, #tpu.memory_space<hbm>>) target(%arg7 : memref<79x128xi32, #tpu.memory_space<vmem>>) target_semaphore(%run_scoped3A : memref<!tpu.dma_semaphore, #tpu.memory_space<semaphore_mem>>)
      %dma_wait3A = arith.constant 0 : i32
      %dma_wait3A_20 = arith.constant 0 : i32
      %dma_wait3A_21 = tpu.memref_slice %arg3[%add3A, %dma_wait3A, %dma_wait3A_20] : memref<32x79x128xi32, #tpu.memory_space<hbm>> -> memref<1x79x128xi32, #tpu.memory_space<hbm>>
      %dma_wait3A_22 = tpu.memref_squeeze %dma_wait3A_21 : memref<1x79x128xi32, #tpu.memory_space<hbm>> -> memref<79x128xi32, #tpu.memory_space<hbm>>
      %dma_wait3A_23 = arith.constant 0 : i32
      %dma_wait3A_24 = arith.constant 0 : i32
      %dma_wait3A_25 = tpu.memref_slice %arg3[%add3A, %dma_wait3A_23, %dma_wait3A_24] : memref<32x79x128xi32, #tpu.memory_space<hbm>> -> memref<1x79x128xi32, #tpu.memory_space<hbm>>
      %dma_wait3A_26 = tpu.memref_squeeze %dma_wait3A_25 : memref<1x79x128xi32, #tpu.memory_space<hbm>> -> memref<79x128xi32, #tpu.memory_space<hbm>>
      tpu.wait_dma2 semaphore(%run_scoped3A : memref<!tpu.dma_semaphore, #tpu.memory_space<semaphore_mem>>) src(%dma_wait3A_26 : memref<79x128xi32, #tpu.memory_space<hbm>>) dst(%arg7 : memref<79x128xi32, #tpu.memory_space<vmem>>)
      tpu.yield
    }) : () -> ()
    "tpu.region"() ({
      %run_scoped3A = tpu.sem_alloc : memref<!tpu.dma_semaphore, #tpu.memory_space<semaphore_mem>>
      %dma_start3A = arith.constant 0 : i32
      %dma_start3A_13 = arith.constant 0 : i32
      %dma_start3A_14 = tpu.memref_slice %arg4[%add3A, %dma_start3A, %dma_start3A_13] : memref<32x79x128xi32, #tpu.memory_space<hbm>> -> memref<1x79x128xi32, #tpu.memory_space<hbm>>
      %dma_start3A_15 = tpu.memref_squeeze %dma_start3A_14 : memref<1x79x128xi32, #tpu.memory_space<hbm>> -> memref<79x128xi32, #tpu.memory_space<hbm>>
      %dma_start3A_16 = arith.constant 0 : i32
      %dma_start3A_17 = arith.constant 0 : i32
      %dma_start3A_18 = tpu.memref_slice %arg4[%add3A, %dma_start3A_16, %dma_start3A_17] : memref<32x79x128xi32, #tpu.memory_space<hbm>> -> memref<1x79x128xi32, #tpu.memory_space<hbm>>
      %dma_start3A_19 = tpu.memref_squeeze %dma_start3A_18 : memref<1x79x128xi32, #tpu.memory_space<hbm>> -> memref<79x128xi32, #tpu.memory_space<hbm>>
      tpu.enqueue_dma source(%dma_start3A_19 : memref<79x128xi32, #tpu.memory_space<hbm>>) target(%arg8 : memref<79x128xi32, #tpu.memory_space<vmem>>) target_semaphore(%run_scoped3A : memref<!tpu.dma_semaphore, #tpu.memory_space<semaphore_mem>>)
      %dma_wait3A = arith.constant 0 : i32
      %dma_wait3A_20 = arith.constant 0 : i32
      %dma_wait3A_21 = tpu.memref_slice %arg4[%add3A, %dma_wait3A, %dma_wait3A_20] : memref<32x79x128xi32, #tpu.memory_space<hbm>> -> memref<1x79x128xi32, #tpu.memory_space<hbm>>
      %dma_wait3A_22 = tpu.memref_squeeze %dma_wait3A_21 : memref<1x79x128xi32, #tpu.memory_space<hbm>> -> memref<79x128xi32, #tpu.memory_space<hbm>>
      %dma_wait3A_23 = arith.constant 0 : i32
      %dma_wait3A_24 = arith.constant 0 : i32
      %dma_wait3A_25 = tpu.memref_slice %arg4[%add3A, %dma_wait3A_23, %dma_wait3A_24] : memref<32x79x128xi32, #tpu.memory_space<hbm>> -> memref<1x79x128xi32, #tpu.memory_space<hbm>>
      %dma_wait3A_26 = tpu.memref_squeeze %dma_wait3A_25 : memref<1x79x128xi32, #tpu.memory_space<hbm>> -> memref<79x128xi32, #tpu.memory_space<hbm>>
      tpu.wait_dma2 semaphore(%run_scoped3A : memref<!tpu.dma_semaphore, #tpu.memory_space<semaphore_mem>>) src(%dma_wait3A_26 : memref<79x128xi32, #tpu.memory_space<hbm>>) dst(%arg8 : memref<79x128xi32, #tpu.memory_space<vmem>>)
      tpu.yield
    }) : () -> ()
    %mul3A_1 = arith.constant 640 : i32
    %mul3A_2 = arith.muli %arg1, %mul3A_1 : i32
    "tpu.region"() ({
      %run_scoped3A = tpu.sem_alloc : memref<!tpu.dma_semaphore, #tpu.memory_space<semaphore_mem>>
      %dma_start3A = arith.constant 0 : i32
      %dma_start3A_13 = tpu.memref_slice %arg10[%mul3A_2, %dma_start3A] : memref<10240x128xf32, #tpu.memory_space<vmem_shared>> -> memref<640x128xf32, #tpu.memory_space<vmem_shared>>
      tpu.enqueue_dma source(%arg5 : memref<640x128xf32, #tpu.memory_space<hbm>>) target(%dma_start3A_13 : memref<640x128xf32, #tpu.memory_space<vmem_shared>>) target_semaphore(%run_scoped3A : memref<!tpu.dma_semaphore, #tpu.memory_space<semaphore_mem>>)
      %dma_wait3A = arith.constant 0 : i32
      %dma_wait3A_14 = tpu.memref_slice %arg10[%mul3A_2, %dma_wait3A] : memref<10240x128xf32, #tpu.memory_space<vmem_shared>> -> memref<640x128xf32, #tpu.memory_space<vmem_shared>>
      tpu.wait_dma2 semaphore(%run_scoped3A : memref<!tpu.dma_semaphore, #tpu.memory_space<semaphore_mem>>) src(%arg5 : memref<640x128xf32, #tpu.memory_space<hbm>>) dst(%dma_wait3A_14 : memref<640x128xf32, #tpu.memory_space<vmem_shared>>)
      tpu.yield
    }) : () -> ()
    %barrier3A = arith.constant 0 : index
    tpu.barrier barrier_id(%barrier3A)
    %scan3A = arith.constant 0 : i32
    %scan3A_3 = arith.constant 0 : i32
    %scan3A_4 = arith.constant 79 : i32
    %scan3A_5 = arith.addi %scan3A_3, %scan3A_4 : i32
    %scan3A_6 = arith.constant 1 : i32
    scf.for %scan3A_13 = %scan3A_3 to %scan3A_5 step %scan3A_6  : i32 {
      %dma_start3A = arith.constant 0 : i32
      %dma_start3A_14 = tpu.memref_slice %arg7[%scan3A_13, %dma_start3A] : memref<79x128xi32, #tpu.memory_space<vmem>> -> memref<1x128xi32, #tpu.memory_space<vmem>>
      %dma_start3A_15 = tpu.memref_squeeze %dma_start3A_14 : memref<1x128xi32, #tpu.memory_space<vmem>> -> memref<128xi32, #tpu.memory_space<vmem>>
      %dma_start3A_16 = arith.constant 0 : i32
      %dma_start3A_17 = arith.constant 0 : i32
      %dma_start3A_18 = tpu.memref_slice %arg2[%dma_start3A_16, %dma_start3A_17] : memref<40960x128xf32, #tpu.memory_space<hbm>> -> memref<40960x128xf32, #tpu.memory_space<hbm>>
      tpu.enqueue_indirect_dma source(%dma_start3A_18 : memref<40960x128xf32, #tpu.memory_space<hbm>>) target(%arg9 : memref<128x128xf32, #tpu.memory_space<vmem>>) offsets(%dma_start3A_15 : memref<128xi32, #tpu.memory_space<vmem>>) semaphore(%arg11 : memref<!tpu.dma_semaphore, #tpu.memory_space<semaphore_mem>>)
      %dma_wait3A = arith.constant 0 : i32
      %dma_wait3A_19 = tpu.memref_slice %arg7[%scan3A_13, %dma_wait3A] : memref<79x128xi32, #tpu.memory_space<vmem>> -> memref<1x128xi32, #tpu.memory_space<vmem>>
      %dma_wait3A_20 = tpu.memref_squeeze %dma_wait3A_19 : memref<1x128xi32, #tpu.memory_space<vmem>> -> memref<128xi32, #tpu.memory_space<vmem>>
      %dma_wait3A_21 = arith.constant 0 : i32
      %dma_wait3A_22 = arith.constant 0 : i32
      %dma_wait3A_23 = tpu.memref_slice %arg2[%dma_wait3A_21, %dma_wait3A_22] : memref<40960x128xf32, #tpu.memory_space<hbm>> -> memref<40960x128xf32, #tpu.memory_space<hbm>>
      tpu.wait_indirect_dma semaphore(%arg11 : memref<!tpu.dma_semaphore, #tpu.memory_space<semaphore_mem>>) src(%dma_wait3A_23 : memref<40960x128xf32, #tpu.memory_space<hbm>>) dst(%arg9 : memref<128x128xf32, #tpu.memory_space<vmem>>)
      "tpu.region"() ({
        %run_scoped3A = tpu.sem_alloc : memref<!tpu.dma_semaphore, #tpu.memory_space<semaphore_mem>>
        %dma_start3A_24 = arith.constant 0 : i32
        %dma_start3A_25 = tpu.memref_slice %arg8[%scan3A_13, %dma_start3A_24] : memref<79x128xi32, #tpu.memory_space<vmem>> -> memref<1x128xi32, #tpu.memory_space<vmem>>
        %dma_start3A_26 = tpu.memref_squeeze %dma_start3A_25 : memref<1x128xi32, #tpu.memory_space<vmem>> -> memref<128xi32, #tpu.memory_space<vmem>>
        %dma_start3A_27 = arith.constant 0 : i32
        %dma_start3A_28 = arith.constant 0 : i32
        %dma_start3A_29 = tpu.memref_slice %arg10[%dma_start3A_27, %dma_start3A_28] : memref<10240x128xf32, #tpu.memory_space<vmem_shared>> -> memref<10240x128xf32, #tpu.memory_space<vmem_shared>>
        tpu.enqueue_indirect_dma source(%arg9 : memref<128x128xf32, #tpu.memory_space<vmem>>) target(%dma_start3A_29 : memref<10240x128xf32, #tpu.memory_space<vmem_shared>>) offsets(%dma_start3A_26 : memref<128xi32, #tpu.memory_space<vmem>>) semaphore(%run_scoped3A : memref<!tpu.dma_semaphore, #tpu.memory_space<semaphore_mem>>) {add = true}
        %dma_wait3A_30 = arith.constant 0 : i32
        %dma_wait3A_31 = tpu.memref_slice %arg8[%scan3A_13, %dma_wait3A_30] : memref<79x128xi32, #tpu.memory_space<vmem>> -> memref<1x128xi32, #tpu.memory_space<vmem>>
        %dma_wait3A_32 = tpu.memref_squeeze %dma_wait3A_31 : memref<1x128xi32, #tpu.memory_space<vmem>> -> memref<128xi32, #tpu.memory_space<vmem>>
        %dma_wait3A_33 = arith.constant 0 : i32
        %dma_wait3A_34 = arith.constant 0 : i32
        %dma_wait3A_35 = tpu.memref_slice %arg10[%dma_wait3A_33, %dma_wait3A_34] : memref<10240x128xf32, #tpu.memory_space<vmem_shared>> -> memref<10240x128xf32, #tpu.memory_space<vmem_shared>>
        tpu.wait_indirect_dma semaphore(%run_scoped3A : memref<!tpu.dma_semaphore, #tpu.memory_space<semaphore_mem>>) src(%arg9 : memref<128x128xf32, #tpu.memory_space<vmem>>) dst(%dma_wait3A_35 : memref<10240x128xf32, #tpu.memory_space<vmem_shared>>)
        tpu.yield
      }) : () -> ()
    }
    %scan3A_7 = arith.constant 79 : i32
    %barrier3A_8 = arith.constant 0 : index
    tpu.barrier barrier_id(%barrier3A_8)
    %mul3A_9 = arith.constant 640 : i32
    %mul3A_10 = arith.muli %arg1, %mul3A_9 : i32
    %mul3A_11 = arith.constant 640 : i32
    %mul3A_12 = arith.muli %arg1, %mul3A_11 : i32
    "tpu.region"() ({
      %run_scoped3A = tpu.sem_alloc : memref<!tpu.dma_semaphore, #tpu.memory_space<semaphore_mem>>
      %dma_start3A = arith.constant 0 : i32
      %dma_start3A_13 = tpu.memref_slice %arg6[%arg0, %mul3A_12, %dma_start3A] : memref<2x10240x128xf32, #tpu.memory_space<hbm>> -> memref<1x640x128xf32, #tpu.memory_space<hbm>>
      %dma_start3A_14 = tpu.memref_squeeze %dma_start3A_13 : memref<1x640x128xf32, #tpu.memory_space<hbm>> -> memref<640x128xf32, #tpu.memory_space<hbm>>
      %dma_start3A_15 = arith.constant 0 : i32
      %dma_start3A_16 = tpu.memref_slice %arg10[%mul3A_10, %dma_start3A_15] : memref<10240x128xf32, #tpu.memory_space<vmem_shared>> -> memref<640x128xf32, #tpu.memory_space<vmem_shared>>
      tpu.enqueue_dma source(%dma_start3A_16 : memref<640x128xf32, #tpu.memory_space<vmem_shared>>) target(%dma_start3A_14 : memref<640x128xf32, #tpu.memory_space<hbm>>) target_semaphore(%run_scoped3A : memref<!tpu.dma_semaphore, #tpu.memory_space<semaphore_mem>>)
      %dma_wait3A = arith.constant 0 : i32
      %dma_wait3A_17 = tpu.memref_slice %arg6[%arg0, %mul3A_12, %dma_wait3A] : memref<2x10240x128xf32, #tpu.memory_space<hbm>> -> memref<1x640x128xf32, #tpu.memory_space<hbm>>
      %dma_wait3A_18 = tpu.memref_squeeze %dma_wait3A_17 : memref<1x640x128xf32, #tpu.memory_space<hbm>> -> memref<640x128xf32, #tpu.memory_space<hbm>>
      %dma_wait3A_19 = arith.constant 0 : i32
      %dma_wait3A_20 = tpu.memref_slice %arg10[%mul3A_10, %dma_wait3A_19] : memref<10240x128xf32, #tpu.memory_space<vmem_shared>> -> memref<640x128xf32, #tpu.memory_space<vmem_shared>>
      tpu.wait_dma2 semaphore(%run_scoped3A : memref<!tpu.dma_semaphore, #tpu.memory_space<semaphore_mem>>) src(%dma_wait3A_20 : memref<640x128xf32, #tpu.memory_space<vmem_shared>>) dst(%dma_wait3A_18 : memref<640x128xf32, #tpu.memory_space<hbm>>)
      tpu.yield
    }) : () -> ()
    return
  }
}

module attributes {stable_mosaic.version = 14 : i64} {
  func.func @_tc0_body(%arg0: i32, %arg1: memref<1x1x2048xi32, #tpu.memory_space<vmem>>, %arg2: memref<1x1x2048xi32, #tpu.memory_space<vmem>>, %arg3: memref<128x128xf32, #tpu.memory_space<vmem>>, %arg4: memref<128x128xf32, #tpu.memory_space<vmem>>, %arg5: memref<8x128xf32, #tpu.memory_space<vmem>>, %arg6: memref<2048x128xf32, #tpu.memory_space<vmem>>, %arg7: memref<4x2048x128xf32, #tpu.memory_space<vmem>>) attributes {dimension_semantics = [#tpu.dimension_semantics<arbitrary>], iteration_bounds = array<i64: 5>, scalar_prefetch = 0 : i64, scratch_operands = 0 : i64, tpu.core_type = #tpu.core_type<tc>, window_params = [{transform_indices = @transform_0, window_bounds = array<i64: 1, 1, 2048>}, {transform_indices = @transform_1, window_bounds = array<i64: 1, 1, 2048>}, {pipeline_mode = #tpu.pipeline_mode<synchronous>, transform_indices = @transform_2, window_bounds = array<i64: 128, 128>}, {pipeline_mode = #tpu.pipeline_mode<synchronous>, transform_indices = @transform_3, window_bounds = array<i64: 128, 128>}, {pipeline_mode = #tpu.pipeline_mode<synchronous>, transform_indices = @transform_4, window_bounds = array<i64: 8, 128>}, {transform_indices = @transform_5, window_bounds = array<i64: 2048, 128>}, {transform_indices = @transform_6, window_bounds = array<i64: 4, 2048, 128>}]} {
    %get3A = arith.constant 0 : index
    %get3A_0 = arith.constant 0 : index
    %get3A_1 = arith.constant 0 : index
    %get3A_2 = vector.load %arg1[%get3A, %get3A_0, %get3A_1] : memref<1x1x2048xi32, #tpu.memory_space<vmem>>, vector<1x1x2048xi32>
    %get3A_3 = vector.shape_cast %get3A_2 : vector<1x1x2048xi32> to vector<2048xi32>
    %iota3A = tpu.iota {dimensions = array<i32: 1>} : vector<2048x128xi32>
    %broadcast_in_dim3A = vector.shape_cast %get3A_3 : vector<2048xi32> to vector<2048x1xi32>
    %eq3A = vector.broadcast %broadcast_in_dim3A : vector<2048x1xi32> to vector<2048x128xi32>
    %eq3A_4 = arith.cmpi eq, %eq3A, %iota3A : vector<2048x128xi32>
    %convert_element_type3A = arith.extui %eq3A_4 : vector<2048x128xi1> to vector<2048x128xi32>
    %convert_element_type3A_5 = arith.sitofp %convert_element_type3A : vector<2048x128xi32> to vector<2048x128xf32>
    %get3A_6 = arith.constant 0 : index
    %get3A_7 = arith.constant 0 : index
    %get3A_8 = vector.load %arg3[%get3A_6, %get3A_7] : memref<128x128xf32, #tpu.memory_space<vmem>>, vector<128x128xf32>
    %dot_general3A = arith.constant dense<0.000000e+00> : vector<2048x128xf32>
    %dot_general3A_9 = tpu.matmul %convert_element_type3A_5, %get3A_8, %dot_general3A {dimension_numbers = #tpu.dot_dimension_numbers<[1], [0], [0], [1], [0, 0, 1, 1], [], []>, transpose_lhs_hint = false} : vector<2048x128xf32>, vector<128x128xf32>, vector<2048x128xf32> -> vector<2048x128xf32>
    %get3A_10 = arith.constant 0 : index
    %get3A_11 = arith.constant 0 : index
    %get3A_12 = arith.constant 0 : index
    %get3A_13 = vector.load %arg2[%get3A_10, %get3A_11, %get3A_12] : memref<1x1x2048xi32, #tpu.memory_space<vmem>>, vector<1x1x2048xi32>
    %get3A_14 = vector.shape_cast %get3A_13 : vector<1x1x2048xi32> to vector<2048xi32>
    %iota3A_15 = tpu.iota {dimensions = array<i32: 1>} : vector<2048x128xi32>
    %broadcast_in_dim3A_16 = vector.shape_cast %get3A_14 : vector<2048xi32> to vector<2048x1xi32>
    %eq3A_17 = vector.broadcast %broadcast_in_dim3A_16 : vector<2048x1xi32> to vector<2048x128xi32>
    %eq3A_18 = arith.cmpi eq, %eq3A_17, %iota3A_15 : vector<2048x128xi32>
    %convert_element_type3A_19 = arith.extui %eq3A_18 : vector<2048x128xi1> to vector<2048x128xi32>
    %convert_element_type3A_20 = arith.sitofp %convert_element_type3A_19 : vector<2048x128xi32> to vector<2048x128xf32>
    %get3A_21 = arith.constant 0 : index
    %get3A_22 = arith.constant 0 : index
    %get3A_23 = vector.load %arg4[%get3A_21, %get3A_22] : memref<128x128xf32, #tpu.memory_space<vmem>>, vector<128x128xf32>
    %dot_general3A_24 = arith.constant dense<0.000000e+00> : vector<2048x128xf32>
    %dot_general3A_25 = tpu.matmul %convert_element_type3A_20, %get3A_23, %dot_general3A_24 {dimension_numbers = #tpu.dot_dimension_numbers<[1], [0], [0], [1], [0, 0, 1, 1], [], []>, transpose_lhs_hint = false} : vector<2048x128xf32>, vector<128x128xf32>, vector<2048x128xf32> -> vector<2048x128xf32>
    %add3A = arith.addf %dot_general3A_9, %dot_general3A_25 : vector<2048x128xf32>
    %swap3A = arith.constant 0 : index
    %swap3A_26 = arith.constant 0 : index
    %swap3A_27 = vector.load %arg6[%swap3A, %swap3A_26] : memref<2048x128xf32, #tpu.memory_space<vmem>>, vector<2048x128xf32>
    tpu.vector_store %arg6[%swap3A, %swap3A_26], %add3A {strides = array<i32>} : memref<2048x128xf32, #tpu.memory_space<vmem>>, vector<2048x128xf32>,
    %get3A_28 = arith.constant 0 : index
    %get3A_29 = arith.constant 0 : index
    %get3A_30 = vector.load %arg5[%get3A_28, %get3A_29] : memref<8x128xf32, #tpu.memory_space<vmem>>, vector<1x128xf32>
    %get3A_31 = vector.shape_cast %get3A_30 : vector<1x128xf32> to vector<128xf32>
    %broadcast_in_dim3A_32 = vector.shape_cast %get3A_31 : vector<128xf32> to vector<1x128xf32>
    %add3A_33 = vector.broadcast %broadcast_in_dim3A_32 : vector<1x128xf32> to vector<2048x128xf32>
    %add3A_34 = arith.addf %add3A, %add3A_33 : vector<2048x128xf32>
    %max3A = arith.constant 0.000000e+00 : f32
    %max3A_35 = vector.broadcast %max3A : f32 to vector<2048x128xf32>
    %max3A_36 = arith.maximumf %add3A_34, %max3A_35 : vector<2048x128xf32>
    %swap3A_37 = arith.constant 0 : index
    %swap3A_38 = arith.constant 0 : index
    %swap3A_39 = arith.constant 0 : index
    %swap3A_40 = vector.load %arg7[%swap3A_37, %swap3A_38, %swap3A_39] : memref<4x2048x128xf32, #tpu.memory_space<vmem>>, vector<1x2048x128xf32>
    %swap3A_41 = vector.shape_cast %swap3A_40 : vector<1x2048x128xf32> to vector<2048x128xf32>
    %swap3A_42 = vector.shape_cast %max3A_36 : vector<2048x128xf32> to vector<1x2048x128xf32>
    tpu.vector_store %arg7[%swap3A_37, %swap3A_38, %swap3A_39], %swap3A_42 {strides = array<i32>} : memref<4x2048x128xf32, #tpu.memory_space<vmem>>, vector<1x2048x128xf32>,
    %get3A_43 = arith.constant 1 : index
    %get3A_44 = arith.constant 0 : index
    %get3A_45 = vector.load %arg5[%get3A_43, %get3A_44] : memref<8x128xf32, #tpu.memory_space<vmem>>, vector<1x128xf32>
    %get3A_46 = vector.shape_cast %get3A_45 : vector<1x128xf32> to vector<128xf32>
    %broadcast_in_dim3A_47 = vector.shape_cast %get3A_46 : vector<128xf32> to vector<1x128xf32>
    %add3A_48 = vector.broadcast %broadcast_in_dim3A_47 : vector<1x128xf32> to vector<2048x128xf32>
    %add3A_49 = arith.addf %add3A, %add3A_48 : vector<2048x128xf32>
    %max3A_50 = arith.constant 0.000000e+00 : f32
    %max3A_51 = vector.broadcast %max3A_50 : f32 to vector<2048x128xf32>
    %max3A_52 = arith.maximumf %add3A_49, %max3A_51 : vector<2048x128xf32>
    %swap3A_53 = arith.constant 1 : index
    %swap3A_54 = arith.constant 0 : index
    %swap3A_55 = arith.constant 0 : index
    %swap3A_56 = vector.load %arg7[%swap3A_53, %swap3A_54, %swap3A_55] : memref<4x2048x128xf32, #tpu.memory_space<vmem>>, vector<1x2048x128xf32>
    %swap3A_57 = vector.shape_cast %swap3A_56 : vector<1x2048x128xf32> to vector<2048x128xf32>
    %swap3A_58 = vector.shape_cast %max3A_52 : vector<2048x128xf32> to vector<1x2048x128xf32>
    tpu.vector_store %arg7[%swap3A_53, %swap3A_54, %swap3A_55], %swap3A_58 {strides = array<i32>} : memref<4x2048x128xf32, #tpu.memory_space<vmem>>, vector<1x2048x128xf32>,
    %get3A_59 = arith.constant 2 : index
    %get3A_60 = arith.constant 0 : index
    %get3A_61 = vector.load %arg5[%get3A_59, %get3A_60] : memref<8x128xf32, #tpu.memory_space<vmem>>, vector<1x128xf32>
    %get3A_62 = vector.shape_cast %get3A_61 : vector<1x128xf32> to vector<128xf32>
    %broadcast_in_dim3A_63 = vector.shape_cast %get3A_62 : vector<128xf32> to vector<1x128xf32>
    %add3A_64 = vector.broadcast %broadcast_in_dim3A_63 : vector<1x128xf32> to vector<2048x128xf32>
    %add3A_65 = arith.addf %add3A, %add3A_64 : vector<2048x128xf32>
    %max3A_66 = arith.constant 0.000000e+00 : f32
    %max3A_67 = vector.broadcast %max3A_66 : f32 to vector<2048x128xf32>
    %max3A_68 = arith.maximumf %add3A_65, %max3A_67 : vector<2048x128xf32>
    %swap3A_69 = arith.constant 2 : index
    %swap3A_70 = arith.constant 0 : index
    %swap3A_71 = arith.constant 0 : index
    %swap3A_72 = vector.load %arg7[%swap3A_69, %swap3A_70, %swap3A_71] : memref<4x2048x128xf32, #tpu.memory_space<vmem>>, vector<1x2048x128xf32>
    %swap3A_73 = vector.shape_cast %swap3A_72 : vector<1x2048x128xf32> to vector<2048x128xf32>
    %swap3A_74 = vector.shape_cast %max3A_68 : vector<2048x128xf32> to vector<1x2048x128xf32>
    tpu.vector_store %arg7[%swap3A_69, %swap3A_70, %swap3A_71], %swap3A_74 {strides = array<i32>} : memref<4x2048x128xf32, #tpu.memory_space<vmem>>, vector<1x2048x128xf32>,
    %get3A_75 = arith.constant 3 : index
    %get3A_76 = arith.constant 0 : index
    %get3A_77 = vector.load %arg5[%get3A_75, %get3A_76] : memref<8x128xf32, #tpu.memory_space<vmem>>, vector<1x128xf32>
    %get3A_78 = vector.shape_cast %get3A_77 : vector<1x128xf32> to vector<128xf32>
    %broadcast_in_dim3A_79 = vector.shape_cast %get3A_78 : vector<128xf32> to vector<1x128xf32>
    %add3A_80 = vector.broadcast %broadcast_in_dim3A_79 : vector<1x128xf32> to vector<2048x128xf32>
    %add3A_81 = arith.addf %add3A, %add3A_80 : vector<2048x128xf32>
    %max3A_82 = arith.constant 0.000000e+00 : f32
    %max3A_83 = vector.broadcast %max3A_82 : f32 to vector<2048x128xf32>
    %max3A_84 = arith.maximumf %add3A_81, %max3A_83 : vector<2048x128xf32>
    %swap3A_85 = arith.constant 3 : index
    %swap3A_86 = arith.constant 0 : index
    %swap3A_87 = arith.constant 0 : index
    %swap3A_88 = vector.load %arg7[%swap3A_85, %swap3A_86, %swap3A_87] : memref<4x2048x128xf32, #tpu.memory_space<vmem>>, vector<1x2048x128xf32>
    %swap3A_89 = vector.shape_cast %swap3A_88 : vector<1x2048x128xf32> to vector<2048x128xf32>
    %swap3A_90 = vector.shape_cast %max3A_84 : vector<2048x128xf32> to vector<1x2048x128xf32>
    tpu.vector_store %arg7[%swap3A_85, %swap3A_86, %swap3A_87], %swap3A_90 {strides = array<i32>} : memref<4x2048x128xf32, #tpu.memory_space<vmem>>, vector<1x2048x128xf32>,
    return
  }
  func.func @transform_0(%arg0: i32) -> (i32, i32, i32) {
    %c0_i32 = arith.constant 0 : i32
    %c0_i32_0 = arith.constant 0 : i32
    %c0_i32_1 = arith.constant 0 : i32
    return %arg0, %c0_i32, %c0_i32_0 : i32, i32, i32
  }
  func.func @transform_1(%arg0: i32) -> (i32, i32, i32) {
    %c0_i32 = arith.constant 0 : i32
    %c0_i32_0 = arith.constant 0 : i32
    %c0_i32_1 = arith.constant 0 : i32
    return %arg0, %c0_i32, %c0_i32_0 : i32, i32, i32
  }
  func.func @transform_2(%arg0: i32) -> (i32, i32) {
    %c0_i32 = arith.constant 0 : i32
    %c0_i32_0 = arith.constant 0 : i32
    %c0_i32_1 = arith.constant 0 : i32
    return %c0_i32, %c0_i32_0 : i32, i32
  }
  func.func @transform_3(%arg0: i32) -> (i32, i32) {
    %c0_i32 = arith.constant 0 : i32
    %c0_i32_0 = arith.constant 0 : i32
    %c0_i32_1 = arith.constant 0 : i32
    return %c0_i32, %c0_i32_0 : i32, i32
  }
  func.func @transform_4(%arg0: i32) -> (i32, i32) {
    %c0_i32 = arith.constant 0 : i32
    %c0_i32_0 = arith.constant 0 : i32
    %c0_i32_1 = arith.constant 0 : i32
    return %c0_i32, %c0_i32_0 : i32, i32
  }
  func.func @transform_5(%arg0: i32) -> (i32, i32) {
    %c0_i32 = arith.constant 0 : i32
    %c0_i32_0 = arith.constant 0 : i32
    return %arg0, %c0_i32 : i32, i32
  }
  func.func @transform_6(%arg0: i32) -> (i32, i32, i32) {
    %c0_i32 = arith.constant 0 : i32
    %c0_i32_0 = arith.constant 0 : i32
    %c0_i32_1 = arith.constant 0 : i32
    return %c0_i32, %arg0, %c0_i32_0 : i32, i32, i32
  }
}

module attributes {stable_mosaic.version = 14 : i64} {
  func.func @_tc2_body(%arg0: i32, %arg1: memref<2048x128xf32, #tpu.memory_space<vmem>>, %arg2: memref<1x1x2048xi32, #tpu.memory_space<vmem>>, %arg3: memref<128x128xf32, #tpu.memory_space<vmem>>, %arg4: memref<8x128xf32, #tpu.memory_space<vmem>>, %arg5: memref<2048x128xf32, #tpu.memory_space<vmem>>, %arg6: memref<4x2048x128xf32, #tpu.memory_space<vmem>>) attributes {dimension_semantics = [#tpu.dimension_semantics<arbitrary>], iteration_bounds = array<i64: 5>, scalar_prefetch = 0 : i64, scratch_operands = 0 : i64, tpu.core_type = #tpu.core_type<tc>, window_params = [{transform_indices = @transform_0, window_bounds = array<i64: 2048, 128>}, {transform_indices = @transform_1, window_bounds = array<i64: 1, 1, 2048>}, {pipeline_mode = #tpu.pipeline_mode<synchronous>, transform_indices = @transform_2, window_bounds = array<i64: 128, 128>}, {pipeline_mode = #tpu.pipeline_mode<synchronous>, transform_indices = @transform_3, window_bounds = array<i64: 8, 128>}, {transform_indices = @transform_4, window_bounds = array<i64: 2048, 128>}, {transform_indices = @transform_5, window_bounds = array<i64: 4, 2048, 128>}]} {
    %get3A = arith.constant 0 : index
    %get3A_0 = arith.constant 0 : index
    %get3A_1 = arith.constant 0 : index
    %get3A_2 = vector.load %arg2[%get3A, %get3A_0, %get3A_1] : memref<1x1x2048xi32, #tpu.memory_space<vmem>>, vector<1x1x2048xi32>
    %get3A_3 = vector.shape_cast %get3A_2 : vector<1x1x2048xi32> to vector<2048xi32>
    %iota3A = tpu.iota {dimensions = array<i32: 1>} : vector<2048x128xi32>
    %broadcast_in_dim3A = vector.shape_cast %get3A_3 : vector<2048xi32> to vector<2048x1xi32>
    %eq3A = vector.broadcast %broadcast_in_dim3A : vector<2048x1xi32> to vector<2048x128xi32>
    %eq3A_4 = arith.cmpi eq, %eq3A, %iota3A : vector<2048x128xi32>
    %convert_element_type3A = arith.extui %eq3A_4 : vector<2048x128xi1> to vector<2048x128xi32>
    %convert_element_type3A_5 = arith.sitofp %convert_element_type3A : vector<2048x128xi32> to vector<2048x128xf32>
    %get3A_6 = arith.constant 0 : index
    %get3A_7 = arith.constant 0 : index
    %get3A_8 = vector.load %arg1[%get3A_6, %get3A_7] : memref<2048x128xf32, #tpu.memory_space<vmem>>, vector<2048x128xf32>
    %get3A_9 = arith.constant 0 : index
    %get3A_10 = arith.constant 0 : index
    %get3A_11 = vector.load %arg3[%get3A_9, %get3A_10] : memref<128x128xf32, #tpu.memory_space<vmem>>, vector<128x128xf32>
    %dot_general3A = arith.constant dense<0.000000e+00> : vector<2048x128xf32>
    %dot_general3A_12 = tpu.matmul %convert_element_type3A_5, %get3A_11, %dot_general3A {dimension_numbers = #tpu.dot_dimension_numbers<[1], [0], [0], [1], [0, 0, 1, 1], [], []>, transpose_lhs_hint = false} : vector<2048x128xf32>, vector<128x128xf32>, vector<2048x128xf32> -> vector<2048x128xf32>
    %add3A = arith.addf %get3A_8, %dot_general3A_12 : vector<2048x128xf32>
    %swap3A = arith.constant 0 : index
    %swap3A_13 = arith.constant 0 : index
    %swap3A_14 = vector.load %arg5[%swap3A, %swap3A_13] : memref<2048x128xf32, #tpu.memory_space<vmem>>, vector<2048x128xf32>
    tpu.vector_store %arg5[%swap3A, %swap3A_13], %add3A {strides = array<i32>} : memref<2048x128xf32, #tpu.memory_space<vmem>>, vector<2048x128xf32>,
    %get3A_15 = arith.constant 0 : index
    %get3A_16 = arith.constant 0 : index
    %get3A_17 = vector.load %arg4[%get3A_15, %get3A_16] : memref<8x128xf32, #tpu.memory_space<vmem>>, vector<1x128xf32>
    %get3A_18 = vector.shape_cast %get3A_17 : vector<1x128xf32> to vector<128xf32>
    %broadcast_in_dim3A_19 = vector.shape_cast %get3A_18 : vector<128xf32> to vector<1x128xf32>
    %add3A_20 = vector.broadcast %broadcast_in_dim3A_19 : vector<1x128xf32> to vector<2048x128xf32>
    %add3A_21 = arith.addf %add3A, %add3A_20 : vector<2048x128xf32>
    %max3A = arith.constant 0.000000e+00 : f32
    %max3A_22 = vector.broadcast %max3A : f32 to vector<2048x128xf32>
    %max3A_23 = arith.maximumf %add3A_21, %max3A_22 : vector<2048x128xf32>
    %swap3A_24 = arith.constant 0 : index
    %swap3A_25 = arith.constant 0 : index
    %swap3A_26 = arith.constant 0 : index
    %swap3A_27 = vector.load %arg6[%swap3A_24, %swap3A_25, %swap3A_26] : memref<4x2048x128xf32, #tpu.memory_space<vmem>>, vector<1x2048x128xf32>
    %swap3A_28 = vector.shape_cast %swap3A_27 : vector<1x2048x128xf32> to vector<2048x128xf32>
    %swap3A_29 = vector.shape_cast %max3A_23 : vector<2048x128xf32> to vector<1x2048x128xf32>
    tpu.vector_store %arg6[%swap3A_24, %swap3A_25, %swap3A_26], %swap3A_29 {strides = array<i32>} : memref<4x2048x128xf32, #tpu.memory_space<vmem>>, vector<1x2048x128xf32>,
    %get3A_30 = arith.constant 1 : index
    %get3A_31 = arith.constant 0 : index
    %get3A_32 = vector.load %arg4[%get3A_30, %get3A_31] : memref<8x128xf32, #tpu.memory_space<vmem>>, vector<1x128xf32>
    %get3A_33 = vector.shape_cast %get3A_32 : vector<1x128xf32> to vector<128xf32>
    %broadcast_in_dim3A_34 = vector.shape_cast %get3A_33 : vector<128xf32> to vector<1x128xf32>
    %add3A_35 = vector.broadcast %broadcast_in_dim3A_34 : vector<1x128xf32> to vector<2048x128xf32>
    %add3A_36 = arith.addf %add3A, %add3A_35 : vector<2048x128xf32>
    %max3A_37 = arith.constant 0.000000e+00 : f32
    %max3A_38 = vector.broadcast %max3A_37 : f32 to vector<2048x128xf32>
    %max3A_39 = arith.maximumf %add3A_36, %max3A_38 : vector<2048x128xf32>
    %swap3A_40 = arith.constant 1 : index
    %swap3A_41 = arith.constant 0 : index
    %swap3A_42 = arith.constant 0 : index
    %swap3A_43 = vector.load %arg6[%swap3A_40, %swap3A_41, %swap3A_42] : memref<4x2048x128xf32, #tpu.memory_space<vmem>>, vector<1x2048x128xf32>
    %swap3A_44 = vector.shape_cast %swap3A_43 : vector<1x2048x128xf32> to vector<2048x128xf32>
    %swap3A_45 = vector.shape_cast %max3A_39 : vector<2048x128xf32> to vector<1x2048x128xf32>
    tpu.vector_store %arg6[%swap3A_40, %swap3A_41, %swap3A_42], %swap3A_45 {strides = array<i32>} : memref<4x2048x128xf32, #tpu.memory_space<vmem>>, vector<1x2048x128xf32>,
    %get3A_46 = arith.constant 2 : index
    %get3A_47 = arith.constant 0 : index
    %get3A_48 = vector.load %arg4[%get3A_46, %get3A_47] : memref<8x128xf32, #tpu.memory_space<vmem>>, vector<1x128xf32>
    %get3A_49 = vector.shape_cast %get3A_48 : vector<1x128xf32> to vector<128xf32>
    %broadcast_in_dim3A_50 = vector.shape_cast %get3A_49 : vector<128xf32> to vector<1x128xf32>
    %add3A_51 = vector.broadcast %broadcast_in_dim3A_50 : vector<1x128xf32> to vector<2048x128xf32>
    %add3A_52 = arith.addf %add3A, %add3A_51 : vector<2048x128xf32>
    %max3A_53 = arith.constant 0.000000e+00 : f32
    %max3A_54 = vector.broadcast %max3A_53 : f32 to vector<2048x128xf32>
    %max3A_55 = arith.maximumf %add3A_52, %max3A_54 : vector<2048x128xf32>
    %swap3A_56 = arith.constant 2 : index
    %swap3A_57 = arith.constant 0 : index
    %swap3A_58 = arith.constant 0 : index
    %swap3A_59 = vector.load %arg6[%swap3A_56, %swap3A_57, %swap3A_58] : memref<4x2048x128xf32, #tpu.memory_space<vmem>>, vector<1x2048x128xf32>
    %swap3A_60 = vector.shape_cast %swap3A_59 : vector<1x2048x128xf32> to vector<2048x128xf32>
    %swap3A_61 = vector.shape_cast %max3A_55 : vector<2048x128xf32> to vector<1x2048x128xf32>
    tpu.vector_store %arg6[%swap3A_56, %swap3A_57, %swap3A_58], %swap3A_61 {strides = array<i32>} : memref<4x2048x128xf32, #tpu.memory_space<vmem>>, vector<1x2048x128xf32>,
    %get3A_62 = arith.constant 3 : index
    %get3A_63 = arith.constant 0 : index
    %get3A_64 = vector.load %arg4[%get3A_62, %get3A_63] : memref<8x128xf32, #tpu.memory_space<vmem>>, vector<1x128xf32>
    %get3A_65 = vector.shape_cast %get3A_64 : vector<1x128xf32> to vector<128xf32>
    %broadcast_in_dim3A_66 = vector.shape_cast %get3A_65 : vector<128xf32> to vector<1x128xf32>
    %add3A_67 = vector.broadcast %broadcast_in_dim3A_66 : vector<1x128xf32> to vector<2048x128xf32>
    %add3A_68 = arith.addf %add3A, %add3A_67 : vector<2048x128xf32>
    %max3A_69 = arith.constant 0.000000e+00 : f32
    %max3A_70 = vector.broadcast %max3A_69 : f32 to vector<2048x128xf32>
    %max3A_71 = arith.maximumf %add3A_68, %max3A_70 : vector<2048x128xf32>
    %swap3A_72 = arith.constant 3 : index
    %swap3A_73 = arith.constant 0 : index
    %swap3A_74 = arith.constant 0 : index
    %swap3A_75 = vector.load %arg6[%swap3A_72, %swap3A_73, %swap3A_74] : memref<4x2048x128xf32, #tpu.memory_space<vmem>>, vector<1x2048x128xf32>
    %swap3A_76 = vector.shape_cast %swap3A_75 : vector<1x2048x128xf32> to vector<2048x128xf32>
    %swap3A_77 = vector.shape_cast %max3A_71 : vector<2048x128xf32> to vector<1x2048x128xf32>
    tpu.vector_store %arg6[%swap3A_72, %swap3A_73, %swap3A_74], %swap3A_77 {strides = array<i32>} : memref<4x2048x128xf32, #tpu.memory_space<vmem>>, vector<1x2048x128xf32>,
    return
  }
  func.func @transform_0(%arg0: i32) -> (i32, i32) {
    %c0_i32 = arith.constant 0 : i32
    %c0_i32_0 = arith.constant 0 : i32
    return %arg0, %c0_i32 : i32, i32
  }
  func.func @transform_1(%arg0: i32) -> (i32, i32, i32) {
    %c0_i32 = arith.constant 0 : i32
    %c0_i32_0 = arith.constant 0 : i32
    %c0_i32_1 = arith.constant 0 : i32
    return %arg0, %c0_i32, %c0_i32_0 : i32, i32, i32
  }
  func.func @transform_2(%arg0: i32) -> (i32, i32) {
    %c0_i32 = arith.constant 0 : i32
    %c0_i32_0 = arith.constant 0 : i32
    %c0_i32_1 = arith.constant 0 : i32
    return %c0_i32, %c0_i32_0 : i32, i32
  }
  func.func @transform_3(%arg0: i32) -> (i32, i32) {
    %c0_i32 = arith.constant 0 : i32
    %c0_i32_0 = arith.constant 0 : i32
    %c0_i32_1 = arith.constant 0 : i32
    return %c0_i32, %c0_i32_0 : i32, i32
  }
  func.func @transform_4(%arg0: i32) -> (i32, i32) {
    %c0_i32 = arith.constant 0 : i32
    %c0_i32_0 = arith.constant 0 : i32
    return %arg0, %c0_i32 : i32, i32
  }
  func.func @transform_5(%arg0: i32) -> (i32, i32, i32) {
    %c0_i32 = arith.constant 0 : i32
    %c0_i32_0 = arith.constant 0 : i32
    %c0_i32_1 = arith.constant 0 : i32
    return %c0_i32, %arg0, %c0_i32_0 : i32, i32, i32
  }
}

module attributes {stable_mosaic.version = 14 : i64} {
  func.func @_tc1_body(%arg0: i32, %arg1: memref<2048x128xf32, #tpu.memory_space<vmem>>, %arg2: memref<2x2048x128xf32, #tpu.memory_space<vmem>>, %arg3: memref<1x1x2048xi32, #tpu.memory_space<vmem>>, %arg4: memref<128x128xf32, #tpu.memory_space<vmem>>, %arg5: memref<1x128xf32, #tpu.memory_space<vmem>>, %arg6: memref<128x256xf32, #tpu.memory_space<vmem>>, %arg7: memref<1x256xf32, #tpu.memory_space<vmem>>, %arg8: memref<256x128xf32, #tpu.memory_space<vmem>>, %arg9: memref<1x128xf32, #tpu.memory_space<vmem>>, %arg10: memref<128x256xf32, #tpu.memory_space<vmem>>, %arg11: memref<1x256xf32, #tpu.memory_space<vmem>>, %arg12: memref<256x128xf32, #tpu.memory_space<vmem>>, %arg13: memref<1x128xf32, #tpu.memory_space<vmem>>, %arg14: memref<2048x128xf32, #tpu.memory_space<vmem>>, %arg15: memref<128x128xf32, #tpu.memory_space<vmem>>, %arg16: memref<128x128xf32, #tpu.memory_space<vmem>>) attributes {dimension_semantics = [#tpu.dimension_semantics<arbitrary>], iteration_bounds = array<i64: 5>, scalar_prefetch = 0 : i64, scratch_operands = 1 : i64, tpu.core_type = #tpu.core_type<tc>, window_params = [{transform_indices = @transform_0, window_bounds = array<i64: 2048, 128>}, {transform_indices = @transform_1, window_bounds = array<i64: 2, 2048, 128>}, {transform_indices = @transform_2, window_bounds = array<i64: 1, 1, 2048>}, {pipeline_mode = #tpu.pipeline_mode<synchronous>, transform_indices = @transform_3, window_bounds = array<i64: 128, 128>}, {pipeline_mode = #tpu.pipeline_mode<synchronous>, transform_indices = @transform_4, window_bounds = array<i64: 1, 128>}, {pipeline_mode = #tpu.pipeline_mode<synchronous>, transform_indices = @transform_5, window_bounds = array<i64: 128, 256>}, {pipeline_mode = #tpu.pipeline_mode<synchronous>, transform_indices = @transform_6, window_bounds = array<i64: 1, 256>}, {pipeline_mode = #tpu.pipeline_mode<synchronous>, transform_indices = @transform_7, window_bounds = array<i64: 256, 128>}, {pipeline_mode = #tpu.pipeline_mode<synchronous>, transform_indices = @transform_8, window_bounds = array<i64: 1, 128>}, {pipeline_mode = #tpu.pipeline_mode<synchronous>, transform_indices = @transform_9, window_bounds = array<i64: 128, 256>}, {pipeline_mode = #tpu.pipeline_mode<synchronous>, transform_indices = @transform_10, window_bounds = array<i64: 1, 256>}, {pipeline_mode = #tpu.pipeline_mode<synchronous>, transform_indices = @transform_11, window_bounds = array<i64: 256, 128>}, {pipeline_mode = #tpu.pipeline_mode<synchronous>, transform_indices = @transform_12, window_bounds = array<i64: 1, 128>}, {transform_indices = @transform_13, window_bounds = array<i64: 2048, 128>}, {pipeline_mode = #tpu.pipeline_mode<synchronous>, transform_indices = @transform_14, window_bounds = array<i64: 128, 128>}]} {
    %eq3A = arith.constant 0 : i32
    %eq3A_0 = arith.cmpi eq, %arg0, %eq3A : i32
    %convert_element_type3A = arith.extui %eq3A_0 : i1 to i32
    %cond3A = arith.constant 0 : i32
    %cond3A_1 = arith.cmpi ne, %convert_element_type3A, %cond3A : i32
    scf.if %cond3A_1 {
      %broadcast_in_dim3A_69 = arith.constant 0.000000e+00 : f32
      %broadcast_in_dim3A_70 = vector.broadcast %broadcast_in_dim3A_69 : f32 to vector<128x128xf32>
      %swap3A_71 = arith.constant 0 : index
      %swap3A_72 = arith.constant 0 : index
      %swap3A_73 = vector.load %arg16[%swap3A_71, %swap3A_72] : memref<128x128xf32, #tpu.memory_space<vmem>>, vector<128x128xf32>
      tpu.vector_store %arg16[%swap3A_71, %swap3A_72], %broadcast_in_dim3A_70 {strides = array<i32>} : memref<128x128xf32, #tpu.memory_space<vmem>>, vector<128x128xf32>,
    } else {
    }
    %get3A = arith.constant 0 : index
    %get3A_2 = arith.constant 0 : index
    %get3A_3 = vector.load %arg1[%get3A, %get3A_2] : memref<2048x128xf32, #tpu.memory_space<vmem>>, vector<2048x128xf32>
    %get3A_4 = arith.constant 0 : index
    %get3A_5 = arith.constant 0 : index
    %get3A_6 = vector.load %arg5[%get3A_4, %get3A_5] : memref<1x128xf32, #tpu.memory_space<vmem>>, vector<1x1xf32>
    %get3A_7 = vector.extract %get3A_6[0, 0] : f32 from vector<1x1xf32>
    %mul3A = vector.broadcast %get3A_7 : f32 to vector<2048x128xf32>
    %mul3A_8 = arith.mulf %mul3A, %get3A_3 : vector<2048x128xf32>
    %get3A_9 = arith.constant 0 : index
    %get3A_10 = arith.constant 0 : index
    %get3A_11 = arith.constant 0 : index
    %get3A_12 = vector.load %arg2[%get3A_9, %get3A_10, %get3A_11] : memref<2x2048x128xf32, #tpu.memory_space<vmem>>, vector<1x2048x128xf32>
    %get3A_13 = vector.shape_cast %get3A_12 : vector<1x2048x128xf32> to vector<2048x128xf32>
    %add3A = arith.addf %mul3A_8, %get3A_13 : vector<2048x128xf32>
    %get3A_14 = arith.constant 1 : index
    %get3A_15 = arith.constant 0 : index
    %get3A_16 = arith.constant 0 : index
    %get3A_17 = vector.load %arg2[%get3A_14, %get3A_15, %get3A_16] : memref<2x2048x128xf32, #tpu.memory_space<vmem>>, vector<1x2048x128xf32>
    %get3A_18 = vector.shape_cast %get3A_17 : vector<1x2048x128xf32> to vector<2048x128xf32>
    %add3A_19 = arith.addf %add3A, %get3A_18 : vector<2048x128xf32>
    %get3A_20 = arith.constant 0 : index
    %get3A_21 = arith.constant 0 : index
    %get3A_22 = vector.load %arg6[%get3A_20, %get3A_21] : memref<128x256xf32, #tpu.memory_space<vmem>>, vector<128x256xf32>
    %dot_general3A = arith.constant dense<0.000000e+00> : vector<2048x256xf32>
    %dot_general3A_23 = tpu.matmul %add3A_19, %get3A_22, %dot_general3A {dimension_numbers = #tpu.dot_dimension_numbers<[1], [0], [0], [1], [0, 0, 1, 1], [], []>, transpose_lhs_hint = false} : vector<2048x128xf32>, vector<128x256xf32>, vector<2048x256xf32> -> vector<2048x256xf32>
    %get3A_24 = arith.constant 0 : index
    %get3A_25 = arith.constant 0 : index
    %get3A_26 = vector.load %arg7[%get3A_24, %get3A_25] : memref<1x256xf32, #tpu.memory_space<vmem>>, vector<1x256xf32>
    %add3A_27 = vector.broadcast %get3A_26 : vector<1x256xf32> to vector<2048x256xf32>
    %add3A_28 = arith.addf %dot_general3A_23, %add3A_27 : vector<2048x256xf32>
    %max3A = arith.constant 0.000000e+00 : f32
    %max3A_29 = vector.broadcast %max3A : f32 to vector<2048x256xf32>
    %max3A_30 = arith.maximumf %add3A_28, %max3A_29 : vector<2048x256xf32>
    %get3A_31 = arith.constant 0 : index
    %get3A_32 = arith.constant 0 : index
    %get3A_33 = vector.load %arg8[%get3A_31, %get3A_32] : memref<256x128xf32, #tpu.memory_space<vmem>>, vector<256x128xf32>
    %dot_general3A_34 = arith.constant dense<0.000000e+00> : vector<2048x128xf32>
    %dot_general3A_35 = tpu.matmul %max3A_30, %get3A_33, %dot_general3A_34 {dimension_numbers = #tpu.dot_dimension_numbers<[1], [0], [0], [1], [0, 0, 1, 1], [], []>, transpose_lhs_hint = false} : vector<2048x256xf32>, vector<256x128xf32>, vector<2048x128xf32> -> vector<2048x128xf32>
    %get3A_36 = arith.constant 0 : index
    %get3A_37 = arith.constant 0 : index
    %get3A_38 = vector.load %arg9[%get3A_36, %get3A_37] : memref<1x128xf32, #tpu.memory_space<vmem>>, vector<1x128xf32>
    %add3A_39 = vector.broadcast %get3A_38 : vector<1x128xf32> to vector<2048x128xf32>
    %add3A_40 = arith.addf %dot_general3A_35, %add3A_39 : vector<2048x128xf32>
    %max3A_41 = arith.constant 0.000000e+00 : f32
    %max3A_42 = vector.broadcast %max3A_41 : f32 to vector<2048x128xf32>
    %max3A_43 = arith.maximumf %add3A_40, %max3A_42 : vector<2048x128xf32>
    %swap3A = arith.constant 0 : index
    %swap3A_44 = arith.constant 0 : index
    %swap3A_45 = vector.load %arg14[%swap3A, %swap3A_44] : memref<2048x128xf32, #tpu.memory_space<vmem>>, vector<2048x128xf32>
    tpu.vector_store %arg14[%swap3A, %swap3A_44], %max3A_43 {strides = array<i32>} : memref<2048x128xf32, #tpu.memory_space<vmem>>, vector<2048x128xf32>,
    %get3A_46 = arith.constant 0 : index
    %get3A_47 = arith.constant 0 : index
    %get3A_48 = arith.constant 0 : index
    %get3A_49 = vector.load %arg3[%get3A_46, %get3A_47, %get3A_48] : memref<1x1x2048xi32, #tpu.memory_space<vmem>>, vector<1x1x2048xi32>
    %get3A_50 = vector.shape_cast %get3A_49 : vector<1x1x2048xi32> to vector<2048xi32>
    %iota3A = tpu.iota {dimensions = array<i32: 1>} : vector<2048x128xi32>
    %broadcast_in_dim3A = vector.shape_cast %get3A_50 : vector<2048xi32> to vector<2048x1xi32>
    %eq3A_51 = vector.broadcast %broadcast_in_dim3A : vector<2048x1xi32> to vector<2048x128xi32>
    %eq3A_52 = arith.cmpi eq, %eq3A_51, %iota3A : vector<2048x128xi32>
    %convert_element_type3A_53 = arith.extui %eq3A_52 : vector<2048x128xi1> to vector<2048x128xi32>
    %convert_element_type3A_54 = arith.sitofp %convert_element_type3A_53 : vector<2048x128xi32> to vector<2048x128xf32>
    %get3A_55 = arith.constant 0 : index
    %get3A_56 = arith.constant 0 : index
    %get3A_57 = vector.load %arg16[%get3A_55, %get3A_56] : memref<128x128xf32, #tpu.memory_space<vmem>>, vector<128x128xf32>
    %dot_general3A_58 = arith.constant dense<0.000000e+00> : vector<128x128xf32>
    %dot_general3A_59 = tpu.matmul %convert_element_type3A_54, %get3A_3, %dot_general3A_58 {dimension_numbers = #tpu.dot_dimension_numbers<[0], [0], [1], [1], [0, 1, 1, 1], [], []>, transpose_lhs_hint = false} : vector<2048x128xf32>, vector<2048x128xf32>, vector<128x128xf32> -> vector<128x128xf32>
    %add3A_60 = arith.addf %get3A_57, %dot_general3A_59 : vector<128x128xf32>
    %swap3A_61 = arith.constant 0 : index
    %swap3A_62 = arith.constant 0 : index
    %swap3A_63 = vector.load %arg16[%swap3A_61, %swap3A_62] : memref<128x128xf32, #tpu.memory_space<vmem>>, vector<128x128xf32>
    tpu.vector_store %arg16[%swap3A_61, %swap3A_62], %add3A_60 {strides = array<i32>} : memref<128x128xf32, #tpu.memory_space<vmem>>, vector<128x128xf32>,
    %eq3A_64 = arith.constant 4 : i32
    %eq3A_65 = arith.cmpi eq, %arg0, %eq3A_64 : i32
    %convert_element_type3A_66 = arith.extui %eq3A_65 : i1 to i32
    %cond3A_67 = arith.constant 0 : i32
    %cond3A_68 = arith.cmpi ne, %convert_element_type3A_66, %cond3A_67 : i32
    scf.if %cond3A_68 {
      %get3A_69 = arith.constant 0 : index
      %get3A_70 = arith.constant 0 : index
      %get3A_71 = vector.load %arg16[%get3A_69, %get3A_70] : memref<128x128xf32, #tpu.memory_space<vmem>>, vector<128x128xf32>
      %get3A_72 = arith.constant 0 : index
      %get3A_73 = arith.constant 0 : index
      %get3A_74 = vector.load %arg4[%get3A_72, %get3A_73] : memref<128x128xf32, #tpu.memory_space<vmem>>, vector<128x128xf32>
      %add3A_75 = arith.addf %get3A_71, %get3A_74 : vector<128x128xf32>
      %get3A_76 = arith.constant 0 : index
      %get3A_77 = arith.constant 0 : index
      %get3A_78 = vector.load %arg10[%get3A_76, %get3A_77] : memref<128x256xf32, #tpu.memory_space<vmem>>, vector<128x256xf32>
      %dot_general3A_79 = arith.constant dense<0.000000e+00> : vector<128x256xf32>
      %dot_general3A_80 = tpu.matmul %add3A_75, %get3A_78, %dot_general3A_79 {dimension_numbers = #tpu.dot_dimension_numbers<[1], [0], [0], [1], [0, 0, 1, 1], [], []>, transpose_lhs_hint = false} : vector<128x128xf32>, vector<128x256xf32>, vector<128x256xf32> -> vector<128x256xf32>
      %get3A_81 = arith.constant 0 : index
      %get3A_82 = arith.constant 0 : index
      %get3A_83 = vector.load %arg11[%get3A_81, %get3A_82] : memref<1x256xf32, #tpu.memory_space<vmem>>, vector<1x256xf32>
      %add3A_84 = vector.broadcast %get3A_83 : vector<1x256xf32> to vector<128x256xf32>
      %add3A_85 = arith.addf %dot_general3A_80, %add3A_84 : vector<128x256xf32>
      %max3A_86 = arith.constant 0.000000e+00 : f32
      %max3A_87 = vector.broadcast %max3A_86 : f32 to vector<128x256xf32>
      %max3A_88 = arith.maximumf %add3A_85, %max3A_87 : vector<128x256xf32>
      %get3A_89 = arith.constant 0 : index
      %get3A_90 = arith.constant 0 : index
      %get3A_91 = vector.load %arg12[%get3A_89, %get3A_90] : memref<256x128xf32, #tpu.memory_space<vmem>>, vector<256x128xf32>
      %dot_general3A_92 = arith.constant dense<0.000000e+00> : vector<128x128xf32>
      %dot_general3A_93 = tpu.matmul %max3A_88, %get3A_91, %dot_general3A_92 {dimension_numbers = #tpu.dot_dimension_numbers<[1], [0], [0], [1], [0, 0, 1, 1], [], []>, transpose_lhs_hint = false} : vector<128x256xf32>, vector<256x128xf32>, vector<128x128xf32> -> vector<128x128xf32>
      %get3A_94 = arith.constant 0 : index
      %get3A_95 = arith.constant 0 : index
      %get3A_96 = vector.load %arg13[%get3A_94, %get3A_95] : memref<1x128xf32, #tpu.memory_space<vmem>>, vector<1x128xf32>
      %add3A_97 = vector.broadcast %get3A_96 : vector<1x128xf32> to vector<128x128xf32>
      %add3A_98 = arith.addf %dot_general3A_93, %add3A_97 : vector<128x128xf32>
      %max3A_99 = arith.constant 0.000000e+00 : f32
      %max3A_100 = vector.broadcast %max3A_99 : f32 to vector<128x128xf32>
      %max3A_101 = arith.maximumf %add3A_98, %max3A_100 : vector<128x128xf32>
      %swap3A_102 = arith.constant 0 : index
      %swap3A_103 = arith.constant 0 : index
      %swap3A_104 = vector.load %arg15[%swap3A_102, %swap3A_103] : memref<128x128xf32, #tpu.memory_space<vmem>>, vector<128x128xf32>
      tpu.vector_store %arg15[%swap3A_102, %swap3A_103], %max3A_101 {strides = array<i32>} : memref<128x128xf32, #tpu.memory_space<vmem>>, vector<128x128xf32>,
    } else {
    }
    return
  }
  func.func @transform_0(%arg0: i32) -> (i32, i32) {
    %c0_i32 = arith.constant 0 : i32
    %c0_i32_0 = arith.constant 0 : i32
    return %arg0, %c0_i32 : i32, i32
  }
  func.func @transform_1(%arg0: i32) -> (i32, i32, i32) {
    %c0_i32 = arith.constant 0 : i32
    %c0_i32_0 = arith.constant 0 : i32
    %c0_i32_1 = arith.constant 0 : i32
    return %c0_i32, %arg0, %c0_i32_0 : i32, i32, i32
  }
  func.func @transform_2(%arg0: i32) -> (i32, i32, i32) {
    %c0_i32 = arith.constant 0 : i32
    %c0_i32_0 = arith.constant 0 : i32
    %c0_i32_1 = arith.constant 0 : i32
    return %arg0, %c0_i32, %c0_i32_0 : i32, i32, i32
  }
  func.func @transform_3(%arg0: i32) -> (i32, i32) {
    %c0_i32 = arith.constant 0 : i32
    %c0_i32_0 = arith.constant 0 : i32
    %c0_i32_1 = arith.constant 0 : i32
    return %c0_i32, %c0_i32_0 : i32, i32
  }
  func.func @transform_4(%arg0: i32) -> (i32, i32) {
    %c0_i32 = arith.constant 0 : i32
    %c0_i32_0 = arith.constant 0 : i32
    %c0_i32_1 = arith.constant 0 : i32
    return %c0_i32, %c0_i32_0 : i32, i32
  }
  func.func @transform_5(%arg0: i32) -> (i32, i32) {
    %c0_i32 = arith.constant 0 : i32
    %c0_i32_0 = arith.constant 0 : i32
    %c0_i32_1 = arith.constant 0 : i32
    return %c0_i32, %c0_i32_0 : i32, i32
  }
  func.func @transform_6(%arg0: i32) -> (i32, i32) {
    %c0_i32 = arith.constant 0 : i32
    %c0_i32_0 = arith.constant 0 : i32
    %c0_i32_1 = arith.constant 0 : i32
    return %c0_i32, %c0_i32_0 : i32, i32
  }
  func.func @transform_7(%arg0: i32) -> (i32, i32) {
    %c0_i32 = arith.constant 0 : i32
    %c0_i32_0 = arith.constant 0 : i32
    %c0_i32_1 = arith.constant 0 : i32
    return %c0_i32, %c0_i32_0 : i32, i32
  }
  func.func @transform_8(%arg0: i32) -> (i32, i32) {
    %c0_i32 = arith.constant 0 : i32
    %c0_i32_0 = arith.constant 0 : i32
    %c0_i32_1 = arith.constant 0 : i32
    return %c0_i32, %c0_i32_0 : i32, i32
  }
  func.func @transform_9(%arg0: i32) -> (i32, i32) {
    %c0_i32 = arith.constant 0 : i32
    %c0_i32_0 = arith.constant 0 : i32
    %c0_i32_1 = arith.constant 0 : i32
    return %c0_i32, %c0_i32_0 : i32, i32
  }
  func.func @transform_10(%arg0: i32) -> (i32, i32) {
    %c0_i32 = arith.constant 0 : i32
    %c0_i32_0 = arith.constant 0 : i32
    %c0_i32_1 = arith.constant 0 : i32
    return %c0_i32, %c0_i32_0 : i32, i32
  }
  func.func @transform_11(%arg0: i32) -> (i32, i32) {
    %c0_i32 = arith.constant 0 : i32
    %c0_i32_0 = arith.constant 0 : i32
    %c0_i32_1 = arith.constant 0 : i32
    return %c0_i32, %c0_i32_0 : i32, i32
  }
  func.func @transform_12(%arg0: i32) -> (i32, i32) {
    %c0_i32 = arith.constant 0 : i32
    %c0_i32_0 = arith.constant 0 : i32
    %c0_i32_1 = arith.constant 0 : i32
    return %c0_i32, %c0_i32_0 : i32, i32
  }
  func.func @transform_13(%arg0: i32) -> (i32, i32) {
    %c0_i32 = arith.constant 0 : i32
    %c0_i32_0 = arith.constant 0 : i32
    return %arg0, %c0_i32 : i32, i32
  }
  func.func @transform_14(%arg0: i32) -> (i32, i32) {
    %c0_i32 = arith.constant 0 : i32
    %c0_i32_0 = arith.constant 0 : i32
    %c0_i32_1 = arith.constant 0 : i32
    return %c0_i32, %c0_i32_0 : i32, i32
  }
}

module attributes {stable_mosaic.version = 14 : i64} {
  func.func @_tcf_body(%arg0: i32, %arg1: memref<2048x128xf32, #tpu.memory_space<vmem>>, %arg2: memref<2x2048x128xf32, #tpu.memory_space<vmem>>, %arg3: memref<1x1x2048xi32, #tpu.memory_space<vmem>>, %arg4: memref<1x128xf32, #tpu.memory_space<vmem>>, %arg5: memref<128x256xf32, #tpu.memory_space<vmem>>, %arg6: memref<1x256xf32, #tpu.memory_space<vmem>>, %arg7: memref<256x128xf32, #tpu.memory_space<vmem>>, %arg8: memref<1x128xf32, #tpu.memory_space<vmem>>, %arg9: memref<128x128xf32, #tpu.memory_space<vmem>>, %arg10: memref<1x128xf32, #tpu.memory_space<vmem>>, %arg11: memref<128x128xf32, #tpu.memory_space<vmem>>, %arg12: memref<128x128xf32, #tpu.memory_space<vmem>>, %arg13: memref<1x128xf32, #tpu.memory_space<vmem>>) attributes {dimension_semantics = [#tpu.dimension_semantics<arbitrary>], iteration_bounds = array<i64: 5>, scalar_prefetch = 0 : i64, scratch_operands = 2 : i64, tpu.core_type = #tpu.core_type<tc>, window_params = [{transform_indices = @transform_0, window_bounds = array<i64: 2048, 128>}, {transform_indices = @transform_1, window_bounds = array<i64: 2, 2048, 128>}, {transform_indices = @transform_2, window_bounds = array<i64: 1, 1, 2048>}, {pipeline_mode = #tpu.pipeline_mode<synchronous>, transform_indices = @transform_3, window_bounds = array<i64: 1, 128>}, {pipeline_mode = #tpu.pipeline_mode<synchronous>, transform_indices = @transform_4, window_bounds = array<i64: 128, 256>}, {pipeline_mode = #tpu.pipeline_mode<synchronous>, transform_indices = @transform_5, window_bounds = array<i64: 1, 256>}, {pipeline_mode = #tpu.pipeline_mode<synchronous>, transform_indices = @transform_6, window_bounds = array<i64: 256, 128>}, {pipeline_mode = #tpu.pipeline_mode<synchronous>, transform_indices = @transform_7, window_bounds = array<i64: 1, 128>}, {pipeline_mode = #tpu.pipeline_mode<synchronous>, transform_indices = @transform_8, window_bounds = array<i64: 128, 128>}, {pipeline_mode = #tpu.pipeline_mode<synchronous>, transform_indices = @transform_9, window_bounds = array<i64: 1, 128>}, {pipeline_mode = #tpu.pipeline_mode<synchronous>, transform_indices = @transform_10, window_bounds = array<i64: 128, 128>}]} {
    %eq3A = arith.constant 0 : i32
    %eq3A_0 = arith.cmpi eq, %arg0, %eq3A : i32
    %convert_element_type3A = arith.extui %eq3A_0 : i1 to i32
    %cond3A = arith.constant 0 : i32
    %cond3A_1 = arith.cmpi ne, %convert_element_type3A, %cond3A : i32
    scf.if %cond3A_1 {
      %broadcast_in_dim3A_72 = arith.constant 0.000000e+00 : f32
      %broadcast_in_dim3A_73 = vector.broadcast %broadcast_in_dim3A_72 : f32 to vector<128x128xf32>
      %swap3A_74 = arith.constant 0 : index
      %swap3A_75 = arith.constant 0 : index
      %swap3A_76 = vector.load %arg12[%swap3A_74, %swap3A_75] : memref<128x128xf32, #tpu.memory_space<vmem>>, vector<128x128xf32>
      tpu.vector_store %arg12[%swap3A_74, %swap3A_75], %broadcast_in_dim3A_73 {strides = array<i32>} : memref<128x128xf32, #tpu.memory_space<vmem>>, vector<128x128xf32>,
      %broadcast_in_dim3A_77 = arith.constant 0.000000e+00 : f32
      %broadcast_in_dim3A_78 = vector.broadcast %broadcast_in_dim3A_77 : f32 to vector<1x128xf32>
      %swap3A_79 = arith.constant 0 : index
      %swap3A_80 = arith.constant 0 : index
      %swap3A_81 = vector.load %arg13[%swap3A_79, %swap3A_80] : memref<1x128xf32, #tpu.memory_space<vmem>>, vector<1x128xf32>
      tpu.vector_store %arg13[%swap3A_79, %swap3A_80], %broadcast_in_dim3A_78 {strides = array<i32>} : memref<1x128xf32, #tpu.memory_space<vmem>>, vector<1x128xf32>,
    } else {
    }
    %get3A = arith.constant 0 : index
    %get3A_2 = arith.constant 0 : index
    %get3A_3 = vector.load %arg1[%get3A, %get3A_2] : memref<2048x128xf32, #tpu.memory_space<vmem>>, vector<2048x128xf32>
    %get3A_4 = arith.constant 0 : index
    %get3A_5 = arith.constant 0 : index
    %get3A_6 = vector.load %arg4[%get3A_4, %get3A_5] : memref<1x128xf32, #tpu.memory_space<vmem>>, vector<1x1xf32>
    %get3A_7 = vector.extract %get3A_6[0, 0] : f32 from vector<1x1xf32>
    %mul3A = vector.broadcast %get3A_7 : f32 to vector<2048x128xf32>
    %mul3A_8 = arith.mulf %mul3A, %get3A_3 : vector<2048x128xf32>
    %get3A_9 = arith.constant 0 : index
    %get3A_10 = arith.constant 0 : index
    %get3A_11 = arith.constant 0 : index
    %get3A_12 = vector.load %arg2[%get3A_9, %get3A_10, %get3A_11] : memref<2x2048x128xf32, #tpu.memory_space<vmem>>, vector<1x2048x128xf32>
    %get3A_13 = vector.shape_cast %get3A_12 : vector<1x2048x128xf32> to vector<2048x128xf32>
    %add3A = arith.addf %mul3A_8, %get3A_13 : vector<2048x128xf32>
    %get3A_14 = arith.constant 1 : index
    %get3A_15 = arith.constant 0 : index
    %get3A_16 = arith.constant 0 : index
    %get3A_17 = vector.load %arg2[%get3A_14, %get3A_15, %get3A_16] : memref<2x2048x128xf32, #tpu.memory_space<vmem>>, vector<1x2048x128xf32>
    %get3A_18 = vector.shape_cast %get3A_17 : vector<1x2048x128xf32> to vector<2048x128xf32>
    %add3A_19 = arith.addf %add3A, %get3A_18 : vector<2048x128xf32>
    %get3A_20 = arith.constant 0 : index
    %get3A_21 = arith.constant 0 : index
    %get3A_22 = vector.load %arg5[%get3A_20, %get3A_21] : memref<128x256xf32, #tpu.memory_space<vmem>>, vector<128x256xf32>
    %dot_general3A = arith.constant dense<0.000000e+00> : vector<2048x256xf32>
    %dot_general3A_23 = tpu.matmul %add3A_19, %get3A_22, %dot_general3A {dimension_numbers = #tpu.dot_dimension_numbers<[1], [0], [0], [1], [0, 0, 1, 1], [], []>, transpose_lhs_hint = false} : vector<2048x128xf32>, vector<128x256xf32>, vector<2048x256xf32> -> vector<2048x256xf32>
    %get3A_24 = arith.constant 0 : index
    %get3A_25 = arith.constant 0 : index
    %get3A_26 = vector.load %arg6[%get3A_24, %get3A_25] : memref<1x256xf32, #tpu.memory_space<vmem>>, vector<1x256xf32>
    %add3A_27 = vector.broadcast %get3A_26 : vector<1x256xf32> to vector<2048x256xf32>
    %add3A_28 = arith.addf %dot_general3A_23, %add3A_27 : vector<2048x256xf32>
    %max3A = arith.constant 0.000000e+00 : f32
    %max3A_29 = vector.broadcast %max3A : f32 to vector<2048x256xf32>
    %max3A_30 = arith.maximumf %add3A_28, %max3A_29 : vector<2048x256xf32>
    %get3A_31 = arith.constant 0 : index
    %get3A_32 = arith.constant 0 : index
    %get3A_33 = vector.load %arg7[%get3A_31, %get3A_32] : memref<256x128xf32, #tpu.memory_space<vmem>>, vector<256x128xf32>
    %dot_general3A_34 = arith.constant dense<0.000000e+00> : vector<2048x128xf32>
    %dot_general3A_35 = tpu.matmul %max3A_30, %get3A_33, %dot_general3A_34 {dimension_numbers = #tpu.dot_dimension_numbers<[1], [0], [0], [1], [0, 0, 1, 1], [], []>, transpose_lhs_hint = false} : vector<2048x256xf32>, vector<256x128xf32>, vector<2048x128xf32> -> vector<2048x128xf32>
    %get3A_36 = arith.constant 0 : index
    %get3A_37 = arith.constant 0 : index
    %get3A_38 = vector.load %arg8[%get3A_36, %get3A_37] : memref<1x128xf32, #tpu.memory_space<vmem>>, vector<1x128xf32>
    %add3A_39 = vector.broadcast %get3A_38 : vector<1x128xf32> to vector<2048x128xf32>
    %add3A_40 = arith.addf %dot_general3A_35, %add3A_39 : vector<2048x128xf32>
    %get3A_41 = arith.constant 0 : index
    %get3A_42 = arith.constant 0 : index
    %get3A_43 = arith.constant 0 : index
    %get3A_44 = vector.load %arg3[%get3A_41, %get3A_42, %get3A_43] : memref<1x1x2048xi32, #tpu.memory_space<vmem>>, vector<1x1x2048xi32>
    %get3A_45 = vector.shape_cast %get3A_44 : vector<1x1x2048xi32> to vector<2048xi32>
    %iota3A = tpu.iota {dimensions = array<i32: 1>} : vector<2048x128xi32>
    %broadcast_in_dim3A = vector.shape_cast %get3A_45 : vector<2048xi32> to vector<2048x1xi32>
    %eq3A_46 = vector.broadcast %broadcast_in_dim3A : vector<2048x1xi32> to vector<2048x128xi32>
    %eq3A_47 = arith.cmpi eq, %eq3A_46, %iota3A : vector<2048x128xi32>
    %convert_element_type3A_48 = arith.extui %eq3A_47 : vector<2048x128xi1> to vector<2048x128xi32>
    %convert_element_type3A_49 = arith.sitofp %convert_element_type3A_48 : vector<2048x128xi32> to vector<2048x128xf32>
    %get3A_50 = arith.constant 0 : index
    %get3A_51 = arith.constant 0 : index
    %get3A_52 = vector.load %arg12[%get3A_50, %get3A_51] : memref<128x128xf32, #tpu.memory_space<vmem>>, vector<128x128xf32>
    %dot_general3A_53 = arith.constant dense<0.000000e+00> : vector<128x128xf32>
    %dot_general3A_54 = tpu.matmul %convert_element_type3A_49, %add3A_40, %dot_general3A_53 {dimension_numbers = #tpu.dot_dimension_numbers<[0], [0], [1], [1], [0, 1, 1, 1], [], []>, transpose_lhs_hint = false} : vector<2048x128xf32>, vector<2048x128xf32>, vector<128x128xf32> -> vector<128x128xf32>
    %add3A_55 = arith.addf %get3A_52, %dot_general3A_54 : vector<128x128xf32>
    %swap3A = arith.constant 0 : index
    %swap3A_56 = arith.constant 0 : index
    %swap3A_57 = vector.load %arg12[%swap3A, %swap3A_56] : memref<128x128xf32, #tpu.memory_space<vmem>>, vector<128x128xf32>
    tpu.vector_store %arg12[%swap3A, %swap3A_56], %add3A_55 {strides = array<i32>} : memref<128x128xf32, #tpu.memory_space<vmem>>, vector<128x128xf32>,
    %get3A_58 = arith.constant 0 : index
    %get3A_59 = arith.constant 0 : index
    %get3A_60 = vector.load %arg13[%get3A_58, %get3A_59] : memref<1x128xf32, #tpu.memory_space<vmem>>, vector<1x128xf32>
    %reduce_sum3A = arith.constant dense<0.000000e+00> : vector<128xf32>
    %reduce_sum3A_61 = vector.multi_reduction <add>, %convert_element_type3A_49, %reduce_sum3A [0] : vector<2048x128xf32> to vector<128xf32>
    %broadcast_in_dim3A_62 = vector.shape_cast %reduce_sum3A_61 : vector<128xf32> to vector<1x128xf32>
    %add3A_63 = arith.addf %get3A_60, %broadcast_in_dim3A_62 : vector<1x128xf32>
    %swap3A_64 = arith.constant 0 : index
    %swap3A_65 = arith.constant 0 : index
    %swap3A_66 = vector.load %arg13[%swap3A_64, %swap3A_65] : memref<1x128xf32, #tpu.memory_space<vmem>>, vector<1x128xf32>
    tpu.vector_store %arg13[%swap3A_64, %swap3A_65], %add3A_63 {strides = array<i32>} : memref<1x128xf32, #tpu.memory_space<vmem>>, vector<1x128xf32>,
    %eq3A_67 = arith.constant 4 : i32
    %eq3A_68 = arith.cmpi eq, %arg0, %eq3A_67 : i32
    %convert_element_type3A_69 = arith.extui %eq3A_68 : i1 to i32
    %cond3A_70 = arith.constant 0 : i32
    %cond3A_71 = arith.cmpi ne, %convert_element_type3A_69, %cond3A_70 : i32
    scf.if %cond3A_71 {
      %get3A_72 = arith.constant 0 : index
      %get3A_73 = arith.constant 0 : index
      %get3A_74 = vector.load %arg13[%get3A_72, %get3A_73] : memref<1x128xf32, #tpu.memory_space<vmem>>, vector<1x128xf32>
      %max3A_75 = arith.constant 1.000000e+00 : f32
      %max3A_76 = vector.broadcast %max3A_75 : f32 to vector<1x128xf32>
      %max3A_77 = arith.maximumf %get3A_74, %max3A_76 : vector<1x128xf32>
      %div3A = arith.constant 1.000000e+00 : f32
      %div3A_78 = vector.broadcast %div3A : f32 to vector<1x128xf32>
      %div3A_79 = arith.divf %div3A_78, %max3A_77 : vector<1x128xf32>
      %iota3A_80 = tpu.iota {dimensions = array<i32: 0>} : vector<128x128xi32>
      %iota3A_81 = tpu.iota {dimensions = array<i32: 1>} : vector<128x128xi32>
      %eq3A_82 = arith.cmpi eq, %iota3A_80, %iota3A_81 : vector<128x128xi32>
      %convert_element_type3A_83 = arith.extui %eq3A_82 : vector<128x128xi1> to vector<128x128xi32>
      %convert_element_type3A_84 = arith.sitofp %convert_element_type3A_83 : vector<128x128xi32> to vector<128x128xf32>
      %mul3A_85 = vector.broadcast %div3A_79 : vector<1x128xf32> to vector<128x128xf32>
      %mul3A_86 = arith.mulf %convert_element_type3A_84, %mul3A_85 : vector<128x128xf32>
      %get3A_87 = arith.constant 0 : index
      %get3A_88 = arith.constant 0 : index
      %get3A_89 = vector.load %arg12[%get3A_87, %get3A_88] : memref<128x128xf32, #tpu.memory_space<vmem>>, vector<128x128xf32>
      %dot_general3A_90 = arith.constant dense<0.000000e+00> : vector<128x128xf32>
      %dot_general3A_91 = tpu.matmul %mul3A_86, %get3A_89, %dot_general3A_90 {dimension_numbers = #tpu.dot_dimension_numbers<[1], [0], [0], [1], [0, 0, 1, 1], [], []>, transpose_lhs_hint = false} : vector<128x128xf32>, vector<128x128xf32>, vector<128x128xf32> -> vector<128x128xf32>
      %get3A_92 = arith.constant 0 : index
      %get3A_93 = arith.constant 0 : index
      %get3A_94 = vector.load %arg9[%get3A_92, %get3A_93] : memref<128x128xf32, #tpu.memory_space<vmem>>, vector<128x128xf32>
      %dot_general3A_95 = arith.constant dense<0.000000e+00> : vector<128x128xf32>
      %dot_general3A_96 = tpu.matmul %dot_general3A_91, %get3A_94, %dot_general3A_95 {dimension_numbers = #tpu.dot_dimension_numbers<[1], [0], [0], [1], [0, 0, 1, 1], [], []>, transpose_lhs_hint = false} : vector<128x128xf32>, vector<128x128xf32>, vector<128x128xf32> -> vector<128x128xf32>
      %get3A_97 = arith.constant 0 : index
      %get3A_98 = arith.constant 0 : index
      %get3A_99 = vector.load %arg10[%get3A_97, %get3A_98] : memref<1x128xf32, #tpu.memory_space<vmem>>, vector<1x128xf32>
      %add3A_100 = vector.broadcast %get3A_99 : vector<1x128xf32> to vector<128x128xf32>
      %add3A_101 = arith.addf %dot_general3A_96, %add3A_100 : vector<128x128xf32>
      %swap3A_102 = arith.constant 0 : index
      %swap3A_103 = arith.constant 0 : index
      %swap3A_104 = vector.load %arg11[%swap3A_102, %swap3A_103] : memref<128x128xf32, #tpu.memory_space<vmem>>, vector<128x128xf32>
      tpu.vector_store %arg11[%swap3A_102, %swap3A_103], %add3A_101 {strides = array<i32>} : memref<128x128xf32, #tpu.memory_space<vmem>>, vector<128x128xf32>,
    } else {
    }
    return
  }
  func.func @transform_0(%arg0: i32) -> (i32, i32) {
    %c0_i32 = arith.constant 0 : i32
    %c0_i32_0 = arith.constant 0 : i32
    return %arg0, %c0_i32 : i32, i32
  }
  func.func @transform_1(%arg0: i32) -> (i32, i32, i32) {
    %c0_i32 = arith.constant 0 : i32
    %c0_i32_0 = arith.constant 0 : i32
    %c0_i32_1 = arith.constant 0 : i32
    return %c0_i32, %arg0, %c0_i32_0 : i32, i32, i32
  }
  func.func @transform_2(%arg0: i32) -> (i32, i32, i32) {
    %c0_i32 = arith.constant 0 : i32
    %c0_i32_0 = arith.constant 0 : i32
    %c0_i32_1 = arith.constant 0 : i32
    return %arg0, %c0_i32, %c0_i32_0 : i32, i32, i32
  }
  func.func @transform_3(%arg0: i32) -> (i32, i32) {
    %c0_i32 = arith.constant 0 : i32
    %c0_i32_0 = arith.constant 0 : i32
    %c0_i32_1 = arith.constant 0 : i32
    return %c0_i32, %c0_i32_0 : i32, i32
  }
  func.func @transform_4(%arg0: i32) -> (i32, i32) {
    %c0_i32 = arith.constant 0 : i32
    %c0_i32_0 = arith.constant 0 : i32
    %c0_i32_1 = arith.constant 0 : i32
    return %c0_i32, %c0_i32_0 : i32, i32
  }
  func.func @transform_5(%arg0: i32) -> (i32, i32) {
    %c0_i32 = arith.constant 0 : i32
    %c0_i32_0 = arith.constant 0 : i32
    %c0_i32_1 = arith.constant 0 : i32
    return %c0_i32, %c0_i32_0 : i32, i32
  }
  func.func @transform_6(%arg0: i32) -> (i32, i32) {
    %c0_i32 = arith.constant 0 : i32
    %c0_i32_0 = arith.constant 0 : i32
    %c0_i32_1 = arith.constant 0 : i32
    return %c0_i32, %c0_i32_0 : i32, i32
  }
  func.func @transform_7(%arg0: i32) -> (i32, i32) {
    %c0_i32 = arith.constant 0 : i32
    %c0_i32_0 = arith.constant 0 : i32
    %c0_i32_1 = arith.constant 0 : i32
    return %c0_i32, %c0_i32_0 : i32, i32
  }
  func.func @transform_8(%arg0: i32) -> (i32, i32) {
    %c0_i32 = arith.constant 0 : i32
    %c0_i32_0 = arith.constant 0 : i32
    %c0_i32_1 = arith.constant 0 : i32
    return %c0_i32, %c0_i32_0 : i32, i32
  }
  func.func @transform_9(%arg0: i32) -> (i32, i32) {
    %c0_i32 = arith.constant 0 : i32
    %c0_i32_0 = arith.constant 0 : i32
    %c0_i32_1 = arith.constant 0 : i32
    return %c0_i32, %c0_i32_0 : i32, i32
  }
  func.func @transform_10(%arg0: i32) -> (i32, i32) {
    %c0_i32 = arith.constant 0 : i32
    %c0_i32_0 = arith.constant 0 : i32
    %c0_i32_1 = arith.constant 0 : i32
    return %c0_i32, %c0_i32_0 : i32, i32
  }
}

</mosaic_0001>

<sc_bundles>
// kernel: kernel.17.cloned.1.call-start
scs
__scs_entry_jumppad:
0x0: {  	(pc) =	sbr.rel $0x88, $3  }
0x1: {  	(tag) =	ssettag $0x0;
	lr =	simm.s32 $0x1  }
0x2: {  	[smem:$0x3F7F] =	sst lr;
	_ =	strace $0xD0000000  }
0x3: {  	_ = 	snop  }
0x4: {  	_ = 	snop  }
0x5: {  	_ = 	snop  }
0x6: {  	_ = 	snop  }
0x7: {  	_ = 	snop  }
__scs_overlays_trampoline_lowered:
0x8: {  	[smem:$0x3F8E] =	sst s0  }
0x9: {  	[smem:$0x3F8F] =	sst s1  }
0xa: {  	[smem:$0x3F90] =	sst s2  }
0xb: {  	[smem:$0x3F91] =	sst s3  }
0xc: {  	[smem:$0x3F92] =	sst s4  }
0xd: {  	[smem:$0x3F93] =	sst s5  }
0xe: {  	[smem:$0x3F94] =	sst s6  }
0xf: {  	[smem:$0x3F95] =	sst s7  }
0x10: {  	[smem:$0x3F96] =	sst s8  }
0x11: {  	[smem:$0x3F97] =	sst s9;
	s0 =	simm.s32 @!p0 $0x0  }
0x12: {  	s1 =	sld [smem:$0x3F7D];
	s0 =	simm.s32 @p0 $0x1  }
0x13: {  	[smem:$0x3F98] =	sst s0;
	s0 =	simm.s32 @!p1 $0x0  }
0x14: {  	s2 =	sld [smem:$0x3F7C];
	s0 =	simm.s32 @p1 $0x1  }
0x15: {  	[smem:$0x3F99] =	sst s0;
	s0 =	simm.s32 @!p2 $0x0  }
0x16: {  	s3 =	sld [smem:$0x3FDB];
	s0 =	simm.s32 @p2 $0x1  }
0x17: {  	s4 =	simm.s32 $0x1BF5;
	[smem:$0x3F9B] =	sst s0  }
0x18: {  	s0 =	sld [smem:$0x3F7E];
	_ =	swait.ge [sflag:s4], $0x0  }
0x19: {  	s7 =	sld [smem:$0x3F7F]  }
0x1a: {  	s8 =	sadd.s32 $0xFFFFE003, lr  }
0x1b: {  	s9 =	sadd.s32 $0xFFFFFEF7, lr;
	s5 =	simm.s32 $0xFFFFFFFF;
	p2 =	slt.u32 s8, $0xFFFFF086  }
0x1c: {  	p1 =	slt.u32 s9, $0xF7A;
	s5 =	simm.s32 @!p2 $0x0  }
0x1d: {  	s5 =	simm.s32 @p1 $0x1;
	p0 =	seq.s32 s7, s2  }
0x1e: {  	s7 =	smul.u32 @!p0 $0xF7A, s2;
	p2 =	seq.s32 @!p0 s5, $0x0  }
0x1f: {  	s9 =	smul.u32 $0xF7A, s1;
	s8 =	simm.s32 @!p0 $0x1BF5;
	p2 =	por !p2, p0  }
0x20: {  	[sflag:s8] =	ssyncset.s32 @!p0 $0xFFFFF086;
	s6 =	sadd.s32 @!p0 s3, s7;
	s7 =	simm.s32 @!p0 $0x108  }
0x21: {  	s3 =	sadd.s32 s3, s9;
	s6 =	sadd.s32 @!p0 $0x88, s6;
	s7 =	simm.s32 @p2 $0x1082  }
0x22: {  	[simem:s7], [sflag:s8] =	dma.local @!p0 [hbm:s6], $0xF7A  }
0x23: {  	s9 =	sor.u32 $0xD0000000, s2;
	s6 =	simm.s32 $0x108;
	_ =	swait.ge @!p0 [sflag:s8], $0x0  }
0x24: {  	s3 =	sadd.s32 $0x88, s3;
	s6 =	simm.s32 @!p1 $0x1082;
	[sflag:s4] =	ssyncset.s32 $0xFFFFF086  }
0x25: {  	[simem:s6], [sflag:s4] =	dma.local [hbm:s3], $0xF7A  }
0x26: {  	[smem:$0x3F7F] =	sst s1;
	(tag) =	ssettag s2;
	_ =	strace s9  }
0x27: {  	s1 =	sld [smem:$0x3F8F]  }
0x28: {  	s2 =	sld [smem:$0x3F90]  }
0x29: {  	s4 =	sld [smem:$0x3F92]  }
0x2a: {  	p0 =	seq.s32 s5, $0x0;
	s5 =	sld [smem:$0x3F93]  }
0x2b: {  	s6 =	sld [smem:$0x3F94]  }
0x2c: {  	s7 =	sld [smem:$0x3F95]  }
0x2d: {  	s3 =	simm.s32 $0x108;
	s8 =	sld [smem:$0x3F96]  }
0x2e: {  	s3 =	simm.s32 @!p0 $0x1082;
	s9 =	sld [smem:$0x3F97]  }
0x2f: {  	lr =	sadd.s32 s0, s3;
	s0 =	sld [smem:$0x3F8E]  }
0x30: {  	s3 =	sld [smem:$0x3F91]  }
0x31: {  	[smem:$0x3F9A] =	sst s10  }
0x32: {  	s10 =	sld [smem:$0x3F98];
	_ =	sdelay $0x3  }
0x33: {  	p0 =	seq.s32 s10, $0x1;
	s10 =	sld [smem:$0x3F9A];
	_ =	sdelay $0x3  }
0x34: {  	[smem:$0x3F9A] =	sst s10  }
0x35: {  	s10 =	sld [smem:$0x3F99];
	_ =	sdelay $0x3  }
0x36: {  	p1 =	seq.s32 s10, $0x1;
	s10 =	sld [smem:$0x3F9A];
	_ =	sdelay $0x3  }
0x37: {  	[smem:$0x3F9A] =	sst s10  }
0x38: {  	s10 =	sld [smem:$0x3F9B]  }
0x39: {  	_ = 	snop;
	(pc) =	sbr.ind lr, $3  }
0x3a: {  	_ = 	snop  }
0x3b: {  	_ = 	snop  }
0x3c: {  	p2 =	seq.s32 s10, $0x1;
	s10 =	sld [smem:$0x3F9A]  }
0x3d: {  	_ =	shalt  }
0x3e: {  	_ =	shalt  }
0x3f: {  	_ =	shalt  }
0x40: {  	_ =	shalt  }
0x41: {  	_ =	shalt  }
0x42: {  	_ =	shalt  }
0x43: {  	_ =	shalt  }
0x44: {  	_ =	shalt  }
0x45: {  	_ =	shalt  }
0x46: {  	_ =	shalt  }
0x47: {  	_ =	shalt  }
0x48: {  	_ =	shalt  }
0x49: {  	_ =	shalt  }
0x4a: {  	_ =	shalt  }
0x4b: {  	_ =	shalt  }
0x4c: {  	_ =	shalt  }
0x4d: {  	_ =	shalt  }
0x4e: {  	_ =	shalt  }
0x4f: {  	_ =	shalt  }
0x50: {  	_ =	shalt  }
0x51: {  	_ =	shalt  }
0x52: {  	_ =	shalt  }
0x53: {  	_ =	shalt  }
0x54: {  	_ =	shalt  }
0x55: {  	_ =	shalt  }
0x56: {  	_ =	shalt  }
0x57: {  	_ =	shalt  }
0x58: {  	_ =	shalt  }
0x59: {  	_ =	shalt  }
0x5a: {  	_ =	shalt  }
0x5b: {  	_ =	shalt  }
0x5c: {  	_ =	shalt  }
0x5d: {  	_ =	shalt  }
0x5e: {  	_ =	shalt  }
0x5f: {  	_ =	shalt  }
0x60: {  	_ =	shalt  }
0x61: {  	_ =	shalt  }
0x62: {  	_ =	shalt  }
0x63: {  	_ =	shalt  }
0x64: {  	_ =	shalt  }
0x65: {  	_ =	shalt  }
0x66: {  	_ =	shalt  }
0x67: {  	_ =	shalt  }
0x68: {  	_ =	shalt  }
0x69: {  	_ =	shalt  }
0x6a: {  	_ =	shalt  }
0x6b: {  	_ =	shalt  }
0x6c: {  	_ =	shalt  }
0x6d: {  	_ =	shalt  }
0x6e: {  	_ =	shalt  }
0x6f: {  	_ =	shalt  }
0x70: {  	_ =	shalt  }
0x71: {  	_ =	shalt  }
0x72: {  	_ =	shalt  }
0x73: {  	_ =	shalt  }
0x74: {  	_ =	shalt  }
0x75: {  	_ =	shalt  }
0x76: {  	_ =	shalt  }
0x77: {  	_ =	shalt  }
0x78: {  	_ =	shalt  }
0x79: {  	_ =	shalt  }
0x7a: {  	_ =	shalt  }
0x7b: {  	_ =	shalt  }
0x7c: {  	_ =	shalt  }
0x7d: {  	_ =	shalt  }
0x7e: {  	_ =	shalt  }
0x7f: {  	_ =	shalt  }
0x80: {  	_ =	shalt  }
0x81: {  	_ =	shalt  }
0x82: {  	_ =	shalt  }
0x83: {  	_ =	shalt  }
0x84: {  	_ =	shalt  }
0x85: {  	_ =	shalt  }
0x86: {  	_ =	shalt  }
0x87: {  	_ =	shalt  }
.Lfunc_end0:
.L_simem_size_0:
called_computation_lowered:
.L_overlay_start_0:
0x88: {  	s2 =	sld [smem:$0x3FD9]  }
0x89: {  	s3 =	sld [smem:$0x3FFE];
	_ =	sdelay $0x1  }
0x8a: {  	s1 =	srdreg.scid  }
0x8b: {  	s0 =	sand.u32 $0x1, s1  }
0x8c: {  	s16 =	sshll.u32 s0, $0xA;
	s2 =	sadd.s32 s3, s2  }
0x8d: {  	s2 =	sadd.s32 s2, s16  }
0x8e: {  	[smem:$0x3FA6] =	sst s2  }
0x8f: {  	_ = 	snop  }
0x90: {  	(tm) =	ssettm $0x1  }
0x91: {  	s17 =	sld [smem:$0x3FFB];
	_ =	sdelay $0x3  }
0x92: {  	_ =	strace s17  }
0x93: {  	s2 =	sld [smem:$0x3FFC];
	_ =	sdelay $0x3  }
0x94: {  	_ =	strace s2  }
0x95: {  	s2 =	sld [smem:$0x3FFD];
	_ =	sdelay $0x3  }
0x96: {  	_ =	strace s2  }
0x97: {  	_ =	strace $0x8FFFFFFF  }
0x98: {  	s18 =	sld [smem:$0x3FDB];
	_ =	sdelay $0x1  }
0x99: {  	s19 =	simm.s32 $_scs_section_size  }
0x9a: {  	s4 =	simm.s32 $_size__tile_overlayer_lowered;
	s5 =	simm.s32 $_tile_overlayer_lowered  }
0x9b: {  	s22 =	simm.s32 $0x1BFF;
	s21 =	sshll.u32 s5, $0x1;
	s2 =	sadd.s32 s19, s18  }
0x9c: {  	s6 =	simm.s32 $0x0;
	s20 =	sshll.u32 s4, $0x1;
	s4 =	sadd.s32 s21, s2  }
0x9d: {  	[timem:s6], [sflag:s22] =	dma.local [hbm:s4], s20  }
0x9e: {  	_ =	swait.ge [sflag:s22], s20  }
0x9f: {  	s3 =	ssub.s32 $0x0, s20;
	[sflag:s22] =	ssyncset.done $0x0  }
0xa0: {  	[sflag:s22] =	ssyncadd.s32 s3;
	_ =	sdelay $0x1  }
0xa1: {  	s23 =	simm.s32 $0x1B8B  }
0xa2: {  	_ =	swait.ge [sflag:s23], $0x1  }
0xa3: {  	[sflag:s23] =	ssyncset.done $0x0  }
0xa4: {  	s25 =	simm.s32 $0x1B8E;
	s24 =	sld [smem:$0x3FFE];
	[sflag:s23] =	ssyncadd.s32 $0xFFFFFFFF  }
0xa5: {  	s26 =	simm.s32 $execute0_lowered;
	[smem:$0x3FD2] =	sst s25  }
0xa6: {  	s4 =	sshll.u32 s26, $0x1;
	_ =	strace $0x80000046;
	[dreg:$0x1] =	wrdreg $0xFFFFFFFF  }
0xa7: {  	s28 =	simm.s32 $_size_execute0_lowered;
	s2 =	sadd.s32 s2, s4;
	[dreg:$0x0] =	wrdreg $0x0  }
0xa8: {  	s4 =	sshll.u32 s28, $0x1;
	[dreg:$0x2] =	wrdreg s2  }
0xa9: {  	[dreg:$0x3] =	wrdreg s4  }
0xaa: {  	[dreg:$0x4] =	wrdreg $0xC0  }
0xab: {  	_ =	task [dreg:s6], $0x5FFFF  }
0xac: {  	[dreg:$0x1] =	wrdreg $0xFFFFFFFF  }
0xad: {  	[dreg:$0x0] =	wrdreg $0x60  }
0xae: {  	[dreg:$0x2] =	wrdreg s24  }
0xaf: {  	[dreg:$0x3] =	wrdreg $0x90000  }
0xb0: {  	[dreg:$0x4] =	wrdreg $0x9  }
0xb1: {  	_ =	task.clear_ibuf [dreg:s6], $0x5FFFF;
	_ =	strace $0x90000046  }
0xb2: {  	s29 =	simm.s32 $0x9;
	_ =	strace $0x80000048  }
0xb3: {  	_ =	swait.ge [sflag:s29], $0x1  }
0xb4: {  	[sflag:s29] =	ssyncadd.s32 $0xFFFFFFFF  }
0xb5: {  	_ =	strace $0x90000048  }
0xb6: {  	_ =	sfence  }
0xb7: {  	s30 =	sld [smem:$0x0];
	_ =	sdelay $0x2  }
0xb8: {  	s31 =	sshll.u32 s1, $0xD;
	s1 =	sshrl.u32 s1, $0x2  }
0xb9: {  	s3 =	sand.u32 $0x4000, s31;
	s1 =	sadd.s32 s1, s30  }
0xba: {  	s0 =	sor.u32 s3, s0;
	s1 =	sshll.u32 s1, $0x11  }
0xbb: {  	s0 =	sor.u32 s1, s0  }
0xbc: {  	s0 =	sadd.s32 $0x8F2B, s0  }
0xbd: {  	[sflag:s0] =	ssyncadd.remote.s32 $0x1  }
0xbe: {  	_ =	sfence.sel $0xFFFF  }
0xbf: {  	[dreg:$0x0] =	wrdreg $0xFFFFFFFF;
	(pc) =	sbr.abs _section_cstart, $3  }
0xc0: {  	[dreg:$0x1] =	wrdreg $0xFFFFFFFF  }
0xc1: {  	_ =	task.clear_ibuf [dreg:s6], $0x2FFFF;
	_ =	strace $0x9FFFFFFF  }
0xc2: {  	(tm) =	ssettm $0x7FFFFFFF  }
0xc3: {  	_ =	shalt  }
tec
execute0_lowered:
.L_overlay_start_1:
0x0: {  	(tag) =	ssettag $0x1  }
0x1: {  	s6 =	rddreg [dreg:$0x0]  }
0x2: {  	s0 =	srdreg.scid;
	s2 =	rddreg [dreg:$0x1]  }
0x3: {  	s3 =	simm.s32 $0x0;
	s14 =	simm.s32 $0x80;
	s15 =	simm.s32 $0x5000  }
0x4: {  	s16 =	simm.s32 $0x1;
	s5 =	sand.u32 $0x1, s0;
	s0 =	stileid.u32  }
0x5: {  	s17 =	simm.s32 $0x0;
	[smem:$0x7FF] =	sst s3;
	s8 =	smul.u32 $0x140000, s5  }
0x6: {  	s4 =	sadd.s32 $0x1C000, s6;
	s1 =	sshll.u32 s5, $0x4;
	s9 =	smul.u32 $0x14000, s0  }
0x7: {  	s30 =	ssub.s32 $0x2, s5;
	s11 =	smul.u32 $0x50000, s0;
	s5 =	sadd.s32 $0xBC000, s6  }
0x8: {  	s12 =	sshll.u32 s0, $0x6;
	s1 =	sor.u32 s0, s1;
	s10 =	sshrl.u32 s30, $0x1  }
0x9: {  	s12 =	sor.u32 $0x1C02, s12;
	s7 =	smul.u32 $0x500, s1;
	s1 =	rddreg [dreg:$0x2]  }
0xa: {  	_ =	strace $0x80000047;
	s8 =	sadd.s32 s9, s8;
	s9 =	ssub.s32 s30, s10  }
0xb: {  	s31 =	sshrl.u32 s11, $0x2;
	s10 =	simm.s32 $0x2;
	s11 =	simm.s32 $0x2800  }
0xc: {  	s8 =	sshrl.u32 s8, $0x3;
	s13 =	sadd.s32 s31, s2;
	s9 =	smax.u32 s9, $0x1  }
0xd: {  	s7 =	sadd.s32 s7, s6;
	s8 =	sadd.s32 s8, s6;
	s13 =	sshrl.u32 s13, $0x3  }
0xe: {  	s6 =	sadd.s32 $0x8000, s7;
	s7 =	sadd.s32 $0x12000, s7;
	s8 =	sadd.s32 $0xBE800, s8  }
.LBB2_1:
0xf: {  	[tilespmem:s3], [sflag:$0x2] =	stream.linear.gather [hbm4b:s6+s3], $0x2780, $0x38;
	[tilespmem:$0x1D000] =	vst v63  }
0x10: {  	_ =	swait.ge [sflag:s10], $0x2780  }
0x11: {  	[sflag:s10] =	ssyncset.done $0x0  }
0x12: {  	[sflag:s10] =	ssyncadd.s32 $0xFFFFD880  }
0x13: {  	[tilespmem:s11], [sflag:$0x2] =	stream.linear.gather [hbm4b:s7+s3], $0x2780, $0x38;
	[tilespmem:$0x1D000] =	vst v63  }
0x14: {  	_ =	swait.ge [sflag:s10], $0x2780  }
0x15: {  	[sflag:s10] =	ssyncset.done $0x0  }
0x16: {  	[sflag:s10] =	ssyncadd.s32 $0xFFFFD880  }
0x17: {  	[spmem:s13], [sflag:s12] =	dma.local [hbm:s5], $0x2800  }
0x18: {  	_ =	swait.ge [sflag:s10], $0x2800  }
0x19: {  	[sflag:s10] =	ssyncset.done $0x0  }
0x1a: {  	[sflag:s10] =	ssyncadd.s32 $0xFFFFD800  }
0x1b: {  	s18 =	simm.s32 $0x0;
	[bflag:$0x0] =	sbarrier.arrive $0xFFFF  }
0x1c: {  	[tilespmem:s15], [sflag:$0x1] =	stream.indirect.gather [hbm4b:s4+s14], $0x80, s18, s14, $0xb8;
	[tilespmem:$0x1D000] =	vst v63  }
0x1d: {  	_ =	swait.ge [sflag:s16], $0x4000  }
0x1e: {  	[sflag:s16] =	ssyncset.done $0x0  }
0x1f: {  	s31 =	simm.s32 $0x2800;
	[sflag:s16] =	ssyncadd.s32 $0xFFFFC000  }
0x20: {  	[spmem:s2] =	stream.indirect.scatter.add.f32 [tilespmem:s15], [sflag:$0x2], $0x80, s31, s14, $0xb8;
	[tilespmem:$0x1D000] =	vst v63  }
0x21: {  	_ =	swait.ge [sflag:s10], $0x4000  }
0x22: {  	s19 =	simm.s32 $0x400;
	s18 =	simm.s32 $0x200;
	[sflag:s10] =	ssyncset.done $0x0  }
.LBB2_2:
0x23: {  	s20 =	sshra.s32 s18, $0x2  }
0x24: {  	[sflag:s10] =	ssyncadd.s32 $0xFFFFC000;
	s18 =	smov.u32 s19;
	s21 =	sadd.s32 $0x200, s19  }
0x25: {  	[tilespmem:s15], [sflag:$0x1] =	stream.indirect.gather [hbm4b:s4+s14], $0x80, s20, s14, $0xb8;
	[tilespmem:$0x1D000] =	vst v63  }
0x26: {  	p0 =	sne.s32 s19, $0x9C00;
	_ =	swait.ge [sflag:s16], $0x4000  }
.Ltmp0:
0x27: {  	[sflag:s16] =	ssyncset.done $0x0;
	(pc) =	sbr.rel @p0 .LBB2_2-.Ltmp0, $4  }
0x28: {  	s19 =	sadd.s32 $0x2800, s20;
	[sflag:s16] =	ssyncadd.s32 $0xFFFFC000  }
0x29: {  	[spmem:s2] =	stream.indirect.scatter.add.f32 [tilespmem:s15], [sflag:$0x2], $0x80, s19, s14, $0xb8;
	[tilespmem:$0x1D000] =	vst v63  }
0x2a: {  	_ =	swait.ge [sflag:s10], $0x4000  }
0x2b: {  	s19 =	smov.u32 s21;
	[sflag:s10] =	ssyncset.done $0x0  }
0x2c: {  	s18 =	sshra.s32 s18, $0x2;
	[sflag:s10] =	ssyncadd.s32 $0xFFFFC000  }
0x2d: {  	[tilespmem:s15], [sflag:$0x1] =	stream.indirect.gather [hbm4b:s4+s14], $0x80, s18, s14, $0xb8;
	[tilespmem:$0x1D000] =	vst v63  }
0x2e: {  	_ =	swait.ge [sflag:s16], $0x4000  }
0x2f: {  	[sflag:s16] =	ssyncset.done $0x0  }
0x30: {  	s18 =	sadd.s32 $0x2800, s18;
	[sflag:s16] =	ssyncadd.s32 $0xFFFFC000  }
0x31: {  	[spmem:s2] =	stream.indirect.scatter.add.f32 [tilespmem:s15], [sflag:$0x2], $0x80, s18, s14, $0xb8;
	[tilespmem:$0x1D000] =	vst v63  }
0x32: {  	_ =	swait.ge [sflag:s10], $0x4000  }
0x33: {  	s17 =	sadd.s32 $0x1, s17;
	[sflag:s10] =	ssyncset.done $0x0  }
0x34: {  	p0 =	sne.s32 s17, s9;
	[sflag:s10] =	ssyncadd.s32 $0xFFFFC000  }
.Ltmp1:
0x35: {  	[bflag:$0x0] =	sbarrier.arrive $0xFFFF;
	(pc) =	sbr.rel @p0 .LBB2_1-.Ltmp1, $4  }
0x36: {  	[hbm:s8], [sflag:s12] =	dma.local [spmem:s13], $0x2800  }
0x37: {  	_ =	swait.ge [sflag:s10], $0x2800  }
0x38: {  	[sflag:s10] =	ssyncset.done $0x0  }
0x39: {  	[sflag:s10] =	ssyncadd.s32 $0xFFFFD800  }
0x3a: {  	_ =	sfence.sel $0x180000  }
0x3b: {  	[bflag:$0x0] =	sbarrier.arrive $0xFFFF  }
0x3c: {  	p0 =	sne.s32 s0, $0x0;
	_ =	strace $0x90000047  }
0x3d: {  	s0 =	sadd.s32 @!p0 $0x100000, s1;
	[bflag:$0x2] =	sbarrier.arrive $0xFFFF  }
0x3e: {  	[sflag:s0] =	ssyncadd.tile.s32 @!p0 $0x1;
	_ =	shalt  }
.Lfunc_end2:
_tile_overlayer_lowered:
.L_overlay_start_2:
0x3f: {  	(tag) =	ssettag $0x2  }
0x40: {  	s0 =	rddreg [dreg:$0x0];
	s2 =	stileid.u32  }
0x41: {  	s1 =	rddreg [dreg:$0x1];
	p0 =	sne.s32 s2, $0x0  }
0x42: {  	s3 =	rddreg [dreg:$0x2];
	[bflag:$0x3] =	sbarrier.arrive $0xFFFF;
	s2 =	simm.s32 @!p0 $0x1C02  }
0x43: {  	[timem:s3], [sflag:s2] =	dma.local @!p0 [hbm:s0], s1  }
0x44: {  	s0 =	simm.s32 @!p0 $0x2  }
0x45: {  	_ =	swait.ge @!p0 [sflag:s0], s1  }
0x46: {  	s1 =	ssub.s32 @!p0 $0x0, s1;
	[sflag:s0] =	ssyncset.done @!p0 $0x0  }
0x47: {  	[sflag:s0] =	ssyncadd.s32 @!p0 s1  }
0x48: {  	[bflag:$0x3] =	sbarrier.arrive $0xFFFF  }
0x49: {  	_ =	shalt  }

// kernel: kernel.20.cloned.1.call-start
scs
__scs_entry_jumppad:
0x0: {  	(pc) =	sbr.rel $0x88, $3  }
0x1: {  	(tag) =	ssettag $0x0;
	lr =	simm.s32 $0x1  }
0x2: {  	[smem:$0x3F7F] =	sst lr;
	_ =	strace $0xD0000000  }
0x3: {  	_ = 	snop  }
0x4: {  	_ = 	snop  }
0x5: {  	_ = 	snop  }
0x6: {  	_ = 	snop  }
0x7: {  	_ = 	snop  }
__scs_overlays_trampoline_lowered:
0x8: {  	[smem:$0x3F8E] =	sst s0  }
0x9: {  	[smem:$0x3F8F] =	sst s1  }
0xa: {  	[smem:$0x3F90] =	sst s2  }
0xb: {  	[smem:$0x3F91] =	sst s3  }
0xc: {  	[smem:$0x3F92] =	sst s4  }
0xd: {  	[smem:$0x3F93] =	sst s5  }
0xe: {  	[smem:$0x3F94] =	sst s6  }
0xf: {  	[smem:$0x3F95] =	sst s7  }
0x10: {  	[smem:$0x3F96] =	sst s8  }
0x11: {  	[smem:$0x3F97] =	sst s9;
	s0 =	simm.s32 @!p0 $0x0  }
0x12: {  	s1 =	sld [smem:$0x3F7D];
	s0 =	simm.s32 @p0 $0x1  }
0x13: {  	[smem:$0x3F98] =	sst s0;
	s0 =	simm.s32 @!p1 $0x0  }
0x14: {  	s2 =	sld [smem:$0x3F7C];
	s0 =	simm.s32 @p1 $0x1  }
0x15: {  	[smem:$0x3F99] =	sst s0;
	s0 =	simm.s32 @!p2 $0x0  }
0x16: {  	s3 =	sld [smem:$0x3FDB];
	s0 =	simm.s32 @p2 $0x1  }
0x17: {  	s4 =	simm.s32 $0x1BF5;
	[smem:$0x3F9B] =	sst s0  }
0x18: {  	s0 =	sld [smem:$0x3F7E];
	_ =	swait.ge [sflag:s4], $0x0  }
0x19: {  	s7 =	sld [smem:$0x3F7F]  }
0x1a: {  	s8 =	sadd.s32 $0xFFFFE003, lr  }
0x1b: {  	s9 =	sadd.s32 $0xFFFFFEF7, lr;
	s5 =	simm.s32 $0xFFFFFFFF;
	p2 =	slt.u32 s8, $0xFFFFF086  }
0x1c: {  	p1 =	slt.u32 s9, $0xF7A;
	s5 =	simm.s32 @!p2 $0x0  }
0x1d: {  	s5 =	simm.s32 @p1 $0x1;
	p0 =	seq.s32 s7, s2  }
0x1e: {  	s7 =	smul.u32 @!p0 $0xF7A, s2;
	p2 =	seq.s32 @!p0 s5, $0x0  }
0x1f: {  	s9 =	smul.u32 $0xF7A, s1;
	s8 =	simm.s32 @!p0 $0x1BF5;
	p2 =	por !p2, p0  }
0x20: {  	[sflag:s8] =	ssyncset.s32 @!p0 $0xFFFFF086;
	s6 =	sadd.s32 @!p0 s3, s7;
	s7 =	simm.s32 @!p0 $0x108  }
0x21: {  	s3 =	sadd.s32 s3, s9;
	s6 =	sadd.s32 @!p0 $0x88, s6;
	s7 =	simm.s32 @p2 $0x1082  }
0x22: {  	[simem:s7], [sflag:s8] =	dma.local @!p0 [hbm:s6], $0xF7A  }
0x23: {  	s9 =	sor.u32 $0xD0000000, s2;
	s6 =	simm.s32 $0x108;
	_ =	swait.ge @!p0 [sflag:s8], $0x0  }
0x24: {  	s3 =	sadd.s32 $0x88, s3;
	s6 =	simm.s32 @!p1 $0x1082;
	[sflag:s4] =	ssyncset.s32 $0xFFFFF086  }
0x25: {  	[simem:s6], [sflag:s4] =	dma.local [hbm:s3], $0xF7A  }
0x26: {  	[smem:$0x3F7F] =	sst s1;
	(tag) =	ssettag s2;
	_ =	strace s9  }
0x27: {  	s1 =	sld [smem:$0x3F8F]  }
0x28: {  	s2 =	sld [smem:$0x3F90]  }
0x29: {  	s4 =	sld [smem:$0x3F92]  }
0x2a: {  	p0 =	seq.s32 s5, $0x0;
	s5 =	sld [smem:$0x3F93]  }
0x2b: {  	s6 =	sld [smem:$0x3F94]  }
0x2c: {  	s7 =	sld [smem:$0x3F95]  }
0x2d: {  	s3 =	simm.s32 $0x108;
	s8 =	sld [smem:$0x3F96]  }
0x2e: {  	s3 =	simm.s32 @!p0 $0x1082;
	s9 =	sld [smem:$0x3F97]  }
0x2f: {  	lr =	sadd.s32 s0, s3;
	s0 =	sld [smem:$0x3F8E]  }
0x30: {  	s3 =	sld [smem:$0x3F91]  }
0x31: {  	[smem:$0x3F9A] =	sst s10  }
0x32: {  	s10 =	sld [smem:$0x3F98];
	_ =	sdelay $0x3  }
0x33: {  	p0 =	seq.s32 s10, $0x1;
	s10 =	sld [smem:$0x3F9A];
	_ =	sdelay $0x3  }
0x34: {  	[smem:$0x3F9A] =	sst s10  }
0x35: {  	s10 =	sld [smem:$0x3F99];
	_ =	sdelay $0x3  }
0x36: {  	p1 =	seq.s32 s10, $0x1;
	s10 =	sld [smem:$0x3F9A];
	_ =	sdelay $0x3  }
0x37: {  	[smem:$0x3F9A] =	sst s10  }
0x38: {  	s10 =	sld [smem:$0x3F9B]  }
0x39: {  	_ = 	snop;
	(pc) =	sbr.ind lr, $3  }
0x3a: {  	_ = 	snop  }
0x3b: {  	_ = 	snop  }
0x3c: {  	p2 =	seq.s32 s10, $0x1;
	s10 =	sld [smem:$0x3F9A]  }
0x3d: {  	_ =	shalt  }
0x3e: {  	_ =	shalt  }
0x3f: {  	_ =	shalt  }
0x40: {  	_ =	shalt  }
0x41: {  	_ =	shalt  }
0x42: {  	_ =	shalt  }
0x43: {  	_ =	shalt  }
0x44: {  	_ =	shalt  }
0x45: {  	_ =	shalt  }
0x46: {  	_ =	shalt  }
0x47: {  	_ =	shalt  }
0x48: {  	_ =	shalt  }
0x49: {  	_ =	shalt  }
0x4a: {  	_ =	shalt  }
0x4b: {  	_ =	shalt  }
0x4c: {  	_ =	shalt  }
0x4d: {  	_ =	shalt  }
0x4e: {  	_ =	shalt  }
0x4f: {  	_ =	shalt  }
0x50: {  	_ =	shalt  }
0x51: {  	_ =	shalt  }
0x52: {  	_ =	shalt  }
0x53: {  	_ =	shalt  }
0x54: {  	_ =	shalt  }
0x55: {  	_ =	shalt  }
0x56: {  	_ =	shalt  }
0x57: {  	_ =	shalt  }
0x58: {  	_ =	shalt  }
0x59: {  	_ =	shalt  }
0x5a: {  	_ =	shalt  }
0x5b: {  	_ =	shalt  }
0x5c: {  	_ =	shalt  }
0x5d: {  	_ =	shalt  }
0x5e: {  	_ =	shalt  }
0x5f: {  	_ =	shalt  }
0x60: {  	_ =	shalt  }
0x61: {  	_ =	shalt  }
0x62: {  	_ =	shalt  }
0x63: {  	_ =	shalt  }
0x64: {  	_ =	shalt  }
0x65: {  	_ =	shalt  }
0x66: {  	_ =	shalt  }
0x67: {  	_ =	shalt  }
0x68: {  	_ =	shalt  }
0x69: {  	_ =	shalt  }
0x6a: {  	_ =	shalt  }
0x6b: {  	_ =	shalt  }
0x6c: {  	_ =	shalt  }
0x6d: {  	_ =	shalt  }
0x6e: {  	_ =	shalt  }
0x6f: {  	_ =	shalt  }
0x70: {  	_ =	shalt  }
0x71: {  	_ =	shalt  }
0x72: {  	_ =	shalt  }
0x73: {  	_ =	shalt  }
0x74: {  	_ =	shalt  }
0x75: {  	_ =	shalt  }
0x76: {  	_ =	shalt  }
0x77: {  	_ =	shalt  }
0x78: {  	_ =	shalt  }
0x79: {  	_ =	shalt  }
0x7a: {  	_ =	shalt  }
0x7b: {  	_ =	shalt  }
0x7c: {  	_ =	shalt  }
0x7d: {  	_ =	shalt  }
0x7e: {  	_ =	shalt  }
0x7f: {  	_ =	shalt  }
0x80: {  	_ =	shalt  }
0x81: {  	_ =	shalt  }
0x82: {  	_ =	shalt  }
0x83: {  	_ =	shalt  }
0x84: {  	_ =	shalt  }
0x85: {  	_ =	shalt  }
0x86: {  	_ =	shalt  }
0x87: {  	_ =	shalt  }
.Lfunc_end0:
.L_simem_size_0:
called_computation.1_lowered:
.L_overlay_start_0:
0x88: {  	s2 =	sld [smem:$0x3FD9]  }
0x89: {  	s3 =	sld [smem:$0x3FFE];
	_ =	sdelay $0x1  }
0x8a: {  	s1 =	srdreg.scid  }
0x8b: {  	s0 =	sand.u32 $0x1, s1  }
0x8c: {  	s16 =	sshll.u32 s0, $0xA;
	s2 =	sadd.s32 s3, s2  }
0x8d: {  	s2 =	sadd.s32 s2, s16  }
0x8e: {  	[smem:$0x3FA6] =	sst s2  }
0x8f: {  	_ = 	snop  }
0x90: {  	(tm) =	ssettm $0x1  }
0x91: {  	s17 =	sld [smem:$0x3FFB];
	_ =	sdelay $0x3  }
0x92: {  	_ =	strace s17  }
0x93: {  	s2 =	sld [smem:$0x3FFC];
	_ =	sdelay $0x3  }
0x94: {  	_ =	strace s2  }
0x95: {  	s2 =	sld [smem:$0x3FFD];
	_ =	sdelay $0x3  }
0x96: {  	_ =	strace s2  }
0x97: {  	_ =	strace $0x8FFFFFFF  }
0x98: {  	s18 =	sld [smem:$0x3FDB];
	_ =	sdelay $0x1  }
0x99: {  	s19 =	simm.s32 $_scs_section_size  }
0x9a: {  	s4 =	simm.s32 $_size__tile_overlayer_lowered;
	s5 =	simm.s32 $_tile_overlayer_lowered  }
0x9b: {  	s22 =	simm.s32 $0x1BFF;
	s21 =	sshll.u32 s5, $0x1;
	s2 =	sadd.s32 s19, s18  }
0x9c: {  	s6 =	simm.s32 $0x0;
	s20 =	sshll.u32 s4, $0x1;
	s4 =	sadd.s32 s21, s2  }
0x9d: {  	[timem:s6], [sflag:s22] =	dma.local [hbm:s4], s20  }
0x9e: {  	_ =	swait.ge [sflag:s22], s20  }
0x9f: {  	s3 =	ssub.s32 $0x0, s20;
	[sflag:s22] =	ssyncset.done $0x0  }
0xa0: {  	[sflag:s22] =	ssyncadd.s32 s3;
	_ =	sdelay $0x1  }
0xa1: {  	s23 =	simm.s32 $0x1B8B  }
0xa2: {  	_ =	swait.ge [sflag:s23], $0x1  }
0xa3: {  	[sflag:s23] =	ssyncset.done $0x0  }
0xa4: {  	s25 =	simm.s32 $0x1B8E;
	s24 =	sld [smem:$0x3FFE];
	[sflag:s23] =	ssyncadd.s32 $0xFFFFFFFF  }
0xa5: {  	s26 =	simm.s32 $execute0_lowered;
	[smem:$0x3FD2] =	sst s25  }
0xa6: {  	s4 =	sshll.u32 s26, $0x1;
	_ =	strace $0x80000049;
	[dreg:$0x1] =	wrdreg $0xFFFFFFFF  }
0xa7: {  	s28 =	simm.s32 $_size_execute0_lowered;
	s2 =	sadd.s32 s2, s4;
	[dreg:$0x0] =	wrdreg $0x0  }
0xa8: {  	s4 =	sshll.u32 s28, $0x1;
	[dreg:$0x2] =	wrdreg s2  }
0xa9: {  	[dreg:$0x3] =	wrdreg s4  }
0xaa: {  	[dreg:$0x4] =	wrdreg $0xC0  }
0xab: {  	_ =	task [dreg:s6], $0x5FFFF  }
0xac: {  	[dreg:$0x1] =	wrdreg $0xFFFFFFFF  }
0xad: {  	[dreg:$0x0] =	wrdreg $0x60  }
0xae: {  	[dreg:$0x2] =	wrdreg s24  }
0xaf: {  	[dreg:$0x3] =	wrdreg $0x90000  }
0xb0: {  	[dreg:$0x4] =	wrdreg $0x9  }
0xb1: {  	_ =	task.clear_ibuf [dreg:s6], $0x5FFFF;
	_ =	strace $0x90000049  }
0xb2: {  	s29 =	simm.s32 $0x9;
	_ =	strace $0x8000004B  }
0xb3: {  	_ =	swait.ge [sflag:s29], $0x1  }
0xb4: {  	[sflag:s29] =	ssyncadd.s32 $0xFFFFFFFF  }
0xb5: {  	_ =	strace $0x9000004B  }
0xb6: {  	_ =	sfence  }
0xb7: {  	s30 =	sld [smem:$0x0];
	_ =	sdelay $0x2  }
0xb8: {  	s31 =	sshll.u32 s1, $0xD;
	s1 =	sshrl.u32 s1, $0x2  }
0xb9: {  	s3 =	sand.u32 $0x4000, s31;
	s1 =	sadd.s32 s1, s30  }
0xba: {  	s0 =	sor.u32 s3, s0;
	s1 =	sshll.u32 s1, $0x11  }
0xbb: {  	s0 =	sor.u32 s1, s0  }
0xbc: {  	s0 =	sadd.s32 $0x8F2B, s0  }
0xbd: {  	[sflag:s0] =	ssyncadd.remote.s32 $0x1  }
0xbe: {  	_ =	sfence.sel $0xFFFF  }
0xbf: {  	[dreg:$0x0] =	wrdreg $0xFFFFFFFF;
	(pc) =	sbr.abs _section_cstart, $3  }
0xc0: {  	[dreg:$0x1] =	wrdreg $0xFFFFFFFF  }
0xc1: {  	_ =	task.clear_ibuf [dreg:s6], $0x2FFFF;
	_ =	strace $0x9FFFFFFF  }
0xc2: {  	(tm) =	ssettm $0x7FFFFFFF  }
0xc3: {  	_ =	shalt  }
tec
execute0_lowered:
.L_overlay_start_1:
0x0: {  	(tag) =	ssettag $0x1  }
0x1: {  	s6 =	rddreg [dreg:$0x0]  }
0x2: {  	s0 =	srdreg.scid;
	s2 =	rddreg [dreg:$0x1]  }
0x3: {  	s3 =	simm.s32 $0x0;
	s14 =	simm.s32 $0x80;
	s15 =	simm.s32 $0x5000  }
0x4: {  	s16 =	simm.s32 $0x1;
	s5 =	sand.u32 $0x1, s0;
	s0 =	stileid.u32  }
0x5: {  	s17 =	simm.s32 $0x0;
	[smem:$0x7FF] =	sst s3;
	s8 =	smul.u32 $0x140000, s5  }
0x6: {  	s4 =	sadd.s32 $0x1C000, s6;
	s1 =	sshll.u32 s5, $0x4;
	s9 =	smul.u32 $0x14000, s0  }
0x7: {  	s30 =	ssub.s32 $0x2, s5;
	s11 =	smul.u32 $0x50000, s0;
	s5 =	sadd.s32 $0xBC000, s6  }
0x8: {  	s12 =	sshll.u32 s0, $0x6;
	s1 =	sor.u32 s0, s1;
	s10 =	sshrl.u32 s30, $0x1  }
0x9: {  	s12 =	sor.u32 $0x1C02, s12;
	s7 =	smul.u32 $0x500, s1;
	s1 =	rddreg [dreg:$0x2]  }
0xa: {  	_ =	strace $0x8000004A;
	s8 =	sadd.s32 s9, s8;
	s9 =	ssub.s32 s30, s10  }
0xb: {  	s31 =	sshrl.u32 s11, $0x2;
	s10 =	simm.s32 $0x2;
	s11 =	simm.s32 $0x2800  }
0xc: {  	s8 =	sshrl.u32 s8, $0x3;
	s13 =	sadd.s32 s31, s2;
	s9 =	smax.u32 s9, $0x1  }
0xd: {  	s7 =	sadd.s32 s7, s6;
	s8 =	sadd.s32 s8, s6;
	s13 =	sshrl.u32 s13, $0x3  }
0xe: {  	s6 =	sadd.s32 $0x8000, s7;
	s7 =	sadd.s32 $0x12000, s7;
	s8 =	sadd.s32 $0xBE800, s8  }
.LBB2_1:
0xf: {  	[tilespmem:s3], [sflag:$0x2] =	stream.linear.gather [hbm4b:s6+s3], $0x2780, $0x38;
	[tilespmem:$0x1D000] =	vst v63  }
0x10: {  	_ =	swait.ge [sflag:s10], $0x2780  }
0x11: {  	[sflag:s10] =	ssyncset.done $0x0  }
0x12: {  	[sflag:s10] =	ssyncadd.s32 $0xFFFFD880  }
0x13: {  	[tilespmem:s11], [sflag:$0x2] =	stream.linear.gather [hbm4b:s7+s3], $0x2780, $0x38;
	[tilespmem:$0x1D000] =	vst v63  }
0x14: {  	_ =	swait.ge [sflag:s10], $0x2780  }
0x15: {  	[sflag:s10] =	ssyncset.done $0x0  }
0x16: {  	[sflag:s10] =	ssyncadd.s32 $0xFFFFD880  }
0x17: {  	[spmem:s13], [sflag:s12] =	dma.local [hbm:s5], $0x2800  }
0x18: {  	_ =	swait.ge [sflag:s10], $0x2800  }
0x19: {  	[sflag:s10] =	ssyncset.done $0x0  }
0x1a: {  	[sflag:s10] =	ssyncadd.s32 $0xFFFFD800  }
0x1b: {  	s18 =	simm.s32 $0x0;
	[bflag:$0x0] =	sbarrier.arrive $0xFFFF  }
0x1c: {  	[tilespmem:s15], [sflag:$0x1] =	stream.indirect.gather [hbm4b:s4+s14], $0x80, s18, s14, $0xb8;
	[tilespmem:$0x1D000] =	vst v63  }
0x1d: {  	_ =	swait.ge [sflag:s16], $0x4000  }
0x1e: {  	[sflag:s16] =	ssyncset.done $0x0  }
0x1f: {  	s31 =	simm.s32 $0x2800;
	[sflag:s16] =	ssyncadd.s32 $0xFFFFC000  }
0x20: {  	[spmem:s2] =	stream.indirect.scatter.add.f32 [tilespmem:s15], [sflag:$0x2], $0x80, s31, s14, $0xb8;
	[tilespmem:$0x1D000] =	vst v63  }
0x21: {  	_ =	swait.ge [sflag:s10], $0x4000  }
0x22: {  	s19 =	simm.s32 $0x400;
	s18 =	simm.s32 $0x200;
	[sflag:s10] =	ssyncset.done $0x0  }
.LBB2_2:
0x23: {  	s20 =	sshra.s32 s18, $0x2  }
0x24: {  	[sflag:s10] =	ssyncadd.s32 $0xFFFFC000;
	s18 =	smov.u32 s19;
	s21 =	sadd.s32 $0x200, s19  }
0x25: {  	[tilespmem:s15], [sflag:$0x1] =	stream.indirect.gather [hbm4b:s4+s14], $0x80, s20, s14, $0xb8;
	[tilespmem:$0x1D000] =	vst v63  }
0x26: {  	p0 =	sne.s32 s19, $0x9C00;
	_ =	swait.ge [sflag:s16], $0x4000  }
.Ltmp0:
0x27: {  	[sflag:s16] =	ssyncset.done $0x0;
	(pc) =	sbr.rel @p0 .LBB2_2-.Ltmp0, $4  }
0x28: {  	s19 =	sadd.s32 $0x2800, s20;
	[sflag:s16] =	ssyncadd.s32 $0xFFFFC000  }
0x29: {  	[spmem:s2] =	stream.indirect.scatter.add.f32 [tilespmem:s15], [sflag:$0x2], $0x80, s19, s14, $0xb8;
	[tilespmem:$0x1D000] =	vst v63  }
0x2a: {  	_ =	swait.ge [sflag:s10], $0x4000  }
0x2b: {  	s19 =	smov.u32 s21;
	[sflag:s10] =	ssyncset.done $0x0  }
0x2c: {  	s18 =	sshra.s32 s18, $0x2;
	[sflag:s10] =	ssyncadd.s32 $0xFFFFC000  }
0x2d: {  	[tilespmem:s15], [sflag:$0x1] =	stream.indirect.gather [hbm4b:s4+s14], $0x80, s18, s14, $0xb8;
	[tilespmem:$0x1D000] =	vst v63  }
0x2e: {  	_ =	swait.ge [sflag:s16], $0x4000  }
0x2f: {  	[sflag:s16] =	ssyncset.done $0x0  }
0x30: {  	s18 =	sadd.s32 $0x2800, s18;
	[sflag:s16] =	ssyncadd.s32 $0xFFFFC000  }
0x31: {  	[spmem:s2] =	stream.indirect.scatter.add.f32 [tilespmem:s15], [sflag:$0x2], $0x80, s18, s14, $0xb8;
	[tilespmem:$0x1D000] =	vst v63  }
0x32: {  	_ =	swait.ge [sflag:s10], $0x4000  }
0x33: {  	s17 =	sadd.s32 $0x1, s17;
	[sflag:s10] =	ssyncset.done $0x0  }
0x34: {  	p0 =	sne.s32 s17, s9;
	[sflag:s10] =	ssyncadd.s32 $0xFFFFC000  }
.Ltmp1:
0x35: {  	[bflag:$0x0] =	sbarrier.arrive $0xFFFF;
	(pc) =	sbr.rel @p0 .LBB2_1-.Ltmp1, $4  }
0x36: {  	[hbm:s8], [sflag:s12] =	dma.local [spmem:s13], $0x2800  }
0x37: {  	_ =	swait.ge [sflag:s10], $0x2800  }
0x38: {  	[sflag:s10] =	ssyncset.done $0x0  }
0x39: {  	[sflag:s10] =	ssyncadd.s32 $0xFFFFD800  }
0x3a: {  	_ =	sfence.sel $0x180000  }
0x3b: {  	[bflag:$0x0] =	sbarrier.arrive $0xFFFF  }
0x3c: {  	p0 =	sne.s32 s0, $0x0;
	_ =	strace $0x9000004A  }
0x3d: {  	s0 =	sadd.s32 @!p0 $0x100000, s1;
	[bflag:$0x2] =	sbarrier.arrive $0xFFFF  }
0x3e: {  	[sflag:s0] =	ssyncadd.tile.s32 @!p0 $0x1;
	_ =	shalt  }
.Lfunc_end2:
_tile_overlayer_lowered:
.L_overlay_start_2:
0x3f: {  	(tag) =	ssettag $0x2  }
0x40: {  	s0 =	rddreg [dreg:$0x0];
	s2 =	stileid.u32  }
0x41: {  	s1 =	rddreg [dreg:$0x1];
	p0 =	sne.s32 s2, $0x0  }
0x42: {  	s3 =	rddreg [dreg:$0x2];
	[bflag:$0x3] =	sbarrier.arrive $0xFFFF;
	s2 =	simm.s32 @!p0 $0x1C02  }
0x43: {  	[timem:s3], [sflag:s2] =	dma.local @!p0 [hbm:s0], s1  }
0x44: {  	s0 =	simm.s32 @!p0 $0x2  }
0x45: {  	_ =	swait.ge @!p0 [sflag:s0], s1  }
0x46: {  	s1 =	ssub.s32 @!p0 $0x0, s1;
	[sflag:s0] =	ssyncset.done @!p0 $0x0  }
0x47: {  	[sflag:s0] =	ssyncadd.s32 @!p0 s1  }
0x48: {  	[bflag:$0x3] =	sbarrier.arrive $0xFFFF  }
0x49: {  	_ =	shalt  }

// kernel: kernel.23.cloned.1.call-start
scs
__scs_entry_jumppad:
0x0: {  	(pc) =	sbr.rel $0x88, $3  }
0x1: {  	(tag) =	ssettag $0x0;
	lr =	simm.s32 $0x1  }
0x2: {  	[smem:$0x3F7F] =	sst lr;
	_ =	strace $0xD0000000  }
0x3: {  	_ = 	snop  }
0x4: {  	_ = 	snop  }
0x5: {  	_ = 	snop  }
0x6: {  	_ = 	snop  }
0x7: {  	_ = 	snop  }
__scs_overlays_trampoline_lowered:
0x8: {  	[smem:$0x3F8E] =	sst s0  }
0x9: {  	[smem:$0x3F8F] =	sst s1  }
0xa: {  	[smem:$0x3F90] =	sst s2  }
0xb: {  	[smem:$0x3F91] =	sst s3  }
0xc: {  	[smem:$0x3F92] =	sst s4  }
0xd: {  	[smem:$0x3F93] =	sst s5  }
0xe: {  	[smem:$0x3F94] =	sst s6  }
0xf: {  	[smem:$0x3F95] =	sst s7  }
0x10: {  	[smem:$0x3F96] =	sst s8  }
0x11: {  	[smem:$0x3F97] =	sst s9;
	s0 =	simm.s32 @!p0 $0x0  }
0x12: {  	s1 =	sld [smem:$0x3F7D];
	s0 =	simm.s32 @p0 $0x1  }
0x13: {  	[smem:$0x3F98] =	sst s0;
	s0 =	simm.s32 @!p1 $0x0  }
0x14: {  	s2 =	sld [smem:$0x3F7C];
	s0 =	simm.s32 @p1 $0x1  }
0x15: {  	[smem:$0x3F99] =	sst s0;
	s0 =	simm.s32 @!p2 $0x0  }
0x16: {  	s3 =	sld [smem:$0x3FDB];
	s0 =	simm.s32 @p2 $0x1  }
0x17: {  	s4 =	simm.s32 $0x1BF5;
	[smem:$0x3F9B] =	sst s0  }
0x18: {  	s0 =	sld [smem:$0x3F7E];
	_ =	swait.ge [sflag:s4], $0x0  }
0x19: {  	s7 =	sld [smem:$0x3F7F]  }
0x1a: {  	s8 =	sadd.s32 $0xFFFFE003, lr  }
0x1b: {  	s9 =	sadd.s32 $0xFFFFFEF7, lr;
	s5 =	simm.s32 $0xFFFFFFFF;
	p2 =	slt.u32 s8, $0xFFFFF086  }
0x1c: {  	p1 =	slt.u32 s9, $0xF7A;
	s5 =	simm.s32 @!p2 $0x0  }
0x1d: {  	s5 =	simm.s32 @p1 $0x1;
	p0 =	seq.s32 s7, s2  }
0x1e: {  	s7 =	smul.u32 @!p0 $0xF7A, s2;
	p2 =	seq.s32 @!p0 s5, $0x0  }
0x1f: {  	s9 =	smul.u32 $0xF7A, s1;
	s8 =	simm.s32 @!p0 $0x1BF5;
	p2 =	por !p2, p0  }
0x20: {  	[sflag:s8] =	ssyncset.s32 @!p0 $0xFFFFF086;
	s6 =	sadd.s32 @!p0 s3, s7;
	s7 =	simm.s32 @!p0 $0x108  }
0x21: {  	s3 =	sadd.s32 s3, s9;
	s6 =	sadd.s32 @!p0 $0x88, s6;
	s7 =	simm.s32 @p2 $0x1082  }
0x22: {  	[simem:s7], [sflag:s8] =	dma.local @!p0 [hbm:s6], $0xF7A  }
0x23: {  	s9 =	sor.u32 $0xD0000000, s2;
	s6 =	simm.s32 $0x108;
	_ =	swait.ge @!p0 [sflag:s8], $0x0  }
0x24: {  	s3 =	sadd.s32 $0x88, s3;
	s6 =	simm.s32 @!p1 $0x1082;
	[sflag:s4] =	ssyncset.s32 $0xFFFFF086  }
0x25: {  	[simem:s6], [sflag:s4] =	dma.local [hbm:s3], $0xF7A  }
0x26: {  	[smem:$0x3F7F] =	sst s1;
	(tag) =	ssettag s2;
	_ =	strace s9  }
0x27: {  	s1 =	sld [smem:$0x3F8F]  }
0x28: {  	s2 =	sld [smem:$0x3F90]  }
0x29: {  	s4 =	sld [smem:$0x3F92]  }
0x2a: {  	p0 =	seq.s32 s5, $0x0;
	s5 =	sld [smem:$0x3F93]  }
0x2b: {  	s6 =	sld [smem:$0x3F94]  }
0x2c: {  	s7 =	sld [smem:$0x3F95]  }
0x2d: {  	s3 =	simm.s32 $0x108;
	s8 =	sld [smem:$0x3F96]  }
0x2e: {  	s3 =	simm.s32 @!p0 $0x1082;
	s9 =	sld [smem:$0x3F97]  }
0x2f: {  	lr =	sadd.s32 s0, s3;
	s0 =	sld [smem:$0x3F8E]  }
0x30: {  	s3 =	sld [smem:$0x3F91]  }
0x31: {  	[smem:$0x3F9A] =	sst s10  }
0x32: {  	s10 =	sld [smem:$0x3F98];
	_ =	sdelay $0x3  }
0x33: {  	p0 =	seq.s32 s10, $0x1;
	s10 =	sld [smem:$0x3F9A];
	_ =	sdelay $0x3  }
0x34: {  	[smem:$0x3F9A] =	sst s10  }
0x35: {  	s10 =	sld [smem:$0x3F99];
	_ =	sdelay $0x3  }
0x36: {  	p1 =	seq.s32 s10, $0x1;
	s10 =	sld [smem:$0x3F9A];
	_ =	sdelay $0x3  }
0x37: {  	[smem:$0x3F9A] =	sst s10  }
0x38: {  	s10 =	sld [smem:$0x3F9B]  }
0x39: {  	_ = 	snop;
	(pc) =	sbr.ind lr, $3  }
0x3a: {  	_ = 	snop  }
0x3b: {  	_ = 	snop  }
0x3c: {  	p2 =	seq.s32 s10, $0x1;
	s10 =	sld [smem:$0x3F9A]  }
0x3d: {  	_ =	shalt  }
0x3e: {  	_ =	shalt  }
0x3f: {  	_ =	shalt  }
0x40: {  	_ =	shalt  }
0x41: {  	_ =	shalt  }
0x42: {  	_ =	shalt  }
0x43: {  	_ =	shalt  }
0x44: {  	_ =	shalt  }
0x45: {  	_ =	shalt  }
0x46: {  	_ =	shalt  }
0x47: {  	_ =	shalt  }
0x48: {  	_ =	shalt  }
0x49: {  	_ =	shalt  }
0x4a: {  	_ =	shalt  }
0x4b: {  	_ =	shalt  }
0x4c: {  	_ =	shalt  }
0x4d: {  	_ =	shalt  }
0x4e: {  	_ =	shalt  }
0x4f: {  	_ =	shalt  }
0x50: {  	_ =	shalt  }
0x51: {  	_ =	shalt  }
0x52: {  	_ =	shalt  }
0x53: {  	_ =	shalt  }
0x54: {  	_ =	shalt  }
0x55: {  	_ =	shalt  }
0x56: {  	_ =	shalt  }
0x57: {  	_ =	shalt  }
0x58: {  	_ =	shalt  }
0x59: {  	_ =	shalt  }
0x5a: {  	_ =	shalt  }
0x5b: {  	_ =	shalt  }
0x5c: {  	_ =	shalt  }
0x5d: {  	_ =	shalt  }
0x5e: {  	_ =	shalt  }
0x5f: {  	_ =	shalt  }
0x60: {  	_ =	shalt  }
0x61: {  	_ =	shalt  }
0x62: {  	_ =	shalt  }
0x63: {  	_ =	shalt  }
0x64: {  	_ =	shalt  }
0x65: {  	_ =	shalt  }
0x66: {  	_ =	shalt  }
0x67: {  	_ =	shalt  }
0x68: {  	_ =	shalt  }
0x69: {  	_ =	shalt  }
0x6a: {  	_ =	shalt  }
0x6b: {  	_ =	shalt  }
0x6c: {  	_ =	shalt  }
0x6d: {  	_ =	shalt  }
0x6e: {  	_ =	shalt  }
0x6f: {  	_ =	shalt  }
0x70: {  	_ =	shalt  }
0x71: {  	_ =	shalt  }
0x72: {  	_ =	shalt  }
0x73: {  	_ =	shalt  }
0x74: {  	_ =	shalt  }
0x75: {  	_ =	shalt  }
0x76: {  	_ =	shalt  }
0x77: {  	_ =	shalt  }
0x78: {  	_ =	shalt  }
0x79: {  	_ =	shalt  }
0x7a: {  	_ =	shalt  }
0x7b: {  	_ =	shalt  }
0x7c: {  	_ =	shalt  }
0x7d: {  	_ =	shalt  }
0x7e: {  	_ =	shalt  }
0x7f: {  	_ =	shalt  }
0x80: {  	_ =	shalt  }
0x81: {  	_ =	shalt  }
0x82: {  	_ =	shalt  }
0x83: {  	_ =	shalt  }
0x84: {  	_ =	shalt  }
0x85: {  	_ =	shalt  }
0x86: {  	_ =	shalt  }
0x87: {  	_ =	shalt  }
.Lfunc_end0:
.L_simem_size_0:
called_computation.2_lowered:
.L_overlay_start_0:
0x88: {  	s2 =	sld [smem:$0x3FD9]  }
0x89: {  	s3 =	sld [smem:$0x3FFE];
	_ =	sdelay $0x1  }
0x8a: {  	s1 =	srdreg.scid  }
0x8b: {  	s0 =	sand.u32 $0x1, s1  }
0x8c: {  	s16 =	sshll.u32 s0, $0xA;
	s2 =	sadd.s32 s3, s2  }
0x8d: {  	s2 =	sadd.s32 s2, s16  }
0x8e: {  	[smem:$0x3FA6] =	sst s2  }
0x8f: {  	_ = 	snop  }
0x90: {  	(tm) =	ssettm $0x1  }
0x91: {  	s17 =	sld [smem:$0x3FFB];
	_ =	sdelay $0x3  }
0x92: {  	_ =	strace s17  }
0x93: {  	s2 =	sld [smem:$0x3FFC];
	_ =	sdelay $0x3  }
0x94: {  	_ =	strace s2  }
0x95: {  	s2 =	sld [smem:$0x3FFD];
	_ =	sdelay $0x3  }
0x96: {  	_ =	strace s2  }
0x97: {  	_ =	strace $0x8FFFFFFF  }
0x98: {  	s18 =	sld [smem:$0x3FDB];
	_ =	sdelay $0x1  }
0x99: {  	s19 =	simm.s32 $_scs_section_size  }
0x9a: {  	s4 =	simm.s32 $_size__tile_overlayer_lowered;
	s5 =	simm.s32 $_tile_overlayer_lowered  }
0x9b: {  	s22 =	simm.s32 $0x1BFF;
	s21 =	sshll.u32 s5, $0x1;
	s2 =	sadd.s32 s19, s18  }
0x9c: {  	s6 =	simm.s32 $0x0;
	s20 =	sshll.u32 s4, $0x1;
	s4 =	sadd.s32 s21, s2  }
0x9d: {  	[timem:s6], [sflag:s22] =	dma.local [hbm:s4], s20  }
0x9e: {  	_ =	swait.ge [sflag:s22], s20  }
0x9f: {  	s3 =	ssub.s32 $0x0, s20;
	[sflag:s22] =	ssyncset.done $0x0  }
0xa0: {  	[sflag:s22] =	ssyncadd.s32 s3;
	_ =	sdelay $0x1  }
0xa1: {  	s23 =	simm.s32 $0x1B8B  }
0xa2: {  	_ =	swait.ge [sflag:s23], $0x1  }
0xa3: {  	[sflag:s23] =	ssyncset.done $0x0  }
0xa4: {  	s25 =	simm.s32 $0x1B8E;
	s24 =	sld [smem:$0x3FFE];
	[sflag:s23] =	ssyncadd.s32 $0xFFFFFFFF  }
0xa5: {  	s26 =	simm.s32 $execute0_lowered;
	[smem:$0x3FD2] =	sst s25  }
0xa6: {  	s4 =	sshll.u32 s26, $0x1;
	_ =	strace $0x8000004C;
	[dreg:$0x1] =	wrdreg $0xFFFFFFFF  }
0xa7: {  	s28 =	simm.s32 $_size_execute0_lowered;
	s2 =	sadd.s32 s2, s4;
	[dreg:$0x0] =	wrdreg $0x0  }
0xa8: {  	s4 =	sshll.u32 s28, $0x1;
	[dreg:$0x2] =	wrdreg s2  }
0xa9: {  	[dreg:$0x3] =	wrdreg s4  }
0xaa: {  	[dreg:$0x4] =	wrdreg $0xC0  }
0xab: {  	_ =	task [dreg:s6], $0x5FFFF  }
0xac: {  	[dreg:$0x1] =	wrdreg $0xFFFFFFFF  }
0xad: {  	[dreg:$0x0] =	wrdreg $0x60  }
0xae: {  	[dreg:$0x2] =	wrdreg s24  }
0xaf: {  	[dreg:$0x3] =	wrdreg $0x90000  }
0xb0: {  	[dreg:$0x4] =	wrdreg $0x9  }
0xb1: {  	_ =	task.clear_ibuf [dreg:s6], $0x5FFFF;
	_ =	strace $0x9000004C  }
0xb2: {  	s29 =	simm.s32 $0x9;
	_ =	strace $0x8000004E  }
0xb3: {  	_ =	swait.ge [sflag:s29], $0x1  }
0xb4: {  	[sflag:s29] =	ssyncadd.s32 $0xFFFFFFFF  }
0xb5: {  	_ =	strace $0x9000004E  }
0xb6: {  	_ =	sfence  }
0xb7: {  	s30 =	sld [smem:$0x0];
	_ =	sdelay $0x2  }
0xb8: {  	s31 =	sshll.u32 s1, $0xD;
	s1 =	sshrl.u32 s1, $0x2  }
0xb9: {  	s3 =	sand.u32 $0x4000, s31;
	s1 =	sadd.s32 s1, s30  }
0xba: {  	s0 =	sor.u32 s3, s0;
	s1 =	sshll.u32 s1, $0x11  }
0xbb: {  	s0 =	sor.u32 s1, s0  }
0xbc: {  	s0 =	sadd.s32 $0x8F2B, s0  }
0xbd: {  	[sflag:s0] =	ssyncadd.remote.s32 $0x1  }
0xbe: {  	_ =	sfence.sel $0xFFFF  }
0xbf: {  	[dreg:$0x0] =	wrdreg $0xFFFFFFFF;
	(pc) =	sbr.abs _section_cstart, $3  }
0xc0: {  	[dreg:$0x1] =	wrdreg $0xFFFFFFFF  }
0xc1: {  	_ =	task.clear_ibuf [dreg:s6], $0x2FFFF;
	_ =	strace $0x9FFFFFFF  }
0xc2: {  	(tm) =	ssettm $0x7FFFFFFF  }
0xc3: {  	_ =	shalt  }
tec
execute0_lowered:
.L_overlay_start_1:
0x0: {  	(tag) =	ssettag $0x1  }
0x1: {  	s6 =	rddreg [dreg:$0x0]  }
0x2: {  	s0 =	srdreg.scid;
	s2 =	rddreg [dreg:$0x1]  }
0x3: {  	s3 =	simm.s32 $0x0;
	s14 =	simm.s32 $0x80;
	s15 =	simm.s32 $0x5000  }
0x4: {  	s16 =	simm.s32 $0x1;
	s5 =	sand.u32 $0x1, s0;
	s0 =	stileid.u32  }
0x5: {  	s17 =	simm.s32 $0x0;
	[smem:$0x7FF] =	sst s3;
	s8 =	smul.u32 $0x140000, s5  }
0x6: {  	s4 =	sadd.s32 $0x1C000, s6;
	s1 =	sshll.u32 s5, $0x4;
	s9 =	smul.u32 $0x14000, s0  }
0x7: {  	s30 =	ssub.s32 $0x2, s5;
	s11 =	smul.u32 $0x50000, s0;
	s5 =	sadd.s32 $0xBC000, s6  }
0x8: {  	s12 =	sshll.u32 s0, $0x6;
	s1 =	sor.u32 s0, s1;
	s10 =	sshrl.u32 s30, $0x1  }
0x9: {  	s12 =	sor.u32 $0x1C02, s12;
	s7 =	smul.u32 $0x500, s1;
	s1 =	rddreg [dreg:$0x2]  }
0xa: {  	_ =	strace $0x8000004D;
	s8 =	sadd.s32 s9, s8;
	s9 =	ssub.s32 s30, s10  }
0xb: {  	s31 =	sshrl.u32 s11, $0x2;
	s10 =	simm.s32 $0x2;
	s11 =	simm.s32 $0x2800  }
0xc: {  	s8 =	sshrl.u32 s8, $0x3;
	s13 =	sadd.s32 s31, s2;
	s9 =	smax.u32 s9, $0x1  }
0xd: {  	s7 =	sadd.s32 s7, s6;
	s8 =	sadd.s32 s8, s6;
	s13 =	sshrl.u32 s13, $0x3  }
0xe: {  	s6 =	sadd.s32 $0x8000, s7;
	s7 =	sadd.s32 $0x12000, s7;
	s8 =	sadd.s32 $0xBE800, s8  }
.LBB2_1:
0xf: {  	[tilespmem:s3], [sflag:$0x2] =	stream.linear.gather [hbm4b:s6+s3], $0x2780, $0x38;
	[tilespmem:$0x1D000] =	vst v63  }
0x10: {  	_ =	swait.ge [sflag:s10], $0x2780  }
0x11: {  	[sflag:s10] =	ssyncset.done $0x0  }
0x12: {  	[sflag:s10] =	ssyncadd.s32 $0xFFFFD880  }
0x13: {  	[tilespmem:s11], [sflag:$0x2] =	stream.linear.gather [hbm4b:s7+s3], $0x2780, $0x38;
	[tilespmem:$0x1D000] =	vst v63  }
0x14: {  	_ =	swait.ge [sflag:s10], $0x2780  }
0x15: {  	[sflag:s10] =	ssyncset.done $0x0  }
0x16: {  	[sflag:s10] =	ssyncadd.s32 $0xFFFFD880  }
0x17: {  	[spmem:s13], [sflag:s12] =	dma.local [hbm:s5], $0x2800  }
0x18: {  	_ =	swait.ge [sflag:s10], $0x2800  }
0x19: {  	[sflag:s10] =	ssyncset.done $0x0  }
0x1a: {  	[sflag:s10] =	ssyncadd.s32 $0xFFFFD800  }
0x1b: {  	s18 =	simm.s32 $0x0;
	[bflag:$0x0] =	sbarrier.arrive $0xFFFF  }
0x1c: {  	[tilespmem:s15], [sflag:$0x1] =	stream.indirect.gather [hbm4b:s4+s14], $0x80, s18, s14, $0xb8;
	[tilespmem:$0x1D000] =	vst v63  }
0x1d: {  	_ =	swait.ge [sflag:s16], $0x4000  }
0x1e: {  	[sflag:s16] =	ssyncset.done $0x0  }
0x1f: {  	s31 =	simm.s32 $0x2800;
	[sflag:s16] =	ssyncadd.s32 $0xFFFFC000  }
0x20: {  	[spmem:s2] =	stream.indirect.scatter.add.f32 [tilespmem:s15], [sflag:$0x2], $0x80, s31, s14, $0xb8;
	[tilespmem:$0x1D000] =	vst v63  }
0x21: {  	_ =	swait.ge [sflag:s10], $0x4000  }
0x22: {  	s19 =	simm.s32 $0x400;
	s18 =	simm.s32 $0x200;
	[sflag:s10] =	ssyncset.done $0x0  }
.LBB2_2:
0x23: {  	s20 =	sshra.s32 s18, $0x2  }
0x24: {  	[sflag:s10] =	ssyncadd.s32 $0xFFFFC000;
	s18 =	smov.u32 s19;
	s21 =	sadd.s32 $0x200, s19  }
0x25: {  	[tilespmem:s15], [sflag:$0x1] =	stream.indirect.gather [hbm4b:s4+s14], $0x80, s20, s14, $0xb8;
	[tilespmem:$0x1D000] =	vst v63  }
0x26: {  	p0 =	sne.s32 s19, $0x9C00;
	_ =	swait.ge [sflag:s16], $0x4000  }
.Ltmp0:
0x27: {  	[sflag:s16] =	ssyncset.done $0x0;
	(pc) =	sbr.rel @p0 .LBB2_2-.Ltmp0, $4  }
0x28: {  	s19 =	sadd.s32 $0x2800, s20;
	[sflag:s16] =	ssyncadd.s32 $0xFFFFC000  }
0x29: {  	[spmem:s2] =	stream.indirect.scatter.add.f32 [tilespmem:s15], [sflag:$0x2], $0x80, s19, s14, $0xb8;
	[tilespmem:$0x1D000] =	vst v63  }
0x2a: {  	_ =	swait.ge [sflag:s10], $0x4000  }
0x2b: {  	s19 =	smov.u32 s21;
	[sflag:s10] =	ssyncset.done $0x0  }
0x2c: {  	s18 =	sshra.s32 s18, $0x2;
	[sflag:s10] =	ssyncadd.s32 $0xFFFFC000  }
0x2d: {  	[tilespmem:s15], [sflag:$0x1] =	stream.indirect.gather [hbm4b:s4+s14], $0x80, s18, s14, $0xb8;
	[tilespmem:$0x1D000] =	vst v63  }
0x2e: {  	_ =	swait.ge [sflag:s16], $0x4000  }
0x2f: {  	[sflag:s16] =	ssyncset.done $0x0  }
0x30: {  	s18 =	sadd.s32 $0x2800, s18;
	[sflag:s16] =	ssyncadd.s32 $0xFFFFC000  }
0x31: {  	[spmem:s2] =	stream.indirect.scatter.add.f32 [tilespmem:s15], [sflag:$0x2], $0x80, s18, s14, $0xb8;
	[tilespmem:$0x1D000] =	vst v63  }
0x32: {  	_ =	swait.ge [sflag:s10], $0x4000  }
0x33: {  	s17 =	sadd.s32 $0x1, s17;
	[sflag:s10] =	ssyncset.done $0x0  }
0x34: {  	p0 =	sne.s32 s17, s9;
	[sflag:s10] =	ssyncadd.s32 $0xFFFFC000  }
.Ltmp1:
0x35: {  	[bflag:$0x0] =	sbarrier.arrive $0xFFFF;
	(pc) =	sbr.rel @p0 .LBB2_1-.Ltmp1, $4  }
0x36: {  	[hbm:s8], [sflag:s12] =	dma.local [spmem:s13], $0x2800  }
0x37: {  	_ =	swait.ge [sflag:s10], $0x2800  }
0x38: {  	[sflag:s10] =	ssyncset.done $0x0  }
0x39: {  	[sflag:s10] =	ssyncadd.s32 $0xFFFFD800  }
0x3a: {  	_ =	sfence.sel $0x180000  }
0x3b: {  	[bflag:$0x0] =	sbarrier.arrive $0xFFFF  }
0x3c: {  	p0 =	sne.s32 s0, $0x0;
	_ =	strace $0x9000004D  }
0x3d: {  	s0 =	sadd.s32 @!p0 $0x100000, s1;
	[bflag:$0x2] =	sbarrier.arrive $0xFFFF  }
0x3e: {  	[sflag:s0] =	ssyncadd.tile.s32 @!p0 $0x1;
	_ =	shalt  }
.Lfunc_end2:
_tile_overlayer_lowered:
.L_overlay_start_2:
0x3f: {  	(tag) =	ssettag $0x2  }
0x40: {  	s0 =	rddreg [dreg:$0x0];
	s2 =	stileid.u32  }
0x41: {  	s1 =	rddreg [dreg:$0x1];
	p0 =	sne.s32 s2, $0x0  }
0x42: {  	s3 =	rddreg [dreg:$0x2];
	[bflag:$0x3] =	sbarrier.arrive $0xFFFF;
	s2 =	simm.s32 @!p0 $0x1C02  }
0x43: {  	[timem:s3], [sflag:s2] =	dma.local @!p0 [hbm:s0], s1  }
0x44: {  	s0 =	simm.s32 @!p0 $0x2  }
0x45: {  	_ =	swait.ge @!p0 [sflag:s0], s1  }
0x46: {  	s1 =	ssub.s32 @!p0 $0x0, s1;
	[sflag:s0] =	ssyncset.done @!p0 $0x0  }
0x47: {  	[sflag:s0] =	ssyncadd.s32 @!p0 s1  }
0x48: {  	[bflag:$0x3] =	sbarrier.arrive $0xFFFF  }
0x49: {  	_ =	shalt  }

// kernel: kernel.26.cloned.1.call-start
scs
__scs_entry_jumppad:
0x0: {  	(pc) =	sbr.rel $0x88, $3  }
0x1: {  	(tag) =	ssettag $0x0;
	lr =	simm.s32 $0x1  }
0x2: {  	[smem:$0x3F7F] =	sst lr;
	_ =	strace $0xD0000000  }
0x3: {  	_ = 	snop  }
0x4: {  	_ = 	snop  }
0x5: {  	_ = 	snop  }
0x6: {  	_ = 	snop  }
0x7: {  	_ = 	snop  }
__scs_overlays_trampoline_lowered:
0x8: {  	[smem:$0x3F8E] =	sst s0  }
0x9: {  	[smem:$0x3F8F] =	sst s1  }
0xa: {  	[smem:$0x3F90] =	sst s2  }
0xb: {  	[smem:$0x3F91] =	sst s3  }
0xc: {  	[smem:$0x3F92] =	sst s4  }
0xd: {  	[smem:$0x3F93] =	sst s5  }
0xe: {  	[smem:$0x3F94] =	sst s6  }
0xf: {  	[smem:$0x3F95] =	sst s7  }
0x10: {  	[smem:$0x3F96] =	sst s8  }
0x11: {  	[smem:$0x3F97] =	sst s9;
	s0 =	simm.s32 @!p0 $0x0  }
0x12: {  	s1 =	sld [smem:$0x3F7D];
	s0 =	simm.s32 @p0 $0x1  }
0x13: {  	[smem:$0x3F98] =	sst s0;
	s0 =	simm.s32 @!p1 $0x0  }
0x14: {  	s2 =	sld [smem:$0x3F7C];
	s0 =	simm.s32 @p1 $0x1  }
0x15: {  	[smem:$0x3F99] =	sst s0;
	s0 =	simm.s32 @!p2 $0x0  }
0x16: {  	s3 =	sld [smem:$0x3FDB];
	s0 =	simm.s32 @p2 $0x1  }
0x17: {  	s4 =	simm.s32 $0x1BF5;
	[smem:$0x3F9B] =	sst s0  }
0x18: {  	s0 =	sld [smem:$0x3F7E];
	_ =	swait.ge [sflag:s4], $0x0  }
0x19: {  	s7 =	sld [smem:$0x3F7F]  }
0x1a: {  	s8 =	sadd.s32 $0xFFFFE003, lr  }
0x1b: {  	s9 =	sadd.s32 $0xFFFFFEF7, lr;
	s5 =	simm.s32 $0xFFFFFFFF;
	p2 =	slt.u32 s8, $0xFFFFF086  }
0x1c: {  	p1 =	slt.u32 s9, $0xF7A;
	s5 =	simm.s32 @!p2 $0x0  }
0x1d: {  	s5 =	simm.s32 @p1 $0x1;
	p0 =	seq.s32 s7, s2  }
0x1e: {  	s7 =	smul.u32 @!p0 $0xF7A, s2;
	p2 =	seq.s32 @!p0 s5, $0x0  }
0x1f: {  	s9 =	smul.u32 $0xF7A, s1;
	s8 =	simm.s32 @!p0 $0x1BF5;
	p2 =	por !p2, p0  }
0x20: {  	[sflag:s8] =	ssyncset.s32 @!p0 $0xFFFFF086;
	s6 =	sadd.s32 @!p0 s3, s7;
	s7 =	simm.s32 @!p0 $0x108  }
0x21: {  	s3 =	sadd.s32 s3, s9;
	s6 =	sadd.s32 @!p0 $0x88, s6;
	s7 =	simm.s32 @p2 $0x1082  }
0x22: {  	[simem:s7], [sflag:s8] =	dma.local @!p0 [hbm:s6], $0xF7A  }
0x23: {  	s9 =	sor.u32 $0xD0000000, s2;
	s6 =	simm.s32 $0x108;
	_ =	swait.ge @!p0 [sflag:s8], $0x0  }
0x24: {  	s3 =	sadd.s32 $0x88, s3;
	s6 =	simm.s32 @!p1 $0x1082;
	[sflag:s4] =	ssyncset.s32 $0xFFFFF086  }
0x25: {  	[simem:s6], [sflag:s4] =	dma.local [hbm:s3], $0xF7A  }
0x26: {  	[smem:$0x3F7F] =	sst s1;
	(tag) =	ssettag s2;
	_ =	strace s9  }
0x27: {  	s1 =	sld [smem:$0x3F8F]  }
0x28: {  	s2 =	sld [smem:$0x3F90]  }
0x29: {  	s4 =	sld [smem:$0x3F92]  }
0x2a: {  	p0 =	seq.s32 s5, $0x0;
	s5 =	sld [smem:$0x3F93]  }
0x2b: {  	s6 =	sld [smem:$0x3F94]  }
0x2c: {  	s7 =	sld [smem:$0x3F95]  }
0x2d: {  	s3 =	simm.s32 $0x108;
	s8 =	sld [smem:$0x3F96]  }
0x2e: {  	s3 =	simm.s32 @!p0 $0x1082;
	s9 =	sld [smem:$0x3F97]  }
0x2f: {  	lr =	sadd.s32 s0, s3;
	s0 =	sld [smem:$0x3F8E]  }
0x30: {  	s3 =	sld [smem:$0x3F91]  }
0x31: {  	[smem:$0x3F9A] =	sst s10  }
0x32: {  	s10 =	sld [smem:$0x3F98];
	_ =	sdelay $0x3  }
0x33: {  	p0 =	seq.s32 s10, $0x1;
	s10 =	sld [smem:$0x3F9A];
	_ =	sdelay $0x3  }
0x34: {  	[smem:$0x3F9A] =	sst s10  }
0x35: {  	s10 =	sld [smem:$0x3F99];
	_ =	sdelay $0x3  }
0x36: {  	p1 =	seq.s32 s10, $0x1;
	s10 =	sld [smem:$0x3F9A];
	_ =	sdelay $0x3  }
0x37: {  	[smem:$0x3F9A] =	sst s10  }
0x38: {  	s10 =	sld [smem:$0x3F9B]  }
0x39: {  	_ = 	snop;
	(pc) =	sbr.ind lr, $3  }
0x3a: {  	_ = 	snop  }
0x3b: {  	_ = 	snop  }
0x3c: {  	p2 =	seq.s32 s10, $0x1;
	s10 =	sld [smem:$0x3F9A]  }
0x3d: {  	_ =	shalt  }
0x3e: {  	_ =	shalt  }
0x3f: {  	_ =	shalt  }
0x40: {  	_ =	shalt  }
0x41: {  	_ =	shalt  }
0x42: {  	_ =	shalt  }
0x43: {  	_ =	shalt  }
0x44: {  	_ =	shalt  }
0x45: {  	_ =	shalt  }
0x46: {  	_ =	shalt  }
0x47: {  	_ =	shalt  }
0x48: {  	_ =	shalt  }
0x49: {  	_ =	shalt  }
0x4a: {  	_ =	shalt  }
0x4b: {  	_ =	shalt  }
0x4c: {  	_ =	shalt  }
0x4d: {  	_ =	shalt  }
0x4e: {  	_ =	shalt  }
0x4f: {  	_ =	shalt  }
0x50: {  	_ =	shalt  }
0x51: {  	_ =	shalt  }
0x52: {  	_ =	shalt  }
0x53: {  	_ =	shalt  }
0x54: {  	_ =	shalt  }
0x55: {  	_ =	shalt  }
0x56: {  	_ =	shalt  }
0x57: {  	_ =	shalt  }
0x58: {  	_ =	shalt  }
0x59: {  	_ =	shalt  }
0x5a: {  	_ =	shalt  }
0x5b: {  	_ =	shalt  }
0x5c: {  	_ =	shalt  }
0x5d: {  	_ =	shalt  }
0x5e: {  	_ =	shalt  }
0x5f: {  	_ =	shalt  }
0x60: {  	_ =	shalt  }
0x61: {  	_ =	shalt  }
0x62: {  	_ =	shalt  }
0x63: {  	_ =	shalt  }
0x64: {  	_ =	shalt  }
0x65: {  	_ =	shalt  }
0x66: {  	_ =	shalt  }
0x67: {  	_ =	shalt  }
0x68: {  	_ =	shalt  }
0x69: {  	_ =	shalt  }
0x6a: {  	_ =	shalt  }
0x6b: {  	_ =	shalt  }
0x6c: {  	_ =	shalt  }
0x6d: {  	_ =	shalt  }
0x6e: {  	_ =	shalt  }
0x6f: {  	_ =	shalt  }
0x70: {  	_ =	shalt  }
0x71: {  	_ =	shalt  }
0x72: {  	_ =	shalt  }
0x73: {  	_ =	shalt  }
0x74: {  	_ =	shalt  }
0x75: {  	_ =	shalt  }
0x76: {  	_ =	shalt  }
0x77: {  	_ =	shalt  }
0x78: {  	_ =	shalt  }
0x79: {  	_ =	shalt  }
0x7a: {  	_ =	shalt  }
0x7b: {  	_ =	shalt  }
0x7c: {  	_ =	shalt  }
0x7d: {  	_ =	shalt  }
0x7e: {  	_ =	shalt  }
0x7f: {  	_ =	shalt  }
0x80: {  	_ =	shalt  }
0x81: {  	_ =	shalt  }
0x82: {  	_ =	shalt  }
0x83: {  	_ =	shalt  }
0x84: {  	_ =	shalt  }
0x85: {  	_ =	shalt  }
0x86: {  	_ =	shalt  }
0x87: {  	_ =	shalt  }
.Lfunc_end0:
.L_simem_size_0:
called_computation.3_lowered:
.L_overlay_start_0:
0x88: {  	s2 =	sld [smem:$0x3FD9]  }
0x89: {  	s3 =	sld [smem:$0x3FFE];
	_ =	sdelay $0x1  }
0x8a: {  	s1 =	srdreg.scid  }
0x8b: {  	s0 =	sand.u32 $0x1, s1  }
0x8c: {  	s16 =	sshll.u32 s0, $0xA;
	s2 =	sadd.s32 s3, s2  }
0x8d: {  	s2 =	sadd.s32 s2, s16  }
0x8e: {  	[smem:$0x3FA6] =	sst s2  }
0x8f: {  	_ = 	snop  }
0x90: {  	(tm) =	ssettm $0x1  }
0x91: {  	s17 =	sld [smem:$0x3FFB];
	_ =	sdelay $0x3  }
0x92: {  	_ =	strace s17  }
0x93: {  	s2 =	sld [smem:$0x3FFC];
	_ =	sdelay $0x3  }
0x94: {  	_ =	strace s2  }
0x95: {  	s2 =	sld [smem:$0x3FFD];
	_ =	sdelay $0x3  }
0x96: {  	_ =	strace s2  }
0x97: {  	_ =	strace $0x8FFFFFFF  }
0x98: {  	s18 =	sld [smem:$0x3FDB];
	_ =	sdelay $0x1  }
0x99: {  	s19 =	simm.s32 $_scs_section_size  }
0x9a: {  	s4 =	simm.s32 $_size__tile_overlayer_lowered;
	s5 =	simm.s32 $_tile_overlayer_lowered  }
0x9b: {  	s22 =	simm.s32 $0x1BFF;
	s21 =	sshll.u32 s5, $0x1;
	s2 =	sadd.s32 s19, s18  }
0x9c: {  	s6 =	simm.s32 $0x0;
	s20 =	sshll.u32 s4, $0x1;
	s4 =	sadd.s32 s21, s2  }
0x9d: {  	[timem:s6], [sflag:s22] =	dma.local [hbm:s4], s20  }
0x9e: {  	_ =	swait.ge [sflag:s22], s20  }
0x9f: {  	s3 =	ssub.s32 $0x0, s20;
	[sflag:s22] =	ssyncset.done $0x0  }
0xa0: {  	[sflag:s22] =	ssyncadd.s32 s3;
	_ =	sdelay $0x1  }
0xa1: {  	s23 =	simm.s32 $0x1B8B  }
0xa2: {  	_ =	swait.ge [sflag:s23], $0x1  }
0xa3: {  	[sflag:s23] =	ssyncset.done $0x0  }
0xa4: {  	s25 =	simm.s32 $0x1B8E;
	s24 =	sld [smem:$0x3FFE];
	[sflag:s23] =	ssyncadd.s32 $0xFFFFFFFF  }
0xa5: {  	s26 =	simm.s32 $execute0_lowered;
	[smem:$0x3FD2] =	sst s25  }
0xa6: {  	s4 =	sshll.u32 s26, $0x1;
	_ =	strace $0x8000004F;
	[dreg:$0x1] =	wrdreg $0xFFFFFFFF  }
0xa7: {  	s28 =	simm.s32 $_size_execute0_lowered;
	s2 =	sadd.s32 s2, s4;
	[dreg:$0x0] =	wrdreg $0x0  }
0xa8: {  	s4 =	sshll.u32 s28, $0x1;
	[dreg:$0x2] =	wrdreg s2  }
0xa9: {  	[dreg:$0x3] =	wrdreg s4  }
0xaa: {  	[dreg:$0x4] =	wrdreg $0xC0  }
0xab: {  	_ =	task [dreg:s6], $0x5FFFF  }
0xac: {  	[dreg:$0x1] =	wrdreg $0xFFFFFFFF  }
0xad: {  	[dreg:$0x0] =	wrdreg $0x60  }
0xae: {  	[dreg:$0x2] =	wrdreg s24  }
0xaf: {  	[dreg:$0x3] =	wrdreg $0x90000  }
0xb0: {  	[dreg:$0x4] =	wrdreg $0x9  }
0xb1: {  	_ =	task.clear_ibuf [dreg:s6], $0x5FFFF;
	_ =	strace $0x9000004F  }
0xb2: {  	s29 =	simm.s32 $0x9;
	_ =	strace $0x80000051  }
0xb3: {  	_ =	swait.ge [sflag:s29], $0x1  }
0xb4: {  	[sflag:s29] =	ssyncadd.s32 $0xFFFFFFFF  }
0xb5: {  	_ =	strace $0x90000051  }
0xb6: {  	_ =	sfence  }
0xb7: {  	s30 =	sld [smem:$0x0];
	_ =	sdelay $0x2  }
0xb8: {  	s31 =	sshll.u32 s1, $0xD;
	s1 =	sshrl.u32 s1, $0x2  }
0xb9: {  	s3 =	sand.u32 $0x4000, s31;
	s1 =	sadd.s32 s1, s30  }
0xba: {  	s0 =	sor.u32 s3, s0;
	s1 =	sshll.u32 s1, $0x11  }
0xbb: {  	s0 =	sor.u32 s1, s0  }
0xbc: {  	s0 =	sadd.s32 $0x8F2B, s0  }
0xbd: {  	[sflag:s0] =	ssyncadd.remote.s32 $0x1  }
0xbe: {  	_ =	sfence.sel $0xFFFF  }
0xbf: {  	[dreg:$0x0] =	wrdreg $0xFFFFFFFF;
	(pc) =	sbr.abs _section_cstart, $3  }
0xc0: {  	[dreg:$0x1] =	wrdreg $0xFFFFFFFF  }
0xc1: {  	_ =	task.clear_ibuf [dreg:s6], $0x2FFFF;
	_ =	strace $0x9FFFFFFF  }
0xc2: {  	(tm) =	ssettm $0x7FFFFFFF  }
0xc3: {  	_ =	shalt  }
tec
execute0_lowered:
.L_overlay_start_1:
0x0: {  	(tag) =	ssettag $0x1  }
0x1: {  	s6 =	rddreg [dreg:$0x0]  }
0x2: {  	s0 =	srdreg.scid;
	s2 =	rddreg [dreg:$0x1]  }
0x3: {  	s3 =	simm.s32 $0x0;
	s14 =	simm.s32 $0x80;
	s15 =	simm.s32 $0x5000  }
0x4: {  	s16 =	simm.s32 $0x1;
	s5 =	sand.u32 $0x1, s0;
	s0 =	stileid.u32  }
0x5: {  	s17 =	simm.s32 $0x0;
	[smem:$0x7FF] =	sst s3;
	s8 =	smul.u32 $0x140000, s5  }
0x6: {  	s4 =	sadd.s32 $0x1C000, s6;
	s1 =	sshll.u32 s5, $0x4;
	s9 =	smul.u32 $0x14000, s0  }
0x7: {  	s30 =	ssub.s32 $0x2, s5;
	s11 =	smul.u32 $0x50000, s0;
	s5 =	sadd.s32 $0xBC000, s6  }
0x8: {  	s12 =	sshll.u32 s0, $0x6;
	s1 =	sor.u32 s0, s1;
	s10 =	sshrl.u32 s30, $0x1  }
0x9: {  	s12 =	sor.u32 $0x1C02, s12;
	s7 =	smul.u32 $0x500, s1;
	s1 =	rddreg [dreg:$0x2]  }
0xa: {  	_ =	strace $0x80000050;
	s8 =	sadd.s32 s9, s8;
	s9 =	ssub.s32 s30, s10  }
0xb: {  	s31 =	sshrl.u32 s11, $0x2;
	s10 =	simm.s32 $0x2;
	s11 =	simm.s32 $0x2800  }
0xc: {  	s8 =	sshrl.u32 s8, $0x3;
	s13 =	sadd.s32 s31, s2;
	s9 =	smax.u32 s9, $0x1  }
0xd: {  	s7 =	sadd.s32 s7, s6;
	s8 =	sadd.s32 s8, s6;
	s13 =	sshrl.u32 s13, $0x3  }
0xe: {  	s6 =	sadd.s32 $0x8000, s7;
	s7 =	sadd.s32 $0x12000, s7;
	s8 =	sadd.s32 $0xBE800, s8  }
.LBB2_1:
0xf: {  	[tilespmem:s3], [sflag:$0x2] =	stream.linear.gather [hbm4b:s6+s3], $0x2780, $0x38;
	[tilespmem:$0x1D000] =	vst v63  }
0x10: {  	_ =	swait.ge [sflag:s10], $0x2780  }
0x11: {  	[sflag:s10] =	ssyncset.done $0x0  }
0x12: {  	[sflag:s10] =	ssyncadd.s32 $0xFFFFD880  }
0x13: {  	[tilespmem:s11], [sflag:$0x2] =	stream.linear.gather [hbm4b:s7+s3], $0x2780, $0x38;
	[tilespmem:$0x1D000] =	vst v63  }
0x14: {  	_ =	swait.ge [sflag:s10], $0x2780  }
0x15: {  	[sflag:s10] =	ssyncset.done $0x0  }
0x16: {  	[sflag:s10] =	ssyncadd.s32 $0xFFFFD880  }
0x17: {  	[spmem:s13], [sflag:s12] =	dma.local [hbm:s5], $0x2800  }
0x18: {  	_ =	swait.ge [sflag:s10], $0x2800  }
0x19: {  	[sflag:s10] =	ssyncset.done $0x0  }
0x1a: {  	[sflag:s10] =	ssyncadd.s32 $0xFFFFD800  }
0x1b: {  	s18 =	simm.s32 $0x0;
	[bflag:$0x0] =	sbarrier.arrive $0xFFFF  }
0x1c: {  	[tilespmem:s15], [sflag:$0x1] =	stream.indirect.gather [hbm4b:s4+s14], $0x80, s18, s14, $0xb8;
	[tilespmem:$0x1D000] =	vst v63  }
0x1d: {  	_ =	swait.ge [sflag:s16], $0x4000  }
0x1e: {  	[sflag:s16] =	ssyncset.done $0x0  }
0x1f: {  	s31 =	simm.s32 $0x2800;
	[sflag:s16] =	ssyncadd.s32 $0xFFFFC000  }
0x20: {  	[spmem:s2] =	stream.indirect.scatter.add.f32 [tilespmem:s15], [sflag:$0x2], $0x80, s31, s14, $0xb8;
	[tilespmem:$0x1D000] =	vst v63  }
0x21: {  	_ =	swait.ge [sflag:s10], $0x4000  }
0x22: {  	s19 =	simm.s32 $0x400;
	s18 =	simm.s32 $0x200;
	[sflag:s10] =	ssyncset.done $0x0  }
.LBB2_2:
0x23: {  	s20 =	sshra.s32 s18, $0x2  }
0x24: {  	[sflag:s10] =	ssyncadd.s32 $0xFFFFC000;
	s18 =	smov.u32 s19;
	s21 =	sadd.s32 $0x200, s19  }
0x25: {  	[tilespmem:s15], [sflag:$0x1] =	stream.indirect.gather [hbm4b:s4+s14], $0x80, s20, s14, $0xb8;
	[tilespmem:$0x1D000] =	vst v63  }
0x26: {  	p0 =	sne.s32 s19, $0x9C00;
	_ =	swait.ge [sflag:s16], $0x4000  }
.Ltmp0:
0x27: {  	[sflag:s16] =	ssyncset.done $0x0;
	(pc) =	sbr.rel @p0 .LBB2_2-.Ltmp0, $4  }
0x28: {  	s19 =	sadd.s32 $0x2800, s20;
	[sflag:s16] =	ssyncadd.s32 $0xFFFFC000  }
0x29: {  	[spmem:s2] =	stream.indirect.scatter.add.f32 [tilespmem:s15], [sflag:$0x2], $0x80, s19, s14, $0xb8;
	[tilespmem:$0x1D000] =	vst v63  }
0x2a: {  	_ =	swait.ge [sflag:s10], $0x4000  }
0x2b: {  	s19 =	smov.u32 s21;
	[sflag:s10] =	ssyncset.done $0x0  }
0x2c: {  	s18 =	sshra.s32 s18, $0x2;
	[sflag:s10] =	ssyncadd.s32 $0xFFFFC000  }
0x2d: {  	[tilespmem:s15], [sflag:$0x1] =	stream.indirect.gather [hbm4b:s4+s14], $0x80, s18, s14, $0xb8;
	[tilespmem:$0x1D000] =	vst v63  }
0x2e: {  	_ =	swait.ge [sflag:s16], $0x4000  }
0x2f: {  	[sflag:s16] =	ssyncset.done $0x0  }
0x30: {  	s18 =	sadd.s32 $0x2800, s18;
	[sflag:s16] =	ssyncadd.s32 $0xFFFFC000  }
0x31: {  	[spmem:s2] =	stream.indirect.scatter.add.f32 [tilespmem:s15], [sflag:$0x2], $0x80, s18, s14, $0xb8;
	[tilespmem:$0x1D000] =	vst v63  }
0x32: {  	_ =	swait.ge [sflag:s10], $0x4000  }
0x33: {  	s17 =	sadd.s32 $0x1, s17;
	[sflag:s10] =	ssyncset.done $0x0  }
0x34: {  	p0 =	sne.s32 s17, s9;
	[sflag:s10] =	ssyncadd.s32 $0xFFFFC000  }
.Ltmp1:
0x35: {  	[bflag:$0x0] =	sbarrier.arrive $0xFFFF;
	(pc) =	sbr.rel @p0 .LBB2_1-.Ltmp1, $4  }
0x36: {  	[hbm:s8], [sflag:s12] =	dma.local [spmem:s13], $0x2800  }
0x37: {  	_ =	swait.ge [sflag:s10], $0x2800  }
0x38: {  	[sflag:s10] =	ssyncset.done $0x0  }
0x39: {  	[sflag:s10] =	ssyncadd.s32 $0xFFFFD800  }
0x3a: {  	_ =	sfence.sel $0x180000  }
0x3b: {  	[bflag:$0x0] =	sbarrier.arrive $0xFFFF  }
0x3c: {  	p0 =	sne.s32 s0, $0x0;
	_ =	strace $0x90000050  }
0x3d: {  	s0 =	sadd.s32 @!p0 $0x100000, s1;
	[bflag:$0x2] =	sbarrier.arrive $0xFFFF  }
0x3e: {  	[sflag:s0] =	ssyncadd.tile.s32 @!p0 $0x1;
	_ =	shalt  }
.Lfunc_end2:
_tile_overlayer_lowered:
.L_overlay_start_2:
0x3f: {  	(tag) =	ssettag $0x2  }
0x40: {  	s0 =	rddreg [dreg:$0x0];
	s2 =	stileid.u32  }
0x41: {  	s1 =	rddreg [dreg:$0x1];
	p0 =	sne.s32 s2, $0x0  }
0x42: {  	s3 =	rddreg [dreg:$0x2];
	[bflag:$0x3] =	sbarrier.arrive $0xFFFF;
	s2 =	simm.s32 @!p0 $0x1C02  }
0x43: {  	[timem:s3], [sflag:s2] =	dma.local @!p0 [hbm:s0], s1  }
0x44: {  	s0 =	simm.s32 @!p0 $0x2  }
0x45: {  	_ =	swait.ge @!p0 [sflag:s0], s1  }
0x46: {  	s1 =	ssub.s32 @!p0 $0x0, s1;
	[sflag:s0] =	ssyncset.done @!p0 $0x0  }
0x47: {  	[sflag:s0] =	ssyncadd.s32 @!p0 s1  }
0x48: {  	[bflag:$0x3] =	sbarrier.arrive $0xFFFF  }
0x49: {  	_ =	shalt  }

// kernel: kernel.29.cloned.1.call-start
scs
__scs_entry_jumppad:
0x0: {  	(pc) =	sbr.rel $0x88, $3  }
0x1: {  	(tag) =	ssettag $0x0;
	lr =	simm.s32 $0x1  }
0x2: {  	[smem:$0x3F7F] =	sst lr;
	_ =	strace $0xD0000000  }
0x3: {  	_ = 	snop  }
0x4: {  	_ = 	snop  }
0x5: {  	_ = 	snop  }
0x6: {  	_ = 	snop  }
0x7: {  	_ = 	snop  }
__scs_overlays_trampoline_lowered:
0x8: {  	[smem:$0x3F8E] =	sst s0  }
0x9: {  	[smem:$0x3F8F] =	sst s1  }
0xa: {  	[smem:$0x3F90] =	sst s2  }
0xb: {  	[smem:$0x3F91] =	sst s3  }
0xc: {  	[smem:$0x3F92] =	sst s4  }
0xd: {  	[smem:$0x3F93] =	sst s5  }
0xe: {  	[smem:$0x3F94] =	sst s6  }
0xf: {  	[smem:$0x3F95] =	sst s7  }
0x10: {  	[smem:$0x3F96] =	sst s8  }
0x11: {  	[smem:$0x3F97] =	sst s9;
	s0 =	simm.s32 @!p0 $0x0  }
0x12: {  	s1 =	sld [smem:$0x3F7D];
	s0 =	simm.s32 @p0 $0x1  }
0x13: {  	[smem:$0x3F98] =	sst s0;
	s0 =	simm.s32 @!p1 $0x0  }
0x14: {  	s2 =	sld [smem:$0x3F7C];
	s0 =	simm.s32 @p1 $0x1  }
0x15: {  	[smem:$0x3F99] =	sst s0;
	s0 =	simm.s32 @!p2 $0x0  }
0x16: {  	s3 =	sld [smem:$0x3FDB];
	s0 =	simm.s32 @p2 $0x1  }
0x17: {  	s4 =	simm.s32 $0x1BF5;
	[smem:$0x3F9B] =	sst s0  }
0x18: {  	s0 =	sld [smem:$0x3F7E];
	_ =	swait.ge [sflag:s4], $0x0  }
0x19: {  	s7 =	sld [smem:$0x3F7F]  }
0x1a: {  	s8 =	sadd.s32 $0xFFFFE003, lr  }
0x1b: {  	s9 =	sadd.s32 $0xFFFFFEF7, lr;
	s5 =	simm.s32 $0xFFFFFFFF;
	p2 =	slt.u32 s8, $0xFFFFF086  }
0x1c: {  	p1 =	slt.u32 s9, $0xF7A;
	s5 =	simm.s32 @!p2 $0x0  }
0x1d: {  	s5 =	simm.s32 @p1 $0x1;
	p0 =	seq.s32 s7, s2  }
0x1e: {  	s7 =	smul.u32 @!p0 $0xF7A, s2;
	p2 =	seq.s32 @!p0 s5, $0x0  }
0x1f: {  	s9 =	smul.u32 $0xF7A, s1;
	s8 =	simm.s32 @!p0 $0x1BF5;
	p2 =	por !p2, p0  }
0x20: {  	[sflag:s8] =	ssyncset.s32 @!p0 $0xFFFFF086;
	s6 =	sadd.s32 @!p0 s3, s7;
	s7 =	simm.s32 @!p0 $0x108  }
0x21: {  	s3 =	sadd.s32 s3, s9;
	s6 =	sadd.s32 @!p0 $0x88, s6;
	s7 =	simm.s32 @p2 $0x1082  }
0x22: {  	[simem:s7], [sflag:s8] =	dma.local @!p0 [hbm:s6], $0xF7A  }
0x23: {  	s9 =	sor.u32 $0xD0000000, s2;
	s6 =	simm.s32 $0x108;
	_ =	swait.ge @!p0 [sflag:s8], $0x0  }
0x24: {  	s3 =	sadd.s32 $0x88, s3;
	s6 =	simm.s32 @!p1 $0x1082;
	[sflag:s4] =	ssyncset.s32 $0xFFFFF086  }
0x25: {  	[simem:s6], [sflag:s4] =	dma.local [hbm:s3], $0xF7A  }
0x26: {  	[smem:$0x3F7F] =	sst s1;
	(tag) =	ssettag s2;
	_ =	strace s9  }
0x27: {  	s1 =	sld [smem:$0x3F8F]  }
0x28: {  	s2 =	sld [smem:$0x3F90]  }
0x29: {  	s4 =	sld [smem:$0x3F92]  }
0x2a: {  	p0 =	seq.s32 s5, $0x0;
	s5 =	sld [smem:$0x3F93]  }
0x2b: {  	s6 =	sld [smem:$0x3F94]  }
0x2c: {  	s7 =	sld [smem:$0x3F95]  }
0x2d: {  	s3 =	simm.s32 $0x108;
	s8 =	sld [smem:$0x3F96]  }
0x2e: {  	s3 =	simm.s32 @!p0 $0x1082;
	s9 =	sld [smem:$0x3F97]  }
0x2f: {  	lr =	sadd.s32 s0, s3;
	s0 =	sld [smem:$0x3F8E]  }
0x30: {  	s3 =	sld [smem:$0x3F91]  }
0x31: {  	[smem:$0x3F9A] =	sst s10  }
0x32: {  	s10 =	sld [smem:$0x3F98];
	_ =	sdelay $0x3  }
0x33: {  	p0 =	seq.s32 s10, $0x1;
	s10 =	sld [smem:$0x3F9A];
	_ =	sdelay $0x3  }
0x34: {  	[smem:$0x3F9A] =	sst s10  }
0x35: {  	s10 =	sld [smem:$0x3F99];
	_ =	sdelay $0x3  }
0x36: {  	p1 =	seq.s32 s10, $0x1;
	s10 =	sld [smem:$0x3F9A];
	_ =	sdelay $0x3  }
0x37: {  	[smem:$0x3F9A] =	sst s10  }
0x38: {  	s10 =	sld [smem:$0x3F9B]  }
0x39: {  	_ = 	snop;
	(pc) =	sbr.ind lr, $3  }
0x3a: {  	_ = 	snop  }
0x3b: {  	_ = 	snop  }
0x3c: {  	p2 =	seq.s32 s10, $0x1;
	s10 =	sld [smem:$0x3F9A]  }
0x3d: {  	_ =	shalt  }
0x3e: {  	_ =	shalt  }
0x3f: {  	_ =	shalt  }
0x40: {  	_ =	shalt  }
0x41: {  	_ =	shalt  }
0x42: {  	_ =	shalt  }
0x43: {  	_ =	shalt  }
0x44: {  	_ =	shalt  }
0x45: {  	_ =	shalt  }
0x46: {  	_ =	shalt  }
0x47: {  	_ =	shalt  }
0x48: {  	_ =	shalt  }
0x49: {  	_ =	shalt  }
0x4a: {  	_ =	shalt  }
0x4b: {  	_ =	shalt  }
0x4c: {  	_ =	shalt  }
0x4d: {  	_ =	shalt  }
0x4e: {  	_ =	shalt  }
0x4f: {  	_ =	shalt  }
0x50: {  	_ =	shalt  }
0x51: {  	_ =	shalt  }
0x52: {  	_ =	shalt  }
0x53: {  	_ =	shalt  }
0x54: {  	_ =	shalt  }
0x55: {  	_ =	shalt  }
0x56: {  	_ =	shalt  }
0x57: {  	_ =	shalt  }
0x58: {  	_ =	shalt  }
0x59: {  	_ =	shalt  }
0x5a: {  	_ =	shalt  }
0x5b: {  	_ =	shalt  }
0x5c: {  	_ =	shalt  }
0x5d: {  	_ =	shalt  }
0x5e: {  	_ =	shalt  }
0x5f: {  	_ =	shalt  }
0x60: {  	_ =	shalt  }
0x61: {  	_ =	shalt  }
0x62: {  	_ =	shalt  }
0x63: {  	_ =	shalt  }
0x64: {  	_ =	shalt  }
0x65: {  	_ =	shalt  }
0x66: {  	_ =	shalt  }
0x67: {  	_ =	shalt  }
0x68: {  	_ =	shalt  }
0x69: {  	_ =	shalt  }
0x6a: {  	_ =	shalt  }
0x6b: {  	_ =	shalt  }
0x6c: {  	_ =	shalt  }
0x6d: {  	_ =	shalt  }
0x6e: {  	_ =	shalt  }
0x6f: {  	_ =	shalt  }
0x70: {  	_ =	shalt  }
0x71: {  	_ =	shalt  }
0x72: {  	_ =	shalt  }
0x73: {  	_ =	shalt  }
0x74: {  	_ =	shalt  }
0x75: {  	_ =	shalt  }
0x76: {  	_ =	shalt  }
0x77: {  	_ =	shalt  }
0x78: {  	_ =	shalt  }
0x79: {  	_ =	shalt  }
0x7a: {  	_ =	shalt  }
0x7b: {  	_ =	shalt  }
0x7c: {  	_ =	shalt  }
0x7d: {  	_ =	shalt  }
0x7e: {  	_ =	shalt  }
0x7f: {  	_ =	shalt  }
0x80: {  	_ =	shalt  }
0x81: {  	_ =	shalt  }
0x82: {  	_ =	shalt  }
0x83: {  	_ =	shalt  }
0x84: {  	_ =	shalt  }
0x85: {  	_ =	shalt  }
0x86: {  	_ =	shalt  }
0x87: {  	_ =	shalt  }
.Lfunc_end0:
.L_simem_size_0:
called_computation.4_lowered:
.L_overlay_start_0:
0x88: {  	s2 =	sld [smem:$0x3FD9]  }
0x89: {  	s3 =	sld [smem:$0x3FFE];
	_ =	sdelay $0x1  }
0x8a: {  	s1 =	srdreg.scid  }
0x8b: {  	s0 =	sand.u32 $0x1, s1  }
0x8c: {  	s16 =	sshll.u32 s0, $0xA;
	s2 =	sadd.s32 s3, s2  }
0x8d: {  	s2 =	sadd.s32 s2, s16  }
0x8e: {  	[smem:$0x3FA6] =	sst s2  }
0x8f: {  	_ = 	snop  }
0x90: {  	(tm) =	ssettm $0x1  }
0x91: {  	s17 =	sld [smem:$0x3FFB];
	_ =	sdelay $0x3  }
0x92: {  	_ =	strace s17  }
0x93: {  	s2 =	sld [smem:$0x3FFC];
	_ =	sdelay $0x3  }
0x94: {  	_ =	strace s2  }
0x95: {  	s2 =	sld [smem:$0x3FFD];
	_ =	sdelay $0x3  }
0x96: {  	_ =	strace s2  }
0x97: {  	_ =	strace $0x8FFFFFFF  }
0x98: {  	s18 =	sld [smem:$0x3FDB];
	_ =	sdelay $0x1  }
0x99: {  	s19 =	simm.s32 $_scs_section_size  }
0x9a: {  	s4 =	simm.s32 $_size__tile_overlayer_lowered;
	s5 =	simm.s32 $_tile_overlayer_lowered  }
0x9b: {  	s22 =	simm.s32 $0x1BFF;
	s21 =	sshll.u32 s5, $0x1;
	s2 =	sadd.s32 s19, s18  }
0x9c: {  	s6 =	simm.s32 $0x0;
	s20 =	sshll.u32 s4, $0x1;
	s4 =	sadd.s32 s21, s2  }
0x9d: {  	[timem:s6], [sflag:s22] =	dma.local [hbm:s4], s20  }
0x9e: {  	_ =	swait.ge [sflag:s22], s20  }
0x9f: {  	s3 =	ssub.s32 $0x0, s20;
	[sflag:s22] =	ssyncset.done $0x0  }
0xa0: {  	[sflag:s22] =	ssyncadd.s32 s3;
	_ =	sdelay $0x1  }
0xa1: {  	s23 =	simm.s32 $0x1B8B  }
0xa2: {  	_ =	swait.ge [sflag:s23], $0x1  }
0xa3: {  	[sflag:s23] =	ssyncset.done $0x0  }
0xa4: {  	s25 =	simm.s32 $0x1B8E;
	s24 =	sld [smem:$0x3FFE];
	[sflag:s23] =	ssyncadd.s32 $0xFFFFFFFF  }
0xa5: {  	s26 =	simm.s32 $execute0_lowered;
	[smem:$0x3FD2] =	sst s25  }
0xa6: {  	s4 =	sshll.u32 s26, $0x1;
	_ =	strace $0x80000052;
	[dreg:$0x1] =	wrdreg $0xFFFFFFFF  }
0xa7: {  	s28 =	simm.s32 $_size_execute0_lowered;
	s2 =	sadd.s32 s2, s4;
	[dreg:$0x0] =	wrdreg $0x0  }
0xa8: {  	s4 =	sshll.u32 s28, $0x1;
	[dreg:$0x2] =	wrdreg s2  }
0xa9: {  	[dreg:$0x3] =	wrdreg s4  }
0xaa: {  	[dreg:$0x4] =	wrdreg $0xC0  }
0xab: {  	_ =	task [dreg:s6], $0x5FFFF  }
0xac: {  	[dreg:$0x1] =	wrdreg $0xFFFFFFFF  }
0xad: {  	[dreg:$0x0] =	wrdreg $0x60  }
0xae: {  	[dreg:$0x2] =	wrdreg s24  }
0xaf: {  	[dreg:$0x3] =	wrdreg $0x90000  }
0xb0: {  	[dreg:$0x4] =	wrdreg $0x9  }
0xb1: {  	_ =	task.clear_ibuf [dreg:s6], $0x5FFFF;
	_ =	strace $0x90000052  }
0xb2: {  	s29 =	simm.s32 $0x9;
	_ =	strace $0x80000054  }
0xb3: {  	_ =	swait.ge [sflag:s29], $0x1  }
0xb4: {  	[sflag:s29] =	ssyncadd.s32 $0xFFFFFFFF  }
0xb5: {  	_ =	strace $0x90000054  }
0xb6: {  	_ =	sfence  }
0xb7: {  	s30 =	sld [smem:$0x0];
	_ =	sdelay $0x2  }
0xb8: {  	s31 =	sshll.u32 s1, $0xD;
	s1 =	sshrl.u32 s1, $0x2  }
0xb9: {  	s3 =	sand.u32 $0x4000, s31;
	s1 =	sadd.s32 s1, s30  }
0xba: {  	s0 =	sor.u32 s3, s0;
	s1 =	sshll.u32 s1, $0x11  }
0xbb: {  	s0 =	sor.u32 s1, s0  }
0xbc: {  	s0 =	sadd.s32 $0x8F2B, s0  }
0xbd: {  	[sflag:s0] =	ssyncadd.remote.s32 $0x1  }
0xbe: {  	_ =	sfence.sel $0xFFFF  }
0xbf: {  	[dreg:$0x0] =	wrdreg $0xFFFFFFFF;
	(pc) =	sbr.abs _section_cstart, $3  }
0xc0: {  	[dreg:$0x1] =	wrdreg $0xFFFFFFFF  }
0xc1: {  	_ =	task.clear_ibuf [dreg:s6], $0x2FFFF;
	_ =	strace $0x9FFFFFFF  }
0xc2: {  	(tm) =	ssettm $0x7FFFFFFF  }
0xc3: {  	_ =	shalt  }
tec
execute0_lowered:
.L_overlay_start_1:
0x0: {  	(tag) =	ssettag $0x1  }
0x1: {  	s6 =	rddreg [dreg:$0x0]  }
0x2: {  	s0 =	srdreg.scid;
	s2 =	rddreg [dreg:$0x1]  }
0x3: {  	s3 =	simm.s32 $0x0;
	s14 =	simm.s32 $0x80;
	s15 =	simm.s32 $0x5000  }
0x4: {  	s16 =	simm.s32 $0x1;
	s5 =	sand.u32 $0x1, s0;
	s0 =	stileid.u32  }
0x5: {  	s17 =	simm.s32 $0x0;
	[smem:$0x7FF] =	sst s3;
	s8 =	smul.u32 $0x140000, s5  }
0x6: {  	s4 =	sadd.s32 $0x1C000, s6;
	s1 =	sshll.u32 s5, $0x4;
	s9 =	smul.u32 $0x14000, s0  }
0x7: {  	s30 =	ssub.s32 $0x2, s5;
	s11 =	smul.u32 $0x50000, s0;
	s5 =	sadd.s32 $0xBC000, s6  }
0x8: {  	s12 =	sshll.u32 s0, $0x6;
	s1 =	sor.u32 s0, s1;
	s10 =	sshrl.u32 s30, $0x1  }
0x9: {  	s12 =	sor.u32 $0x1C02, s12;
	s7 =	smul.u32 $0x500, s1;
	s1 =	rddreg [dreg:$0x2]  }
0xa: {  	_ =	strace $0x80000053;
	s8 =	sadd.s32 s9, s8;
	s9 =	ssub.s32 s30, s10  }
0xb: {  	s31 =	sshrl.u32 s11, $0x2;
	s10 =	simm.s32 $0x2;
	s11 =	simm.s32 $0x2800  }
0xc: {  	s8 =	sshrl.u32 s8, $0x3;
	s13 =	sadd.s32 s31, s2;
	s9 =	smax.u32 s9, $0x1  }
0xd: {  	s7 =	sadd.s32 s7, s6;
	s8 =	sadd.s32 s8, s6;
	s13 =	sshrl.u32 s13, $0x3  }
0xe: {  	s6 =	sadd.s32 $0x8000, s7;
	s7 =	sadd.s32 $0x12000, s7;
	s8 =	sadd.s32 $0xBE800, s8  }
.LBB2_1:
0xf: {  	[tilespmem:s3], [sflag:$0x2] =	stream.linear.gather [hbm4b:s6+s3], $0x2780, $0x38;
	[tilespmem:$0x1D000] =	vst v63  }
0x10: {  	_ =	swait.ge [sflag:s10], $0x2780  }
0x11: {  	[sflag:s10] =	ssyncset.done $0x0  }
0x12: {  	[sflag:s10] =	ssyncadd.s32 $0xFFFFD880  }
0x13: {  	[tilespmem:s11], [sflag:$0x2] =	stream.linear.gather [hbm4b:s7+s3], $0x2780, $0x38;
	[tilespmem:$0x1D000] =	vst v63  }
0x14: {  	_ =	swait.ge [sflag:s10], $0x2780  }
0x15: {  	[sflag:s10] =	ssyncset.done $0x0  }
0x16: {  	[sflag:s10] =	ssyncadd.s32 $0xFFFFD880  }
0x17: {  	[spmem:s13], [sflag:s12] =	dma.local [hbm:s5], $0x2800  }
0x18: {  	_ =	swait.ge [sflag:s10], $0x2800  }
0x19: {  	[sflag:s10] =	ssyncset.done $0x0  }
0x1a: {  	[sflag:s10] =	ssyncadd.s32 $0xFFFFD800  }
0x1b: {  	s18 =	simm.s32 $0x0;
	[bflag:$0x0] =	sbarrier.arrive $0xFFFF  }
0x1c: {  	[tilespmem:s15], [sflag:$0x1] =	stream.indirect.gather [hbm4b:s4+s14], $0x80, s18, s14, $0xb8;
	[tilespmem:$0x1D000] =	vst v63  }
0x1d: {  	_ =	swait.ge [sflag:s16], $0x4000  }
0x1e: {  	[sflag:s16] =	ssyncset.done $0x0  }
0x1f: {  	s31 =	simm.s32 $0x2800;
	[sflag:s16] =	ssyncadd.s32 $0xFFFFC000  }
0x20: {  	[spmem:s2] =	stream.indirect.scatter.add.f32 [tilespmem:s15], [sflag:$0x2], $0x80, s31, s14, $0xb8;
	[tilespmem:$0x1D000] =	vst v63  }
0x21: {  	_ =	swait.ge [sflag:s10], $0x4000  }
0x22: {  	s19 =	simm.s32 $0x400;
	s18 =	simm.s32 $0x200;
	[sflag:s10] =	ssyncset.done $0x0  }
.LBB2_2:
0x23: {  	s20 =	sshra.s32 s18, $0x2  }
0x24: {  	[sflag:s10] =	ssyncadd.s32 $0xFFFFC000;
	s18 =	smov.u32 s19;
	s21 =	sadd.s32 $0x200, s19  }
0x25: {  	[tilespmem:s15], [sflag:$0x1] =	stream.indirect.gather [hbm4b:s4+s14], $0x80, s20, s14, $0xb8;
	[tilespmem:$0x1D000] =	vst v63  }
0x26: {  	p0 =	sne.s32 s19, $0x9C00;
	_ =	swait.ge [sflag:s16], $0x4000  }
.Ltmp0:
0x27: {  	[sflag:s16] =	ssyncset.done $0x0;
	(pc) =	sbr.rel @p0 .LBB2_2-.Ltmp0, $4  }
0x28: {  	s19 =	sadd.s32 $0x2800, s20;
	[sflag:s16] =	ssyncadd.s32 $0xFFFFC000  }
0x29: {  	[spmem:s2] =	stream.indirect.scatter.add.f32 [tilespmem:s15], [sflag:$0x2], $0x80, s19, s14, $0xb8;
	[tilespmem:$0x1D000] =	vst v63  }
0x2a: {  	_ =	swait.ge [sflag:s10], $0x4000  }
0x2b: {  	s19 =	smov.u32 s21;
	[sflag:s10] =	ssyncset.done $0x0  }
0x2c: {  	s18 =	sshra.s32 s18, $0x2;
	[sflag:s10] =	ssyncadd.s32 $0xFFFFC000  }
0x2d: {  	[tilespmem:s15], [sflag:$0x1] =	stream.indirect.gather [hbm4b:s4+s14], $0x80, s18, s14, $0xb8;
	[tilespmem:$0x1D000] =	vst v63  }
0x2e: {  	_ =	swait.ge [sflag:s16], $0x4000  }
0x2f: {  	[sflag:s16] =	ssyncset.done $0x0  }
0x30: {  	s18 =	sadd.s32 $0x2800, s18;
	[sflag:s16] =	ssyncadd.s32 $0xFFFFC000  }
0x31: {  	[spmem:s2] =	stream.indirect.scatter.add.f32 [tilespmem:s15], [sflag:$0x2], $0x80, s18, s14, $0xb8;
	[tilespmem:$0x1D000] =	vst v63  }
0x32: {  	_ =	swait.ge [sflag:s10], $0x4000  }
0x33: {  	s17 =	sadd.s32 $0x1, s17;
	[sflag:s10] =	ssyncset.done $0x0  }
0x34: {  	p0 =	sne.s32 s17, s9;
	[sflag:s10] =	ssyncadd.s32 $0xFFFFC000  }
.Ltmp1:
0x35: {  	[bflag:$0x0] =	sbarrier.arrive $0xFFFF;
	(pc) =	sbr.rel @p0 .LBB2_1-.Ltmp1, $4  }
0x36: {  	[hbm:s8], [sflag:s12] =	dma.local [spmem:s13], $0x2800  }
0x37: {  	_ =	swait.ge [sflag:s10], $0x2800  }
0x38: {  	[sflag:s10] =	ssyncset.done $0x0  }
0x39: {  	[sflag:s10] =	ssyncadd.s32 $0xFFFFD800  }
0x3a: {  	_ =	sfence.sel $0x180000  }
0x3b: {  	[bflag:$0x0] =	sbarrier.arrive $0xFFFF  }
0x3c: {  	p0 =	sne.s32 s0, $0x0;
	_ =	strace $0x90000053  }
0x3d: {  	s0 =	sadd.s32 @!p0 $0x100000, s1;
	[bflag:$0x2] =	sbarrier.arrive $0xFFFF  }
0x3e: {  	[sflag:s0] =	ssyncadd.tile.s32 @!p0 $0x1;
	_ =	shalt  }
.Lfunc_end2:
_tile_overlayer_lowered:
.L_overlay_start_2:
0x3f: {  	(tag) =	ssettag $0x2  }
0x40: {  	s0 =	rddreg [dreg:$0x0];
	s2 =	stileid.u32  }
0x41: {  	s1 =	rddreg [dreg:$0x1];
	p0 =	sne.s32 s2, $0x0  }
0x42: {  	s3 =	rddreg [dreg:$0x2];
	[bflag:$0x3] =	sbarrier.arrive $0xFFFF;
	s2 =	simm.s32 @!p0 $0x1C02  }
0x43: {  	[timem:s3], [sflag:s2] =	dma.local @!p0 [hbm:s0], s1  }
0x44: {  	s0 =	simm.s32 @!p0 $0x2  }
0x45: {  	_ =	swait.ge @!p0 [sflag:s0], s1  }
0x46: {  	s1 =	ssub.s32 @!p0 $0x0, s1;
	[sflag:s0] =	ssyncset.done @!p0 $0x0  }
0x47: {  	[sflag:s0] =	ssyncadd.s32 @!p0 s1  }
0x48: {  	[bflag:$0x3] =	sbarrier.arrive $0xFFFF  }
0x49: {  	_ =	shalt  }

</sc_bundles>
